<compile_context>
chip_gen: v7x
topology: tpu7x:2x2x1
jax: 0.10.2.dev20260603
libtpu: 0.0.44.dev20260713+nightly
codegen_flags: <defaults>
</compile_context>

<pallas_src>
import jax
import jax.numpy as jnp
from jax import lax
from jax.experimental import pallas as pl
from jax.experimental.pallas import tpu as pltpu
from jax.experimental.pallas import tpu_sc as plsc

_N_FREQ = 1024
_N_TIME = 2048
_CHUNK = 128
_NCHUNK = _N_FREQ // _CHUNK

_NC = 2
_NS = 16
_NW = _NC * _NS

_TB = 32
_NBUF = 2


def _dispersion_curve():
    freq_indices = jnp.linspace(0.0, 1.0, _N_FREQ)
    freq_ghz = 1.0 + freq_indices * 0.5
    d = 1.0 / freq_ghz ** 2 - 1.0 / jnp.max(freq_ghz) ** 2
    d = d / (jnp.max(d) + 1e-08)
    return d * (_N_TIME * 0.2)


def _splat(v):
    return jnp.full((16,), v, jnp.int32)


def _dedisperse_sc(x3, shifts, batch, n_pol, n_dm):
    t_rows_out = batch * n_dm * n_pol * _N_TIME
    t_per_w = t_rows_out // _NW
    nblk = t_per_w // _TB
    n_shift = batch * n_dm * _NCHUNK

    mesh = plsc.VectorSubcoreMesh(core_axis_name="c", subcore_axis_name="s")

    def body(x_hbm, sh_hbm, out_hbm, sh_v, idx_v, buf_v, sem_g):
        wid = lax.axis_index("s") * _NC + lax.axis_index("c")
        pltpu.sync_copy(sh_hbm, sh_v)
        out_base = wid * t_per_w
        page = out_base // _N_TIME
        p_ = lax.rem(page, n_pol)
        bd = page // n_pol
        b_ = bd // n_dm
        in_base = (b_ * n_pol + p_) * _N_TIME
        s_base = bd * _NCHUNK
        t_base = lax.rem(out_base, _N_TIME)

        lane = lax.iota(jnp.int32, 16)
        tmask = _splat(_N_TIME - 1)
        in_base_v = _splat(in_base)
        u = []
        for c in range(_NCHUNK):
            s_c = plsc.load_gather(sh_v, [_splat(s_base + c)])
            u.append([_splat(t_base + h * 16) + lane + s_c
                      for h in range(_TB // 16)])

        def start_gathers(slot, kk):
            off = _splat(kk * _TB)
            for c in range(_NCHUNK):
                for h in range(_TB // 16):
                    tin = (u[c][h] + off) & tmask
                    idx_v[slot, c, pl.ds(h * 16, 16)] = in_base_v + tin
            for c in range(_NCHUNK):
                pltpu.async_copy(
                    x_hbm.at[idx_v.at[slot, c], pl.ds(c * _CHUNK, _CHUNK)],
                    buf_v.at[slot].at[:, pl.ds(c * _CHUNK, _CHUNK)],
                    sem_g[slot])

        def wait_gathers(slot):
            pltpu.make_async_copy(
                x_hbm.at[idx_v.at[slot, 0], :],
                buf_v.at[slot],
                sem_g[slot]).wait()

        def write(slot, kk):
            pltpu.sync_copy(
                buf_v.at[slot],
                out_hbm.at[pl.ds(out_base + kk * _TB, _TB)])

        start_gathers(0, 0)

        def grp(k2, carry):
            k0 = k2 * 2
            start_gathers(1, k0 + 1)
            wait_gathers(0)
            write(0, k0)
            start_gathers(0, k0 + 2)
            wait_gathers(1)
            write(1, k0 + 1)
            return carry

        lax.fori_loop(0, nblk // 2 - 1, grp, 0)
        start_gathers(1, nblk - 1)
        wait_gathers(0)
        write(0, nblk - 2)
        wait_gathers(1)
        write(1, nblk - 1)

    f = pl.kernel(
        body,
        out_type=jax.ShapeDtypeStruct((t_rows_out, _N_FREQ), jnp.float32),
        mesh=mesh,
        compiler_params=pltpu.CompilerParams(needs_layout_passes=False),
        scratch_types=[
            pltpu.VMEM((n_shift,), jnp.int32),
            pltpu.VMEM((_NBUF, _NCHUNK, _TB), jnp.int32),
            pltpu.VMEM((_NBUF, _TB, _N_FREQ), jnp.float32),
            [pltpu.SemaphoreType.DMA] * _NBUF,
        ],
    )
    return f(x3, shifts)


def kernel(x, dm_values):
    batch, n_pol, n_time, n_freq = x.shape
    n_dm = dm_values.shape[1]
    disp = _dispersion_curve()
    delays = dm_values[:, :, None] * disp[None, None, :]

    avg = (delays.reshape(batch, n_dm, _NCHUNK, _CHUNK).mean(-1)
           .astype(jnp.int32).reshape(-1))
    shifts = lax.rem(jnp.maximum(avg, 0), jnp.int32(n_time))

    x3 = x.reshape(batch * n_pol * n_time, n_freq)
    out3 = _dedisperse_sc(x3, shifts, batch, n_pol, n_dm)
    out = out3.reshape(batch, n_dm, n_pol, n_time, n_freq)
    return (out, delays)

# --- scband reference (transcript-rebuilt; emitter-appended) ---
"""Pipeline reference for scband-dynamic-dedispersion-layer-13537736917686 (READ-ONLY COPY).

The authoritative reference and input builder live on the scoring server;
editing this copy changes nothing except your own understanding.
"""

import jax, jax.numpy as jnp
import numpy as np

N_FREQ = 1024
N_TIME = 2048
CHUNK = 128


def _dispersion_factor(n_freq, n_time):
    freq_indices = jnp.linspace(0.0, 1.0, n_freq)
    freq_ghz = 1.0 + freq_indices * 0.5
    d = 1.0 / freq_ghz ** 2 - 1.0 / jnp.max(freq_ghz) ** 2
    d = d / (jnp.max(d) + 1e-08)
    return d * (n_time * 0.2)


def setup_inputs(seed: int = 0) -> dict:
    key = jax.random.key(seed)
    k1, k2 = jax.random.split(key)
    x = jax.random.normal(k1, (2, 2, N_TIME, N_FREQ), dtype=jnp.float32)
    dm_values = jax.random.uniform(k2, (2, 4), dtype=jnp.float32)
    return {"x": x, "dm_values": dm_values}


def reference(x, dm_values):
    batch_size, n_pol, n_time, n_freq = x.shape
    n_dm_trials = dm_values.shape[1]
    disp = _dispersion_factor(N_FREQ, N_TIME)
    delays = dm_values[:, :, None] * disp[None, None, :]
    dedispersed_list = []
    for dm_idx in range(n_dm_trials):
        batch_dedispersed = []
        for b in range(batch_size):
            shifted = x[b:b + 1]
            sample_delays = delays[b, dm_idx]
            for fs in range(0, n_freq, CHUNK):
                fe = min(fs + CHUNK, n_freq)
                avg_delay = sample_delays[fs:fe].mean().astype(jnp.int32)
                eff_delay = jnp.where(avg_delay > 0, avg_delay, 0)
                shifted = shifted.at[:, :, :, fs:fe].set(
                    jnp.roll(shifted[:, :, :, fs:fe], shift=-eff_delay, axis=2))
            batch_dedispersed.append(shifted)
        dedispersed_list.append(jnp.concatenate(batch_dedispersed, axis=0))
    dedispersed_data = jnp.stack(dedispersed_list, axis=1)
    return (dedispersed_data, delays)

if __name__ == "__main__":
    import jax
    _d = setup_inputs()
    print(jax.jit(kernel)(*tuple(_d.values())))

</pallas_src>

<mosaic_0001>
#map = affine_map<(d0, d1) -> (0, 0)>
#map1 = affine_map<(d0, d1) -> (0)>
module attributes {stable_mosaic.version = 14 : i64} {
  func.func @body(%arg0: i32, %arg1: i32, %arg2: memref<8192x1024xf32, #tpu.memory_space<hbm>>, %arg3: memref<64xi32, #tpu.memory_space<hbm>>, %arg4: memref<32768x1024xf32, #tpu.memory_space<hbm>>, %arg5: memref<64xi32, #tpu.memory_space<vmem>>, %arg6: memref<2x8x32xi32, #tpu.memory_space<vmem>>, %arg7: memref<2x32x1024xf32, #tpu.memory_space<vmem>>, %arg8: memref<!tpu.dma_semaphore, #tpu.memory_space<semaphore_mem>>, %arg9: memref<!tpu.dma_semaphore, #tpu.memory_space<semaphore_mem>>) attributes {dimension_semantics = [#tpu.dimension_semantics<core_parallel>, #tpu.dimension_semantics<subcore_parallel>], iteration_bounds = array<i64: 2, 16>, scalar_prefetch = 0 : i64, scratch_operands = 5 : i64, tpu.core_type = #tpu.core_type<sc_vector_subcore>, window_params = [{transform_indices = #map}, {transform_indices = #map1}, {transform_indices = #map}]} {
    %mul3A = arith.constant 2 : i32
    %mul3A_0 = arith.muli %arg1, %mul3A : i32
    %add3A = arith.addi %mul3A_0, %arg0 : i32
    "tpu.region"() ({
      %run_scoped3A_772 = tpu.sem_alloc : memref<!tpu.dma_semaphore, #tpu.memory_space<semaphore_mem>>
      tpu.enqueue_dma source(%arg3 : memref<64xi32, #tpu.memory_space<hbm>>) target(%arg5 : memref<64xi32, #tpu.memory_space<vmem>>) target_semaphore(%run_scoped3A_772 : memref<!tpu.dma_semaphore, #tpu.memory_space<semaphore_mem>>)
      tpu.wait_dma2 semaphore(%run_scoped3A_772 : memref<!tpu.dma_semaphore, #tpu.memory_space<semaphore_mem>>) src(%arg3 : memref<64xi32, #tpu.memory_space<hbm>>) dst(%arg5 : memref<64xi32, #tpu.memory_space<vmem>>)
      tpu.yield
    }) : () -> ()
    %mul3A_1 = arith.constant 1024 : i32
    %mul3A_2 = arith.muli %add3A, %mul3A_1 : i32
    %jit3A = arith.constant 2048 : i32
    %div3A = arith.divsi %mul3A_2, %jit3A : i32
    %sign3A = arith.constant 0 : i32
    %sign3A_3 = arith.cmpi sgt, %mul3A_2, %sign3A : i32
    %sign3A_4 = arith.extui %sign3A_3 : i1 to i32
    %sign3A_5 = arith.constant 0 : i32
    %sign3A_6 = arith.cmpi slt, %mul3A_2, %sign3A_5 : i32
    %sign3A_7 = arith.extui %sign3A_6 : i1 to i32
    %sign3A_8 = arith.subi %sign3A_4, %sign3A_7 : i32
    %sign3A_9 = arith.constant 0 : i32
    %sign3A_10 = arith.cmpi sgt, %jit3A, %sign3A_9 : i32
    %sign3A_11 = arith.extui %sign3A_10 : i1 to i32
    %sign3A_12 = arith.constant 0 : i32
    %sign3A_13 = arith.cmpi slt, %jit3A, %sign3A_12 : i32
    %sign3A_14 = arith.extui %sign3A_13 : i1 to i32
    %sign3A_15 = arith.subi %sign3A_11, %sign3A_14 : i32
    %ne3A = arith.cmpi ne, %sign3A_8, %sign3A_15 : i32
    %rem3A = arith.remsi %mul3A_2, %jit3A : i32
    %ne3A_16 = arith.constant 0 : i32
    %ne3A_17 = arith.cmpi ne, %rem3A, %ne3A_16 : i32
    %and3A = arith.andi %ne3A, %ne3A_17 : i1
    %sub3A = arith.constant 1 : i32
    %sub3A_18 = arith.subi %div3A, %sub3A : i32
    %select_n3A = arith.select %and3A, %sub3A_18, %div3A : i32
    %rem3A_19 = arith.constant 2 : i32
    %rem3A_20 = arith.remsi %select_n3A, %rem3A_19 : i32
    %jit3A_21 = arith.constant 2 : i32
    %div3A_22 = arith.divsi %select_n3A, %jit3A_21 : i32
    %sign3A_23 = arith.constant 0 : i32
    %sign3A_24 = arith.cmpi sgt, %select_n3A, %sign3A_23 : i32
    %sign3A_25 = arith.extui %sign3A_24 : i1 to i32
    %sign3A_26 = arith.constant 0 : i32
    %sign3A_27 = arith.cmpi slt, %select_n3A, %sign3A_26 : i32
    %sign3A_28 = arith.extui %sign3A_27 : i1 to i32
    %sign3A_29 = arith.subi %sign3A_25, %sign3A_28 : i32
    %sign3A_30 = arith.constant 0 : i32
    %sign3A_31 = arith.cmpi sgt, %jit3A_21, %sign3A_30 : i32
    %sign3A_32 = arith.extui %sign3A_31 : i1 to i32
    %sign3A_33 = arith.constant 0 : i32
    %sign3A_34 = arith.cmpi slt, %jit3A_21, %sign3A_33 : i32
    %sign3A_35 = arith.extui %sign3A_34 : i1 to i32
    %sign3A_36 = arith.subi %sign3A_32, %sign3A_35 : i32
    %ne3A_37 = arith.cmpi ne, %sign3A_29, %sign3A_36 : i32
    %rem3A_38 = arith.remsi %select_n3A, %jit3A_21 : i32
    %ne3A_39 = arith.constant 0 : i32
    %ne3A_40 = arith.cmpi ne, %rem3A_38, %ne3A_39 : i32
    %and3A_41 = arith.andi %ne3A_37, %ne3A_40 : i1
    %sub3A_42 = arith.constant 1 : i32
    %sub3A_43 = arith.subi %div3A_22, %sub3A_42 : i32
    %select_n3A_44 = arith.select %and3A_41, %sub3A_43, %div3A_22 : i32
    %jit3A_45 = arith.constant 4 : i32
    %div3A_46 = arith.divsi %select_n3A_44, %jit3A_45 : i32
    %sign3A_47 = arith.constant 0 : i32
    %sign3A_48 = arith.cmpi sgt, %select_n3A_44, %sign3A_47 : i32
    %sign3A_49 = arith.extui %sign3A_48 : i1 to i32
    %sign3A_50 = arith.constant 0 : i32
    %sign3A_51 = arith.cmpi slt, %select_n3A_44, %sign3A_50 : i32
    %sign3A_52 = arith.extui %sign3A_51 : i1 to i32
    %sign3A_53 = arith.subi %sign3A_49, %sign3A_52 : i32
    %sign3A_54 = arith.constant 0 : i32
    %sign3A_55 = arith.cmpi sgt, %jit3A_45, %sign3A_54 : i32
    %sign3A_56 = arith.extui %sign3A_55 : i1 to i32
    %sign3A_57 = arith.constant 0 : i32
    %sign3A_58 = arith.cmpi slt, %jit3A_45, %sign3A_57 : i32
    %sign3A_59 = arith.extui %sign3A_58 : i1 to i32
    %sign3A_60 = arith.subi %sign3A_56, %sign3A_59 : i32
    %ne3A_61 = arith.cmpi ne, %sign3A_53, %sign3A_60 : i32
    %rem3A_62 = arith.remsi %select_n3A_44, %jit3A_45 : i32
    %ne3A_63 = arith.constant 0 : i32
    %ne3A_64 = arith.cmpi ne, %rem3A_62, %ne3A_63 : i32
    %and3A_65 = arith.andi %ne3A_61, %ne3A_64 : i1
    %sub3A_66 = arith.constant 1 : i32
    %sub3A_67 = arith.subi %div3A_46, %sub3A_66 : i32
    %select_n3A_68 = arith.select %and3A_65, %sub3A_67, %div3A_46 : i32
    %mul3A_69 = arith.constant 2 : i32
    %mul3A_70 = arith.muli %select_n3A_68, %mul3A_69 : i32
    %add3A_71 = arith.addi %mul3A_70, %rem3A_20 : i32
    %mul3A_72 = arith.constant 2048 : i32
    %mul3A_73 = arith.muli %add3A_71, %mul3A_72 : i32
    %mul3A_74 = arith.constant 8 : i32
    %mul3A_75 = arith.muli %select_n3A_44, %mul3A_74 : i32
    %rem3A_76 = arith.constant 2048 : i32
    %rem3A_77 = arith.remsi %mul3A_2, %rem3A_76 : i32
    %iota3A = tpu.iota {dimensions = array<i32: 0>} : vector<16xi32>
    %broadcast_in_dim3A = arith.constant 2047 : i32
    %broadcast_in_dim3A_78 = vector.broadcast %broadcast_in_dim3A : i32 to vector<16xi32>
    %broadcast_in_dim3A_79 = vector.broadcast %mul3A_73 : i32 to vector<16xi32>
    %add3A_80 = arith.constant 0 : i32
    %add3A_81 = arith.addi %mul3A_75, %add3A_80 : i32
    %broadcast_in_dim3A_82 = vector.broadcast %add3A_81 : i32 to vector<16xi32>
    %gather3A = tpu.vector_load_idx %arg5[%broadcast_in_dim3A_82] : memref<64xi32, #tpu.memory_space<vmem>>[vector<16xi32>], vector<16xi32>,
    %add3A_83 = arith.constant 0 : i32
    %add3A_84 = arith.addi %rem3A_77, %add3A_83 : i32
    %broadcast_in_dim3A_85 = vector.broadcast %add3A_84 : i32 to vector<16xi32>
    %add3A_86 = arith.addi %broadcast_in_dim3A_85, %iota3A : vector<16xi32>
    %add3A_87 = arith.addi %add3A_86, %gather3A : vector<16xi32>
    %add3A_88 = arith.constant 16 : i32
    %add3A_89 = arith.addi %rem3A_77, %add3A_88 : i32
    %broadcast_in_dim3A_90 = vector.broadcast %add3A_89 : i32 to vector<16xi32>
    %add3A_91 = arith.addi %broadcast_in_dim3A_90, %iota3A : vector<16xi32>
    %add3A_92 = arith.addi %add3A_91, %gather3A : vector<16xi32>
    %add3A_93 = arith.constant 1 : i32
    %add3A_94 = arith.addi %mul3A_75, %add3A_93 : i32
    %broadcast_in_dim3A_95 = vector.broadcast %add3A_94 : i32 to vector<16xi32>
    %gather3A_96 = tpu.vector_load_idx %arg5[%broadcast_in_dim3A_95] : memref<64xi32, #tpu.memory_space<vmem>>[vector<16xi32>], vector<16xi32>,
    %add3A_97 = arith.constant 0 : i32
    %add3A_98 = arith.addi %rem3A_77, %add3A_97 : i32
    %broadcast_in_dim3A_99 = vector.broadcast %add3A_98 : i32 to vector<16xi32>
    %add3A_100 = arith.addi %broadcast_in_dim3A_99, %iota3A : vector<16xi32>
    %add3A_101 = arith.addi %add3A_100, %gather3A_96 : vector<16xi32>
    %add3A_102 = arith.constant 16 : i32
    %add3A_103 = arith.addi %rem3A_77, %add3A_102 : i32
    %broadcast_in_dim3A_104 = vector.broadcast %add3A_103 : i32 to vector<16xi32>
    %add3A_105 = arith.addi %broadcast_in_dim3A_104, %iota3A : vector<16xi32>
    %add3A_106 = arith.addi %add3A_105, %gather3A_96 : vector<16xi32>
    %add3A_107 = arith.constant 2 : i32
    %add3A_108 = arith.addi %mul3A_75, %add3A_107 : i32
    %broadcast_in_dim3A_109 = vector.broadcast %add3A_108 : i32 to vector<16xi32>
    %gather3A_110 = tpu.vector_load_idx %arg5[%broadcast_in_dim3A_109] : memref<64xi32, #tpu.memory_space<vmem>>[vector<16xi32>], vector<16xi32>,
    %add3A_111 = arith.constant 0 : i32
    %add3A_112 = arith.addi %rem3A_77, %add3A_111 : i32
    %broadcast_in_dim3A_113 = vector.broadcast %add3A_112 : i32 to vector<16xi32>
    %add3A_114 = arith.addi %broadcast_in_dim3A_113, %iota3A : vector<16xi32>
    %add3A_115 = arith.addi %add3A_114, %gather3A_110 : vector<16xi32>
    %add3A_116 = arith.constant 16 : i32
    %add3A_117 = arith.addi %rem3A_77, %add3A_116 : i32
    %broadcast_in_dim3A_118 = vector.broadcast %add3A_117 : i32 to vector<16xi32>
    %add3A_119 = arith.addi %broadcast_in_dim3A_118, %iota3A : vector<16xi32>
    %add3A_120 = arith.addi %add3A_119, %gather3A_110 : vector<16xi32>
    %add3A_121 = arith.constant 3 : i32
    %add3A_122 = arith.addi %mul3A_75, %add3A_121 : i32
    %broadcast_in_dim3A_123 = vector.broadcast %add3A_122 : i32 to vector<16xi32>
    %gather3A_124 = tpu.vector_load_idx %arg5[%broadcast_in_dim3A_123] : memref<64xi32, #tpu.memory_space<vmem>>[vector<16xi32>], vector<16xi32>,
    %add3A_125 = arith.constant 0 : i32
    %add3A_126 = arith.addi %rem3A_77, %add3A_125 : i32
    %broadcast_in_dim3A_127 = vector.broadcast %add3A_126 : i32 to vector<16xi32>
    %add3A_128 = arith.addi %broadcast_in_dim3A_127, %iota3A : vector<16xi32>
    %add3A_129 = arith.addi %add3A_128, %gather3A_124 : vector<16xi32>
    %add3A_130 = arith.constant 16 : i32
    %add3A_131 = arith.addi %rem3A_77, %add3A_130 : i32
    %broadcast_in_dim3A_132 = vector.broadcast %add3A_131 : i32 to vector<16xi32>
    %add3A_133 = arith.addi %broadcast_in_dim3A_132, %iota3A : vector<16xi32>
    %add3A_134 = arith.addi %add3A_133, %gather3A_124 : vector<16xi32>
    %add3A_135 = arith.constant 4 : i32
    %add3A_136 = arith.addi %mul3A_75, %add3A_135 : i32
    %broadcast_in_dim3A_137 = vector.broadcast %add3A_136 : i32 to vector<16xi32>
    %gather3A_138 = tpu.vector_load_idx %arg5[%broadcast_in_dim3A_137] : memref<64xi32, #tpu.memory_space<vmem>>[vector<16xi32>], vector<16xi32>,
    %add3A_139 = arith.constant 0 : i32
    %add3A_140 = arith.addi %rem3A_77, %add3A_139 : i32
    %broadcast_in_dim3A_141 = vector.broadcast %add3A_140 : i32 to vector<16xi32>
    %add3A_142 = arith.addi %broadcast_in_dim3A_141, %iota3A : vector<16xi32>
    %add3A_143 = arith.addi %add3A_142, %gather3A_138 : vector<16xi32>
    %add3A_144 = arith.constant 16 : i32
    %add3A_145 = arith.addi %rem3A_77, %add3A_144 : i32
    %broadcast_in_dim3A_146 = vector.broadcast %add3A_145 : i32 to vector<16xi32>
    %add3A_147 = arith.addi %broadcast_in_dim3A_146, %iota3A : vector<16xi32>
    %add3A_148 = arith.addi %add3A_147, %gather3A_138 : vector<16xi32>
    %add3A_149 = arith.constant 5 : i32
    %add3A_150 = arith.addi %mul3A_75, %add3A_149 : i32
    %broadcast_in_dim3A_151 = vector.broadcast %add3A_150 : i32 to vector<16xi32>
    %gather3A_152 = tpu.vector_load_idx %arg5[%broadcast_in_dim3A_151] : memref<64xi32, #tpu.memory_space<vmem>>[vector<16xi32>], vector<16xi32>,
    %add3A_153 = arith.constant 0 : i32
    %add3A_154 = arith.addi %rem3A_77, %add3A_153 : i32
    %broadcast_in_dim3A_155 = vector.broadcast %add3A_154 : i32 to vector<16xi32>
    %add3A_156 = arith.addi %broadcast_in_dim3A_155, %iota3A : vector<16xi32>
    %add3A_157 = arith.addi %add3A_156, %gather3A_152 : vector<16xi32>
    %add3A_158 = arith.constant 16 : i32
    %add3A_159 = arith.addi %rem3A_77, %add3A_158 : i32
    %broadcast_in_dim3A_160 = vector.broadcast %add3A_159 : i32 to vector<16xi32>
    %add3A_161 = arith.addi %broadcast_in_dim3A_160, %iota3A : vector<16xi32>
    %add3A_162 = arith.addi %add3A_161, %gather3A_152 : vector<16xi32>
    %add3A_163 = arith.constant 6 : i32
    %add3A_164 = arith.addi %mul3A_75, %add3A_163 : i32
    %broadcast_in_dim3A_165 = vector.broadcast %add3A_164 : i32 to vector<16xi32>
    %gather3A_166 = tpu.vector_load_idx %arg5[%broadcast_in_dim3A_165] : memref<64xi32, #tpu.memory_space<vmem>>[vector<16xi32>], vector<16xi32>,
    %add3A_167 = arith.constant 0 : i32
    %add3A_168 = arith.addi %rem3A_77, %add3A_167 : i32
    %broadcast_in_dim3A_169 = vector.broadcast %add3A_168 : i32 to vector<16xi32>
    %add3A_170 = arith.addi %broadcast_in_dim3A_169, %iota3A : vector<16xi32>
    %add3A_171 = arith.addi %add3A_170, %gather3A_166 : vector<16xi32>
    %add3A_172 = arith.constant 16 : i32
    %add3A_173 = arith.addi %rem3A_77, %add3A_172 : i32
    %broadcast_in_dim3A_174 = vector.broadcast %add3A_173 : i32 to vector<16xi32>
    %add3A_175 = arith.addi %broadcast_in_dim3A_174, %iota3A : vector<16xi32>
    %add3A_176 = arith.addi %add3A_175, %gather3A_166 : vector<16xi32>
    %add3A_177 = arith.constant 7 : i32
    %add3A_178 = arith.addi %mul3A_75, %add3A_177 : i32
    %broadcast_in_dim3A_179 = vector.broadcast %add3A_178 : i32 to vector<16xi32>
    %gather3A_180 = tpu.vector_load_idx %arg5[%broadcast_in_dim3A_179] : memref<64xi32, #tpu.memory_space<vmem>>[vector<16xi32>], vector<16xi32>,
    %add3A_181 = arith.constant 0 : i32
    %add3A_182 = arith.addi %rem3A_77, %add3A_181 : i32
    %broadcast_in_dim3A_183 = vector.broadcast %add3A_182 : i32 to vector<16xi32>
    %add3A_184 = arith.addi %broadcast_in_dim3A_183, %iota3A : vector<16xi32>
    %add3A_185 = arith.addi %add3A_184, %gather3A_180 : vector<16xi32>
    %add3A_186 = arith.constant 16 : i32
    %add3A_187 = arith.addi %rem3A_77, %add3A_186 : i32
    %broadcast_in_dim3A_188 = vector.broadcast %add3A_187 : i32 to vector<16xi32>
    %add3A_189 = arith.addi %broadcast_in_dim3A_188, %iota3A : vector<16xi32>
    %add3A_190 = arith.addi %add3A_189, %gather3A_180 : vector<16xi32>
    %broadcast_in_dim3A_191 = arith.constant 0 : i32
    %broadcast_in_dim3A_192 = vector.broadcast %broadcast_in_dim3A_191 : i32 to vector<16xi32>
    %add3A_193 = arith.addi %add3A_87, %broadcast_in_dim3A_192 : vector<16xi32>
    %and3A_194 = arith.andi %add3A_193, %broadcast_in_dim3A_78 : vector<16xi32>
    %add3A_195 = arith.addi %broadcast_in_dim3A_79, %and3A_194 : vector<16xi32>
    %swap3A = arith.constant 0 : i32
    %swap3A_196 = arith.constant 0 : i32
    %swap3A_197 = arith.index_cast %swap3A : i32 to index
    %swap3A_198 = arith.index_cast %swap3A_196 : i32 to index
    %swap3A_199 = arith.constant 0 : index
    %swap3A_200 = tpu.vector_load %arg6[%swap3A_197, %swap3A_198, %swap3A_199] {strides = array<i32>} : memref<2x8x32xi32, #tpu.memory_space<vmem>>, vector<16xi32>,
    tpu.vector_store %arg6[%swap3A_197, %swap3A_198, %swap3A_199], %add3A_195 {strides = array<i32>} : memref<2x8x32xi32, #tpu.memory_space<vmem>>, vector<16xi32>,
    %add3A_201 = arith.addi %add3A_92, %broadcast_in_dim3A_192 : vector<16xi32>
    %and3A_202 = arith.andi %add3A_201, %broadcast_in_dim3A_78 : vector<16xi32>
    %add3A_203 = arith.addi %broadcast_in_dim3A_79, %and3A_202 : vector<16xi32>
    %swap3A_204 = arith.constant 0 : i32
    %swap3A_205 = arith.constant 0 : i32
    %swap3A_206 = arith.index_cast %swap3A_204 : i32 to index
    %swap3A_207 = arith.index_cast %swap3A_205 : i32 to index
    %swap3A_208 = arith.constant 16 : index
    %swap3A_209 = tpu.vector_load %arg6[%swap3A_206, %swap3A_207, %swap3A_208] {strides = array<i32>} : memref<2x8x32xi32, #tpu.memory_space<vmem>>, vector<16xi32>,
    tpu.vector_store %arg6[%swap3A_206, %swap3A_207, %swap3A_208], %add3A_203 {strides = array<i32>} : memref<2x8x32xi32, #tpu.memory_space<vmem>>, vector<16xi32>,
    %add3A_210 = arith.addi %add3A_101, %broadcast_in_dim3A_192 : vector<16xi32>
    %and3A_211 = arith.andi %add3A_210, %broadcast_in_dim3A_78 : vector<16xi32>
    %add3A_212 = arith.addi %broadcast_in_dim3A_79, %and3A_211 : vector<16xi32>
    %swap3A_213 = arith.constant 0 : i32
    %swap3A_214 = arith.constant 1 : i32
    %swap3A_215 = arith.index_cast %swap3A_213 : i32 to index
    %swap3A_216 = arith.index_cast %swap3A_214 : i32 to index
    %swap3A_217 = arith.constant 0 : index
    %swap3A_218 = tpu.vector_load %arg6[%swap3A_215, %swap3A_216, %swap3A_217] {strides = array<i32>} : memref<2x8x32xi32, #tpu.memory_space<vmem>>, vector<16xi32>,
    tpu.vector_store %arg6[%swap3A_215, %swap3A_216, %swap3A_217], %add3A_212 {strides = array<i32>} : memref<2x8x32xi32, #tpu.memory_space<vmem>>, vector<16xi32>,
    %add3A_219 = arith.addi %add3A_106, %broadcast_in_dim3A_192 : vector<16xi32>
    %and3A_220 = arith.andi %add3A_219, %broadcast_in_dim3A_78 : vector<16xi32>
    %add3A_221 = arith.addi %broadcast_in_dim3A_79, %and3A_220 : vector<16xi32>
    %swap3A_222 = arith.constant 0 : i32
    %swap3A_223 = arith.constant 1 : i32
    %swap3A_224 = arith.index_cast %swap3A_222 : i32 to index
    %swap3A_225 = arith.index_cast %swap3A_223 : i32 to index
    %swap3A_226 = arith.constant 16 : index
    %swap3A_227 = tpu.vector_load %arg6[%swap3A_224, %swap3A_225, %swap3A_226] {strides = array<i32>} : memref<2x8x32xi32, #tpu.memory_space<vmem>>, vector<16xi32>,
    tpu.vector_store %arg6[%swap3A_224, %swap3A_225, %swap3A_226], %add3A_221 {strides = array<i32>} : memref<2x8x32xi32, #tpu.memory_space<vmem>>, vector<16xi32>,
    %add3A_228 = arith.addi %add3A_115, %broadcast_in_dim3A_192 : vector<16xi32>
    %and3A_229 = arith.andi %add3A_228, %broadcast_in_dim3A_78 : vector<16xi32>
    %add3A_230 = arith.addi %broadcast_in_dim3A_79, %and3A_229 : vector<16xi32>
    %swap3A_231 = arith.constant 0 : i32
    %swap3A_232 = arith.constant 2 : i32
    %swap3A_233 = arith.index_cast %swap3A_231 : i32 to index
    %swap3A_234 = arith.index_cast %swap3A_232 : i32 to index
    %swap3A_235 = arith.constant 0 : index
    %swap3A_236 = tpu.vector_load %arg6[%swap3A_233, %swap3A_234, %swap3A_235] {strides = array<i32>} : memref<2x8x32xi32, #tpu.memory_space<vmem>>, vector<16xi32>,
    tpu.vector_store %arg6[%swap3A_233, %swap3A_234, %swap3A_235], %add3A_230 {strides = array<i32>} : memref<2x8x32xi32, #tpu.memory_space<vmem>>, vector<16xi32>,
    %add3A_237 = arith.addi %add3A_120, %broadcast_in_dim3A_192 : vector<16xi32>
    %and3A_238 = arith.andi %add3A_237, %broadcast_in_dim3A_78 : vector<16xi32>
    %add3A_239 = arith.addi %broadcast_in_dim3A_79, %and3A_238 : vector<16xi32>
    %swap3A_240 = arith.constant 0 : i32
    %swap3A_241 = arith.constant 2 : i32
    %swap3A_242 = arith.index_cast %swap3A_240 : i32 to index
    %swap3A_243 = arith.index_cast %swap3A_241 : i32 to index
    %swap3A_244 = arith.constant 16 : index
    %swap3A_245 = tpu.vector_load %arg6[%swap3A_242, %swap3A_243, %swap3A_244] {strides = array<i32>} : memref<2x8x32xi32, #tpu.memory_space<vmem>>, vector<16xi32>,
    tpu.vector_store %arg6[%swap3A_242, %swap3A_243, %swap3A_244], %add3A_239 {strides = array<i32>} : memref<2x8x32xi32, #tpu.memory_space<vmem>>, vector<16xi32>,
    %add3A_246 = arith.addi %add3A_129, %broadcast_in_dim3A_192 : vector<16xi32>
    %and3A_247 = arith.andi %add3A_246, %broadcast_in_dim3A_78 : vector<16xi32>
    %add3A_248 = arith.addi %broadcast_in_dim3A_79, %and3A_247 : vector<16xi32>
    %swap3A_249 = arith.constant 0 : i32
    %swap3A_250 = arith.constant 3 : i32
    %swap3A_251 = arith.index_cast %swap3A_249 : i32 to index
    %swap3A_252 = arith.index_cast %swap3A_250 : i32 to index
    %swap3A_253 = arith.constant 0 : index
    %swap3A_254 = tpu.vector_load %arg6[%swap3A_251, %swap3A_252, %swap3A_253] {strides = array<i32>} : memref<2x8x32xi32, #tpu.memory_space<vmem>>, vector<16xi32>,
    tpu.vector_store %arg6[%swap3A_251, %swap3A_252, %swap3A_253], %add3A_248 {strides = array<i32>} : memref<2x8x32xi32, #tpu.memory_space<vmem>>, vector<16xi32>,
    %add3A_255 = arith.addi %add3A_134, %broadcast_in_dim3A_192 : vector<16xi32>
    %and3A_256 = arith.andi %add3A_255, %broadcast_in_dim3A_78 : vector<16xi32>
    %add3A_257 = arith.addi %broadcast_in_dim3A_79, %and3A_256 : vector<16xi32>
    %swap3A_258 = arith.constant 0 : i32
    %swap3A_259 = arith.constant 3 : i32
    %swap3A_260 = arith.index_cast %swap3A_258 : i32 to index
    %swap3A_261 = arith.index_cast %swap3A_259 : i32 to index
    %swap3A_262 = arith.constant 16 : index
    %swap3A_263 = tpu.vector_load %arg6[%swap3A_260, %swap3A_261, %swap3A_262] {strides = array<i32>} : memref<2x8x32xi32, #tpu.memory_space<vmem>>, vector<16xi32>,
    tpu.vector_store %arg6[%swap3A_260, %swap3A_261, %swap3A_262], %add3A_257 {strides = array<i32>} : memref<2x8x32xi32, #tpu.memory_space<vmem>>, vector<16xi32>,
    %add3A_264 = arith.addi %add3A_143, %broadcast_in_dim3A_192 : vector<16xi32>
    %and3A_265 = arith.andi %add3A_264, %broadcast_in_dim3A_78 : vector<16xi32>
    %add3A_266 = arith.addi %broadcast_in_dim3A_79, %and3A_265 : vector<16xi32>
    %swap3A_267 = arith.constant 0 : i32
    %swap3A_268 = arith.constant 4 : i32
    %swap3A_269 = arith.index_cast %swap3A_267 : i32 to index
    %swap3A_270 = arith.index_cast %swap3A_268 : i32 to index
    %swap3A_271 = arith.constant 0 : index
    %swap3A_272 = tpu.vector_load %arg6[%swap3A_269, %swap3A_270, %swap3A_271] {strides = array<i32>} : memref<2x8x32xi32, #tpu.memory_space<vmem>>, vector<16xi32>,
    tpu.vector_store %arg6[%swap3A_269, %swap3A_270, %swap3A_271], %add3A_266 {strides = array<i32>} : memref<2x8x32xi32, #tpu.memory_space<vmem>>, vector<16xi32>,
    %add3A_273 = arith.addi %add3A_148, %broadcast_in_dim3A_192 : vector<16xi32>
    %and3A_274 = arith.andi %add3A_273, %broadcast_in_dim3A_78 : vector<16xi32>
    %add3A_275 = arith.addi %broadcast_in_dim3A_79, %and3A_274 : vector<16xi32>
    %swap3A_276 = arith.constant 0 : i32
    %swap3A_277 = arith.constant 4 : i32
    %swap3A_278 = arith.index_cast %swap3A_276 : i32 to index
    %swap3A_279 = arith.index_cast %swap3A_277 : i32 to index
    %swap3A_280 = arith.constant 16 : index
    %swap3A_281 = tpu.vector_load %arg6[%swap3A_278, %swap3A_279, %swap3A_280] {strides = array<i32>} : memref<2x8x32xi32, #tpu.memory_space<vmem>>, vector<16xi32>,
    tpu.vector_store %arg6[%swap3A_278, %swap3A_279, %swap3A_280], %add3A_275 {strides = array<i32>} : memref<2x8x32xi32, #tpu.memory_space<vmem>>, vector<16xi32>,
    %add3A_282 = arith.addi %add3A_157, %broadcast_in_dim3A_192 : vector<16xi32>
    %and3A_283 = arith.andi %add3A_282, %broadcast_in_dim3A_78 : vector<16xi32>
    %add3A_284 = arith.addi %broadcast_in_dim3A_79, %and3A_283 : vector<16xi32>
    %swap3A_285 = arith.constant 0 : i32
    %swap3A_286 = arith.constant 5 : i32
    %swap3A_287 = arith.index_cast %swap3A_285 : i32 to index
    %swap3A_288 = arith.index_cast %swap3A_286 : i32 to index
    %swap3A_289 = arith.constant 0 : index
    %swap3A_290 = tpu.vector_load %arg6[%swap3A_287, %swap3A_288, %swap3A_289] {strides = array<i32>} : memref<2x8x32xi32, #tpu.memory_space<vmem>>, vector<16xi32>,
    tpu.vector_store %arg6[%swap3A_287, %swap3A_288, %swap3A_289], %add3A_284 {strides = array<i32>} : memref<2x8x32xi32, #tpu.memory_space<vmem>>, vector<16xi32>,
    %add3A_291 = arith.addi %add3A_162, %broadcast_in_dim3A_192 : vector<16xi32>
    %and3A_292 = arith.andi %add3A_291, %broadcast_in_dim3A_78 : vector<16xi32>
    %add3A_293 = arith.addi %broadcast_in_dim3A_79, %and3A_292 : vector<16xi32>
    %swap3A_294 = arith.constant 0 : i32
    %swap3A_295 = arith.constant 5 : i32
    %swap3A_296 = arith.index_cast %swap3A_294 : i32 to index
    %swap3A_297 = arith.index_cast %swap3A_295 : i32 to index
    %swap3A_298 = arith.constant 16 : index
    %swap3A_299 = tpu.vector_load %arg6[%swap3A_296, %swap3A_297, %swap3A_298] {strides = array<i32>} : memref<2x8x32xi32, #tpu.memory_space<vmem>>, vector<16xi32>,
    tpu.vector_store %arg6[%swap3A_296, %swap3A_297, %swap3A_298], %add3A_293 {strides = array<i32>} : memref<2x8x32xi32, #tpu.memory_space<vmem>>, vector<16xi32>,
    %add3A_300 = arith.addi %add3A_171, %broadcast_in_dim3A_192 : vector<16xi32>
    %and3A_301 = arith.andi %add3A_300, %broadcast_in_dim3A_78 : vector<16xi32>
    %add3A_302 = arith.addi %broadcast_in_dim3A_79, %and3A_301 : vector<16xi32>
    %swap3A_303 = arith.constant 0 : i32
    %swap3A_304 = arith.constant 6 : i32
    %swap3A_305 = arith.index_cast %swap3A_303 : i32 to index
    %swap3A_306 = arith.index_cast %swap3A_304 : i32 to index
    %swap3A_307 = arith.constant 0 : index
    %swap3A_308 = tpu.vector_load %arg6[%swap3A_305, %swap3A_306, %swap3A_307] {strides = array<i32>} : memref<2x8x32xi32, #tpu.memory_space<vmem>>, vector<16xi32>,
    tpu.vector_store %arg6[%swap3A_305, %swap3A_306, %swap3A_307], %add3A_302 {strides = array<i32>} : memref<2x8x32xi32, #tpu.memory_space<vmem>>, vector<16xi32>,
    %add3A_309 = arith.addi %add3A_176, %broadcast_in_dim3A_192 : vector<16xi32>
    %and3A_310 = arith.andi %add3A_309, %broadcast_in_dim3A_78 : vector<16xi32>
    %add3A_311 = arith.addi %broadcast_in_dim3A_79, %and3A_310 : vector<16xi32>
    %swap3A_312 = arith.constant 0 : i32
    %swap3A_313 = arith.constant 6 : i32
    %swap3A_314 = arith.index_cast %swap3A_312 : i32 to index
    %swap3A_315 = arith.index_cast %swap3A_313 : i32 to index
    %swap3A_316 = arith.constant 16 : index
    %swap3A_317 = tpu.vector_load %arg6[%swap3A_314, %swap3A_315, %swap3A_316] {strides = array<i32>} : memref<2x8x32xi32, #tpu.memory_space<vmem>>, vector<16xi32>,
    tpu.vector_store %arg6[%swap3A_314, %swap3A_315, %swap3A_316], %add3A_311 {strides = array<i32>} : memref<2x8x32xi32, #tpu.memory_space<vmem>>, vector<16xi32>,
    %add3A_318 = arith.addi %add3A_185, %broadcast_in_dim3A_192 : vector<16xi32>
    %and3A_319 = arith.andi %add3A_318, %broadcast_in_dim3A_78 : vector<16xi32>
    %add3A_320 = arith.addi %broadcast_in_dim3A_79, %and3A_319 : vector<16xi32>
    %swap3A_321 = arith.constant 0 : i32
    %swap3A_322 = arith.constant 7 : i32
    %swap3A_323 = arith.index_cast %swap3A_321 : i32 to index
    %swap3A_324 = arith.index_cast %swap3A_322 : i32 to index
    %swap3A_325 = arith.constant 0 : index
    %swap3A_326 = tpu.vector_load %arg6[%swap3A_323, %swap3A_324, %swap3A_325] {strides = array<i32>} : memref<2x8x32xi32, #tpu.memory_space<vmem>>, vector<16xi32>,
    tpu.vector_store %arg6[%swap3A_323, %swap3A_324, %swap3A_325], %add3A_320 {strides = array<i32>} : memref<2x8x32xi32, #tpu.memory_space<vmem>>, vector<16xi32>,
    %add3A_327 = arith.addi %add3A_190, %broadcast_in_dim3A_192 : vector<16xi32>
    %and3A_328 = arith.andi %add3A_327, %broadcast_in_dim3A_78 : vector<16xi32>
    %add3A_329 = arith.addi %broadcast_in_dim3A_79, %and3A_328 : vector<16xi32>
    %swap3A_330 = arith.constant 0 : i32
    %swap3A_331 = arith.constant 7 : i32
    %swap3A_332 = arith.index_cast %swap3A_330 : i32 to index
    %swap3A_333 = arith.index_cast %swap3A_331 : i32 to index
    %swap3A_334 = arith.constant 16 : index
    %swap3A_335 = tpu.vector_load %arg6[%swap3A_332, %swap3A_333, %swap3A_334] {strides = array<i32>} : memref<2x8x32xi32, #tpu.memory_space<vmem>>, vector<16xi32>,
    tpu.vector_store %arg6[%swap3A_332, %swap3A_333, %swap3A_334], %add3A_329 {strides = array<i32>} : memref<2x8x32xi32, #tpu.memory_space<vmem>>, vector<16xi32>,
    %dma_start3A = arith.constant 0 : i32
    %dma_start3A_336 = arith.constant 0 : i32
    %dma_start3A_337 = arith.constant 0 : i32
    %dma_start3A_338 = arith.constant 0 : i32
    %dma_start3A_339 = arith.constant 0 : i32
    %dma_start3A_340 = tpu.memref_slice %arg7[%dma_start3A_337, %dma_start3A_338, %dma_start3A_339] : memref<2x32x1024xf32, #tpu.memory_space<vmem>> -> memref<1x32x1024xf32, #tpu.memory_space<vmem>>
    %dma_start3A_341 = tpu.memref_squeeze %dma_start3A_340 : memref<1x32x1024xf32, #tpu.memory_space<vmem>> -> memref<32x1024xf32, #tpu.memory_space<vmem>>
    %dma_start3A_342 = arith.constant 0 : i32
    %dma_start3A_343 = arith.constant 0 : i32
    %dma_start3A_344 = tpu.memref_slice %dma_start3A_341[%dma_start3A_342, %dma_start3A_343] : memref<32x1024xf32, #tpu.memory_space<vmem>> -> memref<32x128xf32, #tpu.memory_space<vmem>>
    %dma_start3A_345 = arith.constant 0 : i32
    %dma_start3A_346 = tpu.memref_slice %arg6[%dma_start3A, %dma_start3A_336, %dma_start3A_345] : memref<2x8x32xi32, #tpu.memory_space<vmem>> -> memref<1x1x32xi32, #tpu.memory_space<vmem>>
    %dma_start3A_347 = tpu.memref_squeeze %dma_start3A_346 : memref<1x1x32xi32, #tpu.memory_space<vmem>> -> memref<32xi32, #tpu.memory_space<vmem>>
    %dma_start3A_348 = arith.constant 0 : i32
    %dma_start3A_349 = arith.constant 0 : i32
    %dma_start3A_350 = tpu.memref_slice %arg2[%dma_start3A_348, %dma_start3A_349] : memref<8192x1024xf32, #tpu.memory_space<hbm>> -> memref<8192x128xf32, #tpu.memory_space<hbm>>
    tpu.enqueue_indirect_dma source(%dma_start3A_350 : memref<8192x128xf32, #tpu.memory_space<hbm>>) target(%dma_start3A_344 : memref<32x128xf32, #tpu.memory_space<vmem>>) offsets(%dma_start3A_347 : memref<32xi32, #tpu.memory_space<vmem>>) semaphore(%arg8 : memref<!tpu.dma_semaphore, #tpu.memory_space<semaphore_mem>>)
    %dma_start3A_351 = arith.constant 0 : i32
    %dma_start3A_352 = arith.constant 1 : i32
    %dma_start3A_353 = arith.constant 0 : i32
    %dma_start3A_354 = arith.constant 0 : i32
    %dma_start3A_355 = arith.constant 0 : i32
    %dma_start3A_356 = tpu.memref_slice %arg7[%dma_start3A_353, %dma_start3A_354, %dma_start3A_355] : memref<2x32x1024xf32, #tpu.memory_space<vmem>> -> memref<1x32x1024xf32, #tpu.memory_space<vmem>>
    %dma_start3A_357 = tpu.memref_squeeze %dma_start3A_356 : memref<1x32x1024xf32, #tpu.memory_space<vmem>> -> memref<32x1024xf32, #tpu.memory_space<vmem>>
    %dma_start3A_358 = arith.constant 0 : i32
    %dma_start3A_359 = arith.constant 128 : i32
    %dma_start3A_360 = tpu.memref_slice %dma_start3A_357[%dma_start3A_358, %dma_start3A_359] : memref<32x1024xf32, #tpu.memory_space<vmem>> -> memref<32x128xf32, #tpu.memory_space<vmem>>
    %dma_start3A_361 = arith.constant 0 : i32
    %dma_start3A_362 = tpu.memref_slice %arg6[%dma_start3A_351, %dma_start3A_352, %dma_start3A_361] : memref<2x8x32xi32, #tpu.memory_space<vmem>> -> memref<1x1x32xi32, #tpu.memory_space<vmem>>
    %dma_start3A_363 = tpu.memref_squeeze %dma_start3A_362 : memref<1x1x32xi32, #tpu.memory_space<vmem>> -> memref<32xi32, #tpu.memory_space<vmem>>
    %dma_start3A_364 = arith.constant 0 : i32
    %dma_start3A_365 = arith.constant 128 : i32
    %dma_start3A_366 = tpu.memref_slice %arg2[%dma_start3A_364, %dma_start3A_365] : memref<8192x1024xf32, #tpu.memory_space<hbm>> -> memref<8192x128xf32, #tpu.memory_space<hbm>>
    tpu.enqueue_indirect_dma source(%dma_start3A_366 : memref<8192x128xf32, #tpu.memory_space<hbm>>) target(%dma_start3A_360 : memref<32x128xf32, #tpu.memory_space<vmem>>) offsets(%dma_start3A_363 : memref<32xi32, #tpu.memory_space<vmem>>) semaphore(%arg8 : memref<!tpu.dma_semaphore, #tpu.memory_space<semaphore_mem>>)
    %dma_start3A_367 = arith.constant 0 : i32
    %dma_start3A_368 = arith.constant 2 : i32
    %dma_start3A_369 = arith.constant 0 : i32
    %dma_start3A_370 = arith.constant 0 : i32
    %dma_start3A_371 = arith.constant 0 : i32
    %dma_start3A_372 = tpu.memref_slice %arg7[%dma_start3A_369, %dma_start3A_370, %dma_start3A_371] : memref<2x32x1024xf32, #tpu.memory_space<vmem>> -> memref<1x32x1024xf32, #tpu.memory_space<vmem>>
    %dma_start3A_373 = tpu.memref_squeeze %dma_start3A_372 : memref<1x32x1024xf32, #tpu.memory_space<vmem>> -> memref<32x1024xf32, #tpu.memory_space<vmem>>
    %dma_start3A_374 = arith.constant 0 : i32
    %dma_start3A_375 = arith.constant 256 : i32
    %dma_start3A_376 = tpu.memref_slice %dma_start3A_373[%dma_start3A_374, %dma_start3A_375] : memref<32x1024xf32, #tpu.memory_space<vmem>> -> memref<32x128xf32, #tpu.memory_space<vmem>>
    %dma_start3A_377 = arith.constant 0 : i32
    %dma_start3A_378 = tpu.memref_slice %arg6[%dma_start3A_367, %dma_start3A_368, %dma_start3A_377] : memref<2x8x32xi32, #tpu.memory_space<vmem>> -> memref<1x1x32xi32, #tpu.memory_space<vmem>>
    %dma_start3A_379 = tpu.memref_squeeze %dma_start3A_378 : memref<1x1x32xi32, #tpu.memory_space<vmem>> -> memref<32xi32, #tpu.memory_space<vmem>>
    %dma_start3A_380 = arith.constant 0 : i32
    %dma_start3A_381 = arith.constant 256 : i32
    %dma_start3A_382 = tpu.memref_slice %arg2[%dma_start3A_380, %dma_start3A_381] : memref<8192x1024xf32, #tpu.memory_space<hbm>> -> memref<8192x128xf32, #tpu.memory_space<hbm>>
    tpu.enqueue_indirect_dma source(%dma_start3A_382 : memref<8192x128xf32, #tpu.memory_space<hbm>>) target(%dma_start3A_376 : memref<32x128xf32, #tpu.memory_space<vmem>>) offsets(%dma_start3A_379 : memref<32xi32, #tpu.memory_space<vmem>>) semaphore(%arg8 : memref<!tpu.dma_semaphore, #tpu.memory_space<semaphore_mem>>)
    %dma_start3A_383 = arith.constant 0 : i32
    %dma_start3A_384 = arith.constant 3 : i32
    %dma_start3A_385 = arith.constant 0 : i32
    %dma_start3A_386 = arith.constant 0 : i32
    %dma_start3A_387 = arith.constant 0 : i32
    %dma_start3A_388 = tpu.memref_slice %arg7[%dma_start3A_385, %dma_start3A_386, %dma_start3A_387] : memref<2x32x1024xf32, #tpu.memory_space<vmem>> -> memref<1x32x1024xf32, #tpu.memory_space<vmem>>
    %dma_start3A_389 = tpu.memref_squeeze %dma_start3A_388 : memref<1x32x1024xf32, #tpu.memory_space<vmem>> -> memref<32x1024xf32, #tpu.memory_space<vmem>>
    %dma_start3A_390 = arith.constant 0 : i32
    %dma_start3A_391 = arith.constant 384 : i32
    %dma_start3A_392 = tpu.memref_slice %dma_start3A_389[%dma_start3A_390, %dma_start3A_391] : memref<32x1024xf32, #tpu.memory_space<vmem>> -> memref<32x128xf32, #tpu.memory_space<vmem>>
    %dma_start3A_393 = arith.constant 0 : i32
    %dma_start3A_394 = tpu.memref_slice %arg6[%dma_start3A_383, %dma_start3A_384, %dma_start3A_393] : memref<2x8x32xi32, #tpu.memory_space<vmem>> -> memref<1x1x32xi32, #tpu.memory_space<vmem>>
    %dma_start3A_395 = tpu.memref_squeeze %dma_start3A_394 : memref<1x1x32xi32, #tpu.memory_space<vmem>> -> memref<32xi32, #tpu.memory_space<vmem>>
    %dma_start3A_396 = arith.constant 0 : i32
    %dma_start3A_397 = arith.constant 384 : i32
    %dma_start3A_398 = tpu.memref_slice %arg2[%dma_start3A_396, %dma_start3A_397] : memref<8192x1024xf32, #tpu.memory_space<hbm>> -> memref<8192x128xf32, #tpu.memory_space<hbm>>
    tpu.enqueue_indirect_dma source(%dma_start3A_398 : memref<8192x128xf32, #tpu.memory_space<hbm>>) target(%dma_start3A_392 : memref<32x128xf32, #tpu.memory_space<vmem>>) offsets(%dma_start3A_395 : memref<32xi32, #tpu.memory_space<vmem>>) semaphore(%arg8 : memref<!tpu.dma_semaphore, #tpu.memory_space<semaphore_mem>>)
    %dma_start3A_399 = arith.constant 0 : i32
    %dma_start3A_400 = arith.constant 4 : i32
    %dma_start3A_401 = arith.constant 0 : i32
    %dma_start3A_402 = arith.constant 0 : i32
    %dma_start3A_403 = arith.constant 0 : i32
    %dma_start3A_404 = tpu.memref_slice %arg7[%dma_start3A_401, %dma_start3A_402, %dma_start3A_403] : memref<2x32x1024xf32, #tpu.memory_space<vmem>> -> memref<1x32x1024xf32, #tpu.memory_space<vmem>>
    %dma_start3A_405 = tpu.memref_squeeze %dma_start3A_404 : memref<1x32x1024xf32, #tpu.memory_space<vmem>> -> memref<32x1024xf32, #tpu.memory_space<vmem>>
    %dma_start3A_406 = arith.constant 0 : i32
    %dma_start3A_407 = arith.constant 512 : i32
    %dma_start3A_408 = tpu.memref_slice %dma_start3A_405[%dma_start3A_406, %dma_start3A_407] : memref<32x1024xf32, #tpu.memory_space<vmem>> -> memref<32x128xf32, #tpu.memory_space<vmem>>
    %dma_start3A_409 = arith.constant 0 : i32
    %dma_start3A_410 = tpu.memref_slice %arg6[%dma_start3A_399, %dma_start3A_400, %dma_start3A_409] : memref<2x8x32xi32, #tpu.memory_space<vmem>> -> memref<1x1x32xi32, #tpu.memory_space<vmem>>
    %dma_start3A_411 = tpu.memref_squeeze %dma_start3A_410 : memref<1x1x32xi32, #tpu.memory_space<vmem>> -> memref<32xi32, #tpu.memory_space<vmem>>
    %dma_start3A_412 = arith.constant 0 : i32
    %dma_start3A_413 = arith.constant 512 : i32
    %dma_start3A_414 = tpu.memref_slice %arg2[%dma_start3A_412, %dma_start3A_413] : memref<8192x1024xf32, #tpu.memory_space<hbm>> -> memref<8192x128xf32, #tpu.memory_space<hbm>>
    tpu.enqueue_indirect_dma source(%dma_start3A_414 : memref<8192x128xf32, #tpu.memory_space<hbm>>) target(%dma_start3A_408 : memref<32x128xf32, #tpu.memory_space<vmem>>) offsets(%dma_start3A_411 : memref<32xi32, #tpu.memory_space<vmem>>) semaphore(%arg8 : memref<!tpu.dma_semaphore, #tpu.memory_space<semaphore_mem>>)
    %dma_start3A_415 = arith.constant 0 : i32
    %dma_start3A_416 = arith.constant 5 : i32
    %dma_start3A_417 = arith.constant 0 : i32
    %dma_start3A_418 = arith.constant 0 : i32
    %dma_start3A_419 = arith.constant 0 : i32
    %dma_start3A_420 = tpu.memref_slice %arg7[%dma_start3A_417, %dma_start3A_418, %dma_start3A_419] : memref<2x32x1024xf32, #tpu.memory_space<vmem>> -> memref<1x32x1024xf32, #tpu.memory_space<vmem>>
    %dma_start3A_421 = tpu.memref_squeeze %dma_start3A_420 : memref<1x32x1024xf32, #tpu.memory_space<vmem>> -> memref<32x1024xf32, #tpu.memory_space<vmem>>
    %dma_start3A_422 = arith.constant 0 : i32
    %dma_start3A_423 = arith.constant 640 : i32
    %dma_start3A_424 = tpu.memref_slice %dma_start3A_421[%dma_start3A_422, %dma_start3A_423] : memref<32x1024xf32, #tpu.memory_space<vmem>> -> memref<32x128xf32, #tpu.memory_space<vmem>>
    %dma_start3A_425 = arith.constant 0 : i32
    %dma_start3A_426 = tpu.memref_slice %arg6[%dma_start3A_415, %dma_start3A_416, %dma_start3A_425] : memref<2x8x32xi32, #tpu.memory_space<vmem>> -> memref<1x1x32xi32, #tpu.memory_space<vmem>>
    %dma_start3A_427 = tpu.memref_squeeze %dma_start3A_426 : memref<1x1x32xi32, #tpu.memory_space<vmem>> -> memref<32xi32, #tpu.memory_space<vmem>>
    %dma_start3A_428 = arith.constant 0 : i32
    %dma_start3A_429 = arith.constant 640 : i32
    %dma_start3A_430 = tpu.memref_slice %arg2[%dma_start3A_428, %dma_start3A_429] : memref<8192x1024xf32, #tpu.memory_space<hbm>> -> memref<8192x128xf32, #tpu.memory_space<hbm>>
    tpu.enqueue_indirect_dma source(%dma_start3A_430 : memref<8192x128xf32, #tpu.memory_space<hbm>>) target(%dma_start3A_424 : memref<32x128xf32, #tpu.memory_space<vmem>>) offsets(%dma_start3A_427 : memref<32xi32, #tpu.memory_space<vmem>>) semaphore(%arg8 : memref<!tpu.dma_semaphore, #tpu.memory_space<semaphore_mem>>)
    %dma_start3A_431 = arith.constant 0 : i32
    %dma_start3A_432 = arith.constant 6 : i32
    %dma_start3A_433 = arith.constant 0 : i32
    %dma_start3A_434 = arith.constant 0 : i32
    %dma_start3A_435 = arith.constant 0 : i32
    %dma_start3A_436 = tpu.memref_slice %arg7[%dma_start3A_433, %dma_start3A_434, %dma_start3A_435] : memref<2x32x1024xf32, #tpu.memory_space<vmem>> -> memref<1x32x1024xf32, #tpu.memory_space<vmem>>
    %dma_start3A_437 = tpu.memref_squeeze %dma_start3A_436 : memref<1x32x1024xf32, #tpu.memory_space<vmem>> -> memref<32x1024xf32, #tpu.memory_space<vmem>>
    %dma_start3A_438 = arith.constant 0 : i32
    %dma_start3A_439 = arith.constant 768 : i32
    %dma_start3A_440 = tpu.memref_slice %dma_start3A_437[%dma_start3A_438, %dma_start3A_439] : memref<32x1024xf32, #tpu.memory_space<vmem>> -> memref<32x128xf32, #tpu.memory_space<vmem>>
    %dma_start3A_441 = arith.constant 0 : i32
    %dma_start3A_442 = tpu.memref_slice %arg6[%dma_start3A_431, %dma_start3A_432, %dma_start3A_441] : memref<2x8x32xi32, #tpu.memory_space<vmem>> -> memref<1x1x32xi32, #tpu.memory_space<vmem>>
    %dma_start3A_443 = tpu.memref_squeeze %dma_start3A_442 : memref<1x1x32xi32, #tpu.memory_space<vmem>> -> memref<32xi32, #tpu.memory_space<vmem>>
    %dma_start3A_444 = arith.constant 0 : i32
    %dma_start3A_445 = arith.constant 768 : i32
    %dma_start3A_446 = tpu.memref_slice %arg2[%dma_start3A_444, %dma_start3A_445] : memref<8192x1024xf32, #tpu.memory_space<hbm>> -> memref<8192x128xf32, #tpu.memory_space<hbm>>
    tpu.enqueue_indirect_dma source(%dma_start3A_446 : memref<8192x128xf32, #tpu.memory_space<hbm>>) target(%dma_start3A_440 : memref<32x128xf32, #tpu.memory_space<vmem>>) offsets(%dma_start3A_443 : memref<32xi32, #tpu.memory_space<vmem>>) semaphore(%arg8 : memref<!tpu.dma_semaphore, #tpu.memory_space<semaphore_mem>>)
    %dma_start3A_447 = arith.constant 0 : i32
    %dma_start3A_448 = arith.constant 7 : i32
    %dma_start3A_449 = arith.constant 0 : i32
    %dma_start3A_450 = arith.constant 0 : i32
    %dma_start3A_451 = arith.constant 0 : i32
    %dma_start3A_452 = tpu.memref_slice %arg7[%dma_start3A_449, %dma_start3A_450, %dma_start3A_451] : memref<2x32x1024xf32, #tpu.memory_space<vmem>> -> memref<1x32x1024xf32, #tpu.memory_space<vmem>>
    %dma_start3A_453 = tpu.memref_squeeze %dma_start3A_452 : memref<1x32x1024xf32, #tpu.memory_space<vmem>> -> memref<32x1024xf32, #tpu.memory_space<vmem>>
    %dma_start3A_454 = arith.constant 0 : i32
    %dma_start3A_455 = arith.constant 896 : i32
    %dma_start3A_456 = tpu.memref_slice %dma_start3A_453[%dma_start3A_454, %dma_start3A_455] : memref<32x1024xf32, #tpu.memory_space<vmem>> -> memref<32x128xf32, #tpu.memory_space<vmem>>
    %dma_start3A_457 = arith.constant 0 : i32
    %dma_start3A_458 = tpu.memref_slice %arg6[%dma_start3A_447, %dma_start3A_448, %dma_start3A_457] : memref<2x8x32xi32, #tpu.memory_space<vmem>> -> memref<1x1x32xi32, #tpu.memory_space<vmem>>
    %dma_start3A_459 = tpu.memref_squeeze %dma_start3A_458 : memref<1x1x32xi32, #tpu.memory_space<vmem>> -> memref<32xi32, #tpu.memory_space<vmem>>
    %dma_start3A_460 = arith.constant 0 : i32
    %dma_start3A_461 = arith.constant 896 : i32
    %dma_start3A_462 = tpu.memref_slice %arg2[%dma_start3A_460, %dma_start3A_461] : memref<8192x1024xf32, #tpu.memory_space<hbm>> -> memref<8192x128xf32, #tpu.memory_space<hbm>>
    tpu.enqueue_indirect_dma source(%dma_start3A_462 : memref<8192x128xf32, #tpu.memory_space<hbm>>) target(%dma_start3A_456 : memref<32x128xf32, #tpu.memory_space<vmem>>) offsets(%dma_start3A_459 : memref<32xi32, #tpu.memory_space<vmem>>) semaphore(%arg8 : memref<!tpu.dma_semaphore, #tpu.memory_space<semaphore_mem>>)
    %scan3A = arith.constant 0 : i32
    %scan3A_463 = arith.constant 0 : i32
    %scan3A_464 = arith.constant 15 : i32
    %scan3A_465 = arith.addi %scan3A_463, %scan3A_464 : i32
    %scan3A_466 = arith.constant 1 : i32
    scf.for %scan3A_772 = %scan3A_463 to %scan3A_465 step %scan3A_466  : i32 {
      %mul3A_773 = arith.constant 2 : i32
      %mul3A_774 = arith.muli %scan3A_772, %mul3A_773 : i32
      %add3A_775 = arith.constant 1 : i32
      %add3A_776 = arith.addi %mul3A_774, %add3A_775 : i32
      %mul3A_777 = arith.constant 32 : i32
      %mul3A_778 = arith.muli %add3A_776, %mul3A_777 : i32
      %broadcast_in_dim3A_779 = vector.broadcast %mul3A_778 : i32 to vector<16xi32>
      %add3A_780 = arith.addi %add3A_87, %broadcast_in_dim3A_779 : vector<16xi32>
      %and3A_781 = arith.andi %add3A_780, %broadcast_in_dim3A_78 : vector<16xi32>
      %add3A_782 = arith.addi %broadcast_in_dim3A_79, %and3A_781 : vector<16xi32>
      %swap3A_783 = arith.constant 1 : i32
      %swap3A_784 = arith.constant 0 : i32
      %swap3A_785 = arith.index_cast %swap3A_783 : i32 to index
      %swap3A_786 = arith.index_cast %swap3A_784 : i32 to index
      %swap3A_787 = arith.constant 0 : index
      %swap3A_788 = tpu.vector_load %arg6[%swap3A_785, %swap3A_786, %swap3A_787] {strides = array<i32>} : memref<2x8x32xi32, #tpu.memory_space<vmem>>, vector<16xi32>,
      tpu.vector_store %arg6[%swap3A_785, %swap3A_786, %swap3A_787], %add3A_782 {strides = array<i32>} : memref<2x8x32xi32, #tpu.memory_space<vmem>>, vector<16xi32>,
      %add3A_789 = arith.addi %add3A_92, %broadcast_in_dim3A_779 : vector<16xi32>
      %and3A_790 = arith.andi %add3A_789, %broadcast_in_dim3A_78 : vector<16xi32>
      %add3A_791 = arith.addi %broadcast_in_dim3A_79, %and3A_790 : vector<16xi32>
      %swap3A_792 = arith.constant 1 : i32
      %swap3A_793 = arith.constant 0 : i32
      %swap3A_794 = arith.index_cast %swap3A_792 : i32 to index
      %swap3A_795 = arith.index_cast %swap3A_793 : i32 to index
      %swap3A_796 = arith.constant 16 : index
      %swap3A_797 = tpu.vector_load %arg6[%swap3A_794, %swap3A_795, %swap3A_796] {strides = array<i32>} : memref<2x8x32xi32, #tpu.memory_space<vmem>>, vector<16xi32>,
      tpu.vector_store %arg6[%swap3A_794, %swap3A_795, %swap3A_796], %add3A_791 {strides = array<i32>} : memref<2x8x32xi32, #tpu.memory_space<vmem>>, vector<16xi32>,
      %add3A_798 = arith.addi %add3A_101, %broadcast_in_dim3A_779 : vector<16xi32>
      %and3A_799 = arith.andi %add3A_798, %broadcast_in_dim3A_78 : vector<16xi32>
      %add3A_800 = arith.addi %broadcast_in_dim3A_79, %and3A_799 : vector<16xi32>
      %swap3A_801 = arith.constant 1 : i32
      %swap3A_802 = arith.constant 1 : i32
      %swap3A_803 = arith.index_cast %swap3A_801 : i32 to index
      %swap3A_804 = arith.index_cast %swap3A_802 : i32 to index
      %swap3A_805 = arith.constant 0 : index
      %swap3A_806 = tpu.vector_load %arg6[%swap3A_803, %swap3A_804, %swap3A_805] {strides = array<i32>} : memref<2x8x32xi32, #tpu.memory_space<vmem>>, vector<16xi32>,
      tpu.vector_store %arg6[%swap3A_803, %swap3A_804, %swap3A_805], %add3A_800 {strides = array<i32>} : memref<2x8x32xi32, #tpu.memory_space<vmem>>, vector<16xi32>,
      %add3A_807 = arith.addi %add3A_106, %broadcast_in_dim3A_779 : vector<16xi32>
      %and3A_808 = arith.andi %add3A_807, %broadcast_in_dim3A_78 : vector<16xi32>
      %add3A_809 = arith.addi %broadcast_in_dim3A_79, %and3A_808 : vector<16xi32>
      %swap3A_810 = arith.constant 1 : i32
      %swap3A_811 = arith.constant 1 : i32
      %swap3A_812 = arith.index_cast %swap3A_810 : i32 to index
      %swap3A_813 = arith.index_cast %swap3A_811 : i32 to index
      %swap3A_814 = arith.constant 16 : index
      %swap3A_815 = tpu.vector_load %arg6[%swap3A_812, %swap3A_813, %swap3A_814] {strides = array<i32>} : memref<2x8x32xi32, #tpu.memory_space<vmem>>, vector<16xi32>,
      tpu.vector_store %arg6[%swap3A_812, %swap3A_813, %swap3A_814], %add3A_809 {strides = array<i32>} : memref<2x8x32xi32, #tpu.memory_space<vmem>>, vector<16xi32>,
      %add3A_816 = arith.addi %add3A_115, %broadcast_in_dim3A_779 : vector<16xi32>
      %and3A_817 = arith.andi %add3A_816, %broadcast_in_dim3A_78 : vector<16xi32>
      %add3A_818 = arith.addi %broadcast_in_dim3A_79, %and3A_817 : vector<16xi32>
      %swap3A_819 = arith.constant 1 : i32
      %swap3A_820 = arith.constant 2 : i32
      %swap3A_821 = arith.index_cast %swap3A_819 : i32 to index
      %swap3A_822 = arith.index_cast %swap3A_820 : i32 to index
      %swap3A_823 = arith.constant 0 : index
      %swap3A_824 = tpu.vector_load %arg6[%swap3A_821, %swap3A_822, %swap3A_823] {strides = array<i32>} : memref<2x8x32xi32, #tpu.memory_space<vmem>>, vector<16xi32>,
      tpu.vector_store %arg6[%swap3A_821, %swap3A_822, %swap3A_823], %add3A_818 {strides = array<i32>} : memref<2x8x32xi32, #tpu.memory_space<vmem>>, vector<16xi32>,
      %add3A_825 = arith.addi %add3A_120, %broadcast_in_dim3A_779 : vector<16xi32>
      %and3A_826 = arith.andi %add3A_825, %broadcast_in_dim3A_78 : vector<16xi32>
      %add3A_827 = arith.addi %broadcast_in_dim3A_79, %and3A_826 : vector<16xi32>
      %swap3A_828 = arith.constant 1 : i32
      %swap3A_829 = arith.constant 2 : i32
      %swap3A_830 = arith.index_cast %swap3A_828 : i32 to index
      %swap3A_831 = arith.index_cast %swap3A_829 : i32 to index
      %swap3A_832 = arith.constant 16 : index
      %swap3A_833 = tpu.vector_load %arg6[%swap3A_830, %swap3A_831, %swap3A_832] {strides = array<i32>} : memref<2x8x32xi32, #tpu.memory_space<vmem>>, vector<16xi32>,
      tpu.vector_store %arg6[%swap3A_830, %swap3A_831, %swap3A_832], %add3A_827 {strides = array<i32>} : memref<2x8x32xi32, #tpu.memory_space<vmem>>, vector<16xi32>,
      %add3A_834 = arith.addi %add3A_129, %broadcast_in_dim3A_779 : vector<16xi32>
      %and3A_835 = arith.andi %add3A_834, %broadcast_in_dim3A_78 : vector<16xi32>
      %add3A_836 = arith.addi %broadcast_in_dim3A_79, %and3A_835 : vector<16xi32>
      %swap3A_837 = arith.constant 1 : i32
      %swap3A_838 = arith.constant 3 : i32
      %swap3A_839 = arith.index_cast %swap3A_837 : i32 to index
      %swap3A_840 = arith.index_cast %swap3A_838 : i32 to index
      %swap3A_841 = arith.constant 0 : index
      %swap3A_842 = tpu.vector_load %arg6[%swap3A_839, %swap3A_840, %swap3A_841] {strides = array<i32>} : memref<2x8x32xi32, #tpu.memory_space<vmem>>, vector<16xi32>,
      tpu.vector_store %arg6[%swap3A_839, %swap3A_840, %swap3A_841], %add3A_836 {strides = array<i32>} : memref<2x8x32xi32, #tpu.memory_space<vmem>>, vector<16xi32>,
      %add3A_843 = arith.addi %add3A_134, %broadcast_in_dim3A_779 : vector<16xi32>
      %and3A_844 = arith.andi %add3A_843, %broadcast_in_dim3A_78 : vector<16xi32>
      %add3A_845 = arith.addi %broadcast_in_dim3A_79, %and3A_844 : vector<16xi32>
      %swap3A_846 = arith.constant 1 : i32
      %swap3A_847 = arith.constant 3 : i32
      %swap3A_848 = arith.index_cast %swap3A_846 : i32 to index
      %swap3A_849 = arith.index_cast %swap3A_847 : i32 to index
      %swap3A_850 = arith.constant 16 : index
      %swap3A_851 = tpu.vector_load %arg6[%swap3A_848, %swap3A_849, %swap3A_850] {strides = array<i32>} : memref<2x8x32xi32, #tpu.memory_space<vmem>>, vector<16xi32>,
      tpu.vector_store %arg6[%swap3A_848, %swap3A_849, %swap3A_850], %add3A_845 {strides = array<i32>} : memref<2x8x32xi32, #tpu.memory_space<vmem>>, vector<16xi32>,
      %add3A_852 = arith.addi %add3A_143, %broadcast_in_dim3A_779 : vector<16xi32>
      %and3A_853 = arith.andi %add3A_852, %broadcast_in_dim3A_78 : vector<16xi32>
      %add3A_854 = arith.addi %broadcast_in_dim3A_79, %and3A_853 : vector<16xi32>
      %swap3A_855 = arith.constant 1 : i32
      %swap3A_856 = arith.constant 4 : i32
      %swap3A_857 = arith.index_cast %swap3A_855 : i32 to index
      %swap3A_858 = arith.index_cast %swap3A_856 : i32 to index
      %swap3A_859 = arith.constant 0 : index
      %swap3A_860 = tpu.vector_load %arg6[%swap3A_857, %swap3A_858, %swap3A_859] {strides = array<i32>} : memref<2x8x32xi32, #tpu.memory_space<vmem>>, vector<16xi32>,
      tpu.vector_store %arg6[%swap3A_857, %swap3A_858, %swap3A_859], %add3A_854 {strides = array<i32>} : memref<2x8x32xi32, #tpu.memory_space<vmem>>, vector<16xi32>,
      %add3A_861 = arith.addi %add3A_148, %broadcast_in_dim3A_779 : vector<16xi32>
      %and3A_862 = arith.andi %add3A_861, %broadcast_in_dim3A_78 : vector<16xi32>
      %add3A_863 = arith.addi %broadcast_in_dim3A_79, %and3A_862 : vector<16xi32>
      %swap3A_864 = arith.constant 1 : i32
      %swap3A_865 = arith.constant 4 : i32
      %swap3A_866 = arith.index_cast %swap3A_864 : i32 to index
      %swap3A_867 = arith.index_cast %swap3A_865 : i32 to index
      %swap3A_868 = arith.constant 16 : index
      %swap3A_869 = tpu.vector_load %arg6[%swap3A_866, %swap3A_867, %swap3A_868] {strides = array<i32>} : memref<2x8x32xi32, #tpu.memory_space<vmem>>, vector<16xi32>,
      tpu.vector_store %arg6[%swap3A_866, %swap3A_867, %swap3A_868], %add3A_863 {strides = array<i32>} : memref<2x8x32xi32, #tpu.memory_space<vmem>>, vector<16xi32>,
      %add3A_870 = arith.addi %add3A_157, %broadcast_in_dim3A_779 : vector<16xi32>
      %and3A_871 = arith.andi %add3A_870, %broadcast_in_dim3A_78 : vector<16xi32>
      %add3A_872 = arith.addi %broadcast_in_dim3A_79, %and3A_871 : vector<16xi32>
      %swap3A_873 = arith.constant 1 : i32
      %swap3A_874 = arith.constant 5 : i32
      %swap3A_875 = arith.index_cast %swap3A_873 : i32 to index
      %swap3A_876 = arith.index_cast %swap3A_874 : i32 to index
      %swap3A_877 = arith.constant 0 : index
      %swap3A_878 = tpu.vector_load %arg6[%swap3A_875, %swap3A_876, %swap3A_877] {strides = array<i32>} : memref<2x8x32xi32, #tpu.memory_space<vmem>>, vector<16xi32>,
      tpu.vector_store %arg6[%swap3A_875, %swap3A_876, %swap3A_877], %add3A_872 {strides = array<i32>} : memref<2x8x32xi32, #tpu.memory_space<vmem>>, vector<16xi32>,
      %add3A_879 = arith.addi %add3A_162, %broadcast_in_dim3A_779 : vector<16xi32>
      %and3A_880 = arith.andi %add3A_879, %broadcast_in_dim3A_78 : vector<16xi32>
      %add3A_881 = arith.addi %broadcast_in_dim3A_79, %and3A_880 : vector<16xi32>
      %swap3A_882 = arith.constant 1 : i32
      %swap3A_883 = arith.constant 5 : i32
      %swap3A_884 = arith.index_cast %swap3A_882 : i32 to index
      %swap3A_885 = arith.index_cast %swap3A_883 : i32 to index
      %swap3A_886 = arith.constant 16 : index
      %swap3A_887 = tpu.vector_load %arg6[%swap3A_884, %swap3A_885, %swap3A_886] {strides = array<i32>} : memref<2x8x32xi32, #tpu.memory_space<vmem>>, vector<16xi32>,
      tpu.vector_store %arg6[%swap3A_884, %swap3A_885, %swap3A_886], %add3A_881 {strides = array<i32>} : memref<2x8x32xi32, #tpu.memory_space<vmem>>, vector<16xi32>,
      %add3A_888 = arith.addi %add3A_171, %broadcast_in_dim3A_779 : vector<16xi32>
      %and3A_889 = arith.andi %add3A_888, %broadcast_in_dim3A_78 : vector<16xi32>
      %add3A_890 = arith.addi %broadcast_in_dim3A_79, %and3A_889 : vector<16xi32>
      %swap3A_891 = arith.constant 1 : i32
      %swap3A_892 = arith.constant 6 : i32
      %swap3A_893 = arith.index_cast %swap3A_891 : i32 to index
      %swap3A_894 = arith.index_cast %swap3A_892 : i32 to index
      %swap3A_895 = arith.constant 0 : index
      %swap3A_896 = tpu.vector_load %arg6[%swap3A_893, %swap3A_894, %swap3A_895] {strides = array<i32>} : memref<2x8x32xi32, #tpu.memory_space<vmem>>, vector<16xi32>,
      tpu.vector_store %arg6[%swap3A_893, %swap3A_894, %swap3A_895], %add3A_890 {strides = array<i32>} : memref<2x8x32xi32, #tpu.memory_space<vmem>>, vector<16xi32>,
      %add3A_897 = arith.addi %add3A_176, %broadcast_in_dim3A_779 : vector<16xi32>
      %and3A_898 = arith.andi %add3A_897, %broadcast_in_dim3A_78 : vector<16xi32>
      %add3A_899 = arith.addi %broadcast_in_dim3A_79, %and3A_898 : vector<16xi32>
      %swap3A_900 = arith.constant 1 : i32
      %swap3A_901 = arith.constant 6 : i32
      %swap3A_902 = arith.index_cast %swap3A_900 : i32 to index
      %swap3A_903 = arith.index_cast %swap3A_901 : i32 to index
      %swap3A_904 = arith.constant 16 : index
      %swap3A_905 = tpu.vector_load %arg6[%swap3A_902, %swap3A_903, %swap3A_904] {strides = array<i32>} : memref<2x8x32xi32, #tpu.memory_space<vmem>>, vector<16xi32>,
      tpu.vector_store %arg6[%swap3A_902, %swap3A_903, %swap3A_904], %add3A_899 {strides = array<i32>} : memref<2x8x32xi32, #tpu.memory_space<vmem>>, vector<16xi32>,
      %add3A_906 = arith.addi %add3A_185, %broadcast_in_dim3A_779 : vector<16xi32>
      %and3A_907 = arith.andi %add3A_906, %broadcast_in_dim3A_78 : vector<16xi32>
      %add3A_908 = arith.addi %broadcast_in_dim3A_79, %and3A_907 : vector<16xi32>
      %swap3A_909 = arith.constant 1 : i32
      %swap3A_910 = arith.constant 7 : i32
      %swap3A_911 = arith.index_cast %swap3A_909 : i32 to index
      %swap3A_912 = arith.index_cast %swap3A_910 : i32 to index
      %swap3A_913 = arith.constant 0 : index
      %swap3A_914 = tpu.vector_load %arg6[%swap3A_911, %swap3A_912, %swap3A_913] {strides = array<i32>} : memref<2x8x32xi32, #tpu.memory_space<vmem>>, vector<16xi32>,
      tpu.vector_store %arg6[%swap3A_911, %swap3A_912, %swap3A_913], %add3A_908 {strides = array<i32>} : memref<2x8x32xi32, #tpu.memory_space<vmem>>, vector<16xi32>,
      %add3A_915 = arith.addi %add3A_190, %broadcast_in_dim3A_779 : vector<16xi32>
      %and3A_916 = arith.andi %add3A_915, %broadcast_in_dim3A_78 : vector<16xi32>
      %add3A_917 = arith.addi %broadcast_in_dim3A_79, %and3A_916 : vector<16xi32>
      %swap3A_918 = arith.constant 1 : i32
      %swap3A_919 = arith.constant 7 : i32
      %swap3A_920 = arith.index_cast %swap3A_918 : i32 to index
      %swap3A_921 = arith.index_cast %swap3A_919 : i32 to index
      %swap3A_922 = arith.constant 16 : index
      %swap3A_923 = tpu.vector_load %arg6[%swap3A_920, %swap3A_921, %swap3A_922] {strides = array<i32>} : memref<2x8x32xi32, #tpu.memory_space<vmem>>, vector<16xi32>,
      tpu.vector_store %arg6[%swap3A_920, %swap3A_921, %swap3A_922], %add3A_917 {strides = array<i32>} : memref<2x8x32xi32, #tpu.memory_space<vmem>>, vector<16xi32>,
      %dma_start3A_924 = arith.constant 1 : i32
      %dma_start3A_925 = arith.constant 0 : i32
      %dma_start3A_926 = arith.constant 1 : i32
      %dma_start3A_927 = arith.constant 0 : i32
      %dma_start3A_928 = arith.constant 0 : i32
      %dma_start3A_929 = tpu.memref_slice %arg7[%dma_start3A_926, %dma_start3A_927, %dma_start3A_928] : memref<2x32x1024xf32, #tpu.memory_space<vmem>> -> memref<1x32x1024xf32, #tpu.memory_space<vmem>>
      %dma_start3A_930 = tpu.memref_squeeze %dma_start3A_929 : memref<1x32x1024xf32, #tpu.memory_space<vmem>> -> memref<32x1024xf32, #tpu.memory_space<vmem>>
      %dma_start3A_931 = arith.constant 0 : i32
      %dma_start3A_932 = arith.constant 0 : i32
      %dma_start3A_933 = tpu.memref_slice %dma_start3A_930[%dma_start3A_931, %dma_start3A_932] : memref<32x1024xf32, #tpu.memory_space<vmem>> -> memref<32x128xf32, #tpu.memory_space<vmem>>
      %dma_start3A_934 = arith.constant 0 : i32
      %dma_start3A_935 = tpu.memref_slice %arg6[%dma_start3A_924, %dma_start3A_925, %dma_start3A_934] : memref<2x8x32xi32, #tpu.memory_space<vmem>> -> memref<1x1x32xi32, #tpu.memory_space<vmem>>
      %dma_start3A_936 = tpu.memref_squeeze %dma_start3A_935 : memref<1x1x32xi32, #tpu.memory_space<vmem>> -> memref<32xi32, #tpu.memory_space<vmem>>
      %dma_start3A_937 = arith.constant 0 : i32
      %dma_start3A_938 = arith.constant 0 : i32
      %dma_start3A_939 = tpu.memref_slice %arg2[%dma_start3A_937, %dma_start3A_938] : memref<8192x1024xf32, #tpu.memory_space<hbm>> -> memref<8192x128xf32, #tpu.memory_space<hbm>>
      tpu.enqueue_indirect_dma source(%dma_start3A_939 : memref<8192x128xf32, #tpu.memory_space<hbm>>) target(%dma_start3A_933 : memref<32x128xf32, #tpu.memory_space<vmem>>) offsets(%dma_start3A_936 : memref<32xi32, #tpu.memory_space<vmem>>) semaphore(%arg9 : memref<!tpu.dma_semaphore, #tpu.memory_space<semaphore_mem>>)
      %dma_start3A_940 = arith.constant 1 : i32
      %dma_start3A_941 = arith.constant 1 : i32
      %dma_start3A_942 = arith.constant 1 : i32
      %dma_start3A_943 = arith.constant 0 : i32
      %dma_start3A_944 = arith.constant 0 : i32
      %dma_start3A_945 = tpu.memref_slice %arg7[%dma_start3A_942, %dma_start3A_943, %dma_start3A_944] : memref<2x32x1024xf32, #tpu.memory_space<vmem>> -> memref<1x32x1024xf32, #tpu.memory_space<vmem>>
      %dma_start3A_946 = tpu.memref_squeeze %dma_start3A_945 : memref<1x32x1024xf32, #tpu.memory_space<vmem>> -> memref<32x1024xf32, #tpu.memory_space<vmem>>
      %dma_start3A_947 = arith.constant 0 : i32
      %dma_start3A_948 = arith.constant 128 : i32
      %dma_start3A_949 = tpu.memref_slice %dma_start3A_946[%dma_start3A_947, %dma_start3A_948] : memref<32x1024xf32, #tpu.memory_space<vmem>> -> memref<32x128xf32, #tpu.memory_space<vmem>>
      %dma_start3A_950 = arith.constant 0 : i32
      %dma_start3A_951 = tpu.memref_slice %arg6[%dma_start3A_940, %dma_start3A_941, %dma_start3A_950] : memref<2x8x32xi32, #tpu.memory_space<vmem>> -> memref<1x1x32xi32, #tpu.memory_space<vmem>>
      %dma_start3A_952 = tpu.memref_squeeze %dma_start3A_951 : memref<1x1x32xi32, #tpu.memory_space<vmem>> -> memref<32xi32, #tpu.memory_space<vmem>>
      %dma_start3A_953 = arith.constant 0 : i32
      %dma_start3A_954 = arith.constant 128 : i32
      %dma_start3A_955 = tpu.memref_slice %arg2[%dma_start3A_953, %dma_start3A_954] : memref<8192x1024xf32, #tpu.memory_space<hbm>> -> memref<8192x128xf32, #tpu.memory_space<hbm>>
      tpu.enqueue_indirect_dma source(%dma_start3A_955 : memref<8192x128xf32, #tpu.memory_space<hbm>>) target(%dma_start3A_949 : memref<32x128xf32, #tpu.memory_space<vmem>>) offsets(%dma_start3A_952 : memref<32xi32, #tpu.memory_space<vmem>>) semaphore(%arg9 : memref<!tpu.dma_semaphore, #tpu.memory_space<semaphore_mem>>)
      %dma_start3A_956 = arith.constant 1 : i32
      %dma_start3A_957 = arith.constant 2 : i32
      %dma_start3A_958 = arith.constant 1 : i32
      %dma_start3A_959 = arith.constant 0 : i32
      %dma_start3A_960 = arith.constant 0 : i32
      %dma_start3A_961 = tpu.memref_slice %arg7[%dma_start3A_958, %dma_start3A_959, %dma_start3A_960] : memref<2x32x1024xf32, #tpu.memory_space<vmem>> -> memref<1x32x1024xf32, #tpu.memory_space<vmem>>
      %dma_start3A_962 = tpu.memref_squeeze %dma_start3A_961 : memref<1x32x1024xf32, #tpu.memory_space<vmem>> -> memref<32x1024xf32, #tpu.memory_space<vmem>>
      %dma_start3A_963 = arith.constant 0 : i32
      %dma_start3A_964 = arith.constant 256 : i32
      %dma_start3A_965 = tpu.memref_slice %dma_start3A_962[%dma_start3A_963, %dma_start3A_964] : memref<32x1024xf32, #tpu.memory_space<vmem>> -> memref<32x128xf32, #tpu.memory_space<vmem>>
      %dma_start3A_966 = arith.constant 0 : i32
      %dma_start3A_967 = tpu.memref_slice %arg6[%dma_start3A_956, %dma_start3A_957, %dma_start3A_966] : memref<2x8x32xi32, #tpu.memory_space<vmem>> -> memref<1x1x32xi32, #tpu.memory_space<vmem>>
      %dma_start3A_968 = tpu.memref_squeeze %dma_start3A_967 : memref<1x1x32xi32, #tpu.memory_space<vmem>> -> memref<32xi32, #tpu.memory_space<vmem>>
      %dma_start3A_969 = arith.constant 0 : i32
      %dma_start3A_970 = arith.constant 256 : i32
      %dma_start3A_971 = tpu.memref_slice %arg2[%dma_start3A_969, %dma_start3A_970] : memref<8192x1024xf32, #tpu.memory_space<hbm>> -> memref<8192x128xf32, #tpu.memory_space<hbm>>
      tpu.enqueue_indirect_dma source(%dma_start3A_971 : memref<8192x128xf32, #tpu.memory_space<hbm>>) target(%dma_start3A_965 : memref<32x128xf32, #tpu.memory_space<vmem>>) offsets(%dma_start3A_968 : memref<32xi32, #tpu.memory_space<vmem>>) semaphore(%arg9 : memref<!tpu.dma_semaphore, #tpu.memory_space<semaphore_mem>>)
      %dma_start3A_972 = arith.constant 1 : i32
      %dma_start3A_973 = arith.constant 3 : i32
      %dma_start3A_974 = arith.constant 1 : i32
      %dma_start3A_975 = arith.constant 0 : i32
      %dma_start3A_976 = arith.constant 0 : i32
      %dma_start3A_977 = tpu.memref_slice %arg7[%dma_start3A_974, %dma_start3A_975, %dma_start3A_976] : memref<2x32x1024xf32, #tpu.memory_space<vmem>> -> memref<1x32x1024xf32, #tpu.memory_space<vmem>>
      %dma_start3A_978 = tpu.memref_squeeze %dma_start3A_977 : memref<1x32x1024xf32, #tpu.memory_space<vmem>> -> memref<32x1024xf32, #tpu.memory_space<vmem>>
      %dma_start3A_979 = arith.constant 0 : i32
      %dma_start3A_980 = arith.constant 384 : i32
      %dma_start3A_981 = tpu.memref_slice %dma_start3A_978[%dma_start3A_979, %dma_start3A_980] : memref<32x1024xf32, #tpu.memory_space<vmem>> -> memref<32x128xf32, #tpu.memory_space<vmem>>
      %dma_start3A_982 = arith.constant 0 : i32
      %dma_start3A_983 = tpu.memref_slice %arg6[%dma_start3A_972, %dma_start3A_973, %dma_start3A_982] : memref<2x8x32xi32, #tpu.memory_space<vmem>> -> memref<1x1x32xi32, #tpu.memory_space<vmem>>
      %dma_start3A_984 = tpu.memref_squeeze %dma_start3A_983 : memref<1x1x32xi32, #tpu.memory_space<vmem>> -> memref<32xi32, #tpu.memory_space<vmem>>
      %dma_start3A_985 = arith.constant 0 : i32
      %dma_start3A_986 = arith.constant 384 : i32
      %dma_start3A_987 = tpu.memref_slice %arg2[%dma_start3A_985, %dma_start3A_986] : memref<8192x1024xf32, #tpu.memory_space<hbm>> -> memref<8192x128xf32, #tpu.memory_space<hbm>>
      tpu.enqueue_indirect_dma source(%dma_start3A_987 : memref<8192x128xf32, #tpu.memory_space<hbm>>) target(%dma_start3A_981 : memref<32x128xf32, #tpu.memory_space<vmem>>) offsets(%dma_start3A_984 : memref<32xi32, #tpu.memory_space<vmem>>) semaphore(%arg9 : memref<!tpu.dma_semaphore, #tpu.memory_space<semaphore_mem>>)
      %dma_start3A_988 = arith.constant 1 : i32
      %dma_start3A_989 = arith.constant 4 : i32
      %dma_start3A_990 = arith.constant 1 : i32
      %dma_start3A_991 = arith.constant 0 : i32
      %dma_start3A_992 = arith.constant 0 : i32
      %dma_start3A_993 = tpu.memref_slice %arg7[%dma_start3A_990, %dma_start3A_991, %dma_start3A_992] : memref<2x32x1024xf32, #tpu.memory_space<vmem>> -> memref<1x32x1024xf32, #tpu.memory_space<vmem>>
      %dma_start3A_994 = tpu.memref_squeeze %dma_start3A_993 : memref<1x32x1024xf32, #tpu.memory_space<vmem>> -> memref<32x1024xf32, #tpu.memory_space<vmem>>
      %dma_start3A_995 = arith.constant 0 : i32
      %dma_start3A_996 = arith.constant 512 : i32
      %dma_start3A_997 = tpu.memref_slice %dma_start3A_994[%dma_start3A_995, %dma_start3A_996] : memref<32x1024xf32, #tpu.memory_space<vmem>> -> memref<32x128xf32, #tpu.memory_space<vmem>>
      %dma_start3A_998 = arith.constant 0 : i32
      %dma_start3A_999 = tpu.memref_slice %arg6[%dma_start3A_988, %dma_start3A_989, %dma_start3A_998] : memref<2x8x32xi32, #tpu.memory_space<vmem>> -> memref<1x1x32xi32, #tpu.memory_space<vmem>>
      %dma_start3A_1000 = tpu.memref_squeeze %dma_start3A_999 : memref<1x1x32xi32, #tpu.memory_space<vmem>> -> memref<32xi32, #tpu.memory_space<vmem>>
      %dma_start3A_1001 = arith.constant 0 : i32
      %dma_start3A_1002 = arith.constant 512 : i32
      %dma_start3A_1003 = tpu.memref_slice %arg2[%dma_start3A_1001, %dma_start3A_1002] : memref<8192x1024xf32, #tpu.memory_space<hbm>> -> memref<8192x128xf32, #tpu.memory_space<hbm>>
      tpu.enqueue_indirect_dma source(%dma_start3A_1003 : memref<8192x128xf32, #tpu.memory_space<hbm>>) target(%dma_start3A_997 : memref<32x128xf32, #tpu.memory_space<vmem>>) offsets(%dma_start3A_1000 : memref<32xi32, #tpu.memory_space<vmem>>) semaphore(%arg9 : memref<!tpu.dma_semaphore, #tpu.memory_space<semaphore_mem>>)
      %dma_start3A_1004 = arith.constant 1 : i32
      %dma_start3A_1005 = arith.constant 5 : i32
      %dma_start3A_1006 = arith.constant 1 : i32
      %dma_start3A_1007 = arith.constant 0 : i32
      %dma_start3A_1008 = arith.constant 0 : i32
      %dma_start3A_1009 = tpu.memref_slice %arg7[%dma_start3A_1006, %dma_start3A_1007, %dma_start3A_1008] : memref<2x32x1024xf32, #tpu.memory_space<vmem>> -> memref<1x32x1024xf32, #tpu.memory_space<vmem>>
      %dma_start3A_1010 = tpu.memref_squeeze %dma_start3A_1009 : memref<1x32x1024xf32, #tpu.memory_space<vmem>> -> memref<32x1024xf32, #tpu.memory_space<vmem>>
      %dma_start3A_1011 = arith.constant 0 : i32
      %dma_start3A_1012 = arith.constant 640 : i32
      %dma_start3A_1013 = tpu.memref_slice %dma_start3A_1010[%dma_start3A_1011, %dma_start3A_1012] : memref<32x1024xf32, #tpu.memory_space<vmem>> -> memref<32x128xf32, #tpu.memory_space<vmem>>
      %dma_start3A_1014 = arith.constant 0 : i32
      %dma_start3A_1015 = tpu.memref_slice %arg6[%dma_start3A_1004, %dma_start3A_1005, %dma_start3A_1014] : memref<2x8x32xi32, #tpu.memory_space<vmem>> -> memref<1x1x32xi32, #tpu.memory_space<vmem>>
      %dma_start3A_1016 = tpu.memref_squeeze %dma_start3A_1015 : memref<1x1x32xi32, #tpu.memory_space<vmem>> -> memref<32xi32, #tpu.memory_space<vmem>>
      %dma_start3A_1017 = arith.constant 0 : i32
      %dma_start3A_1018 = arith.constant 640 : i32
      %dma_start3A_1019 = tpu.memref_slice %arg2[%dma_start3A_1017, %dma_start3A_1018] : memref<8192x1024xf32, #tpu.memory_space<hbm>> -> memref<8192x128xf32, #tpu.memory_space<hbm>>
      tpu.enqueue_indirect_dma source(%dma_start3A_1019 : memref<8192x128xf32, #tpu.memory_space<hbm>>) target(%dma_start3A_1013 : memref<32x128xf32, #tpu.memory_space<vmem>>) offsets(%dma_start3A_1016 : memref<32xi32, #tpu.memory_space<vmem>>) semaphore(%arg9 : memref<!tpu.dma_semaphore, #tpu.memory_space<semaphore_mem>>)
      %dma_start3A_1020 = arith.constant 1 : i32
      %dma_start3A_1021 = arith.constant 6 : i32
      %dma_start3A_1022 = arith.constant 1 : i32
      %dma_start3A_1023 = arith.constant 0 : i32
      %dma_start3A_1024 = arith.constant 0 : i32
      %dma_start3A_1025 = tpu.memref_slice %arg7[%dma_start3A_1022, %dma_start3A_1023, %dma_start3A_1024] : memref<2x32x1024xf32, #tpu.memory_space<vmem>> -> memref<1x32x1024xf32, #tpu.memory_space<vmem>>
      %dma_start3A_1026 = tpu.memref_squeeze %dma_start3A_1025 : memref<1x32x1024xf32, #tpu.memory_space<vmem>> -> memref<32x1024xf32, #tpu.memory_space<vmem>>
      %dma_start3A_1027 = arith.constant 0 : i32
      %dma_start3A_1028 = arith.constant 768 : i32
      %dma_start3A_1029 = tpu.memref_slice %dma_start3A_1026[%dma_start3A_1027, %dma_start3A_1028] : memref<32x1024xf32, #tpu.memory_space<vmem>> -> memref<32x128xf32, #tpu.memory_space<vmem>>
      %dma_start3A_1030 = arith.constant 0 : i32
      %dma_start3A_1031 = tpu.memref_slice %arg6[%dma_start3A_1020, %dma_start3A_1021, %dma_start3A_1030] : memref<2x8x32xi32, #tpu.memory_space<vmem>> -> memref<1x1x32xi32, #tpu.memory_space<vmem>>
      %dma_start3A_1032 = tpu.memref_squeeze %dma_start3A_1031 : memref<1x1x32xi32, #tpu.memory_space<vmem>> -> memref<32xi32, #tpu.memory_space<vmem>>
      %dma_start3A_1033 = arith.constant 0 : i32
      %dma_start3A_1034 = arith.constant 768 : i32
      %dma_start3A_1035 = tpu.memref_slice %arg2[%dma_start3A_1033, %dma_start3A_1034] : memref<8192x1024xf32, #tpu.memory_space<hbm>> -> memref<8192x128xf32, #tpu.memory_space<hbm>>
      tpu.enqueue_indirect_dma source(%dma_start3A_1035 : memref<8192x128xf32, #tpu.memory_space<hbm>>) target(%dma_start3A_1029 : memref<32x128xf32, #tpu.memory_space<vmem>>) offsets(%dma_start3A_1032 : memref<32xi32, #tpu.memory_space<vmem>>) semaphore(%arg9 : memref<!tpu.dma_semaphore, #tpu.memory_space<semaphore_mem>>)
      %dma_start3A_1036 = arith.constant 1 : i32
      %dma_start3A_1037 = arith.constant 7 : i32
      %dma_start3A_1038 = arith.constant 1 : i32
      %dma_start3A_1039 = arith.constant 0 : i32
      %dma_start3A_1040 = arith.constant 0 : i32
      %dma_start3A_1041 = tpu.memref_slice %arg7[%dma_start3A_1038, %dma_start3A_1039, %dma_start3A_1040] : memref<2x32x1024xf32, #tpu.memory_space<vmem>> -> memref<1x32x1024xf32, #tpu.memory_space<vmem>>
      %dma_start3A_1042 = tpu.memref_squeeze %dma_start3A_1041 : memref<1x32x1024xf32, #tpu.memory_space<vmem>> -> memref<32x1024xf32, #tpu.memory_space<vmem>>
      %dma_start3A_1043 = arith.constant 0 : i32
      %dma_start3A_1044 = arith.constant 896 : i32
      %dma_start3A_1045 = tpu.memref_slice %dma_start3A_1042[%dma_start3A_1043, %dma_start3A_1044] : memref<32x1024xf32, #tpu.memory_space<vmem>> -> memref<32x128xf32, #tpu.memory_space<vmem>>
      %dma_start3A_1046 = arith.constant 0 : i32
      %dma_start3A_1047 = tpu.memref_slice %arg6[%dma_start3A_1036, %dma_start3A_1037, %dma_start3A_1046] : memref<2x8x32xi32, #tpu.memory_space<vmem>> -> memref<1x1x32xi32, #tpu.memory_space<vmem>>
      %dma_start3A_1048 = tpu.memref_squeeze %dma_start3A_1047 : memref<1x1x32xi32, #tpu.memory_space<vmem>> -> memref<32xi32, #tpu.memory_space<vmem>>
      %dma_start3A_1049 = arith.constant 0 : i32
      %dma_start3A_1050 = arith.constant 896 : i32
      %dma_start3A_1051 = tpu.memref_slice %arg2[%dma_start3A_1049, %dma_start3A_1050] : memref<8192x1024xf32, #tpu.memory_space<hbm>> -> memref<8192x128xf32, #tpu.memory_space<hbm>>
      tpu.enqueue_indirect_dma source(%dma_start3A_1051 : memref<8192x128xf32, #tpu.memory_space<hbm>>) target(%dma_start3A_1045 : memref<32x128xf32, #tpu.memory_space<vmem>>) offsets(%dma_start3A_1048 : memref<32xi32, #tpu.memory_space<vmem>>) semaphore(%arg9 : memref<!tpu.dma_semaphore, #tpu.memory_space<semaphore_mem>>)
      %dma_wait3A_1052 = arith.constant 0 : i32
      %dma_wait3A_1053 = arith.constant 0 : i32
      %dma_wait3A_1054 = arith.constant 0 : i32
      %dma_wait3A_1055 = arith.constant 0 : i32
      %dma_wait3A_1056 = arith.constant 0 : i32
      %dma_wait3A_1057 = tpu.memref_slice %arg7[%dma_wait3A_1054, %dma_wait3A_1055, %dma_wait3A_1056] : memref<2x32x1024xf32, #tpu.memory_space<vmem>> -> memref<1x32x1024xf32, #tpu.memory_space<vmem>>
      %dma_wait3A_1058 = tpu.memref_squeeze %dma_wait3A_1057 : memref<1x32x1024xf32, #tpu.memory_space<vmem>> -> memref<32x1024xf32, #tpu.memory_space<vmem>>
      %dma_wait3A_1059 = arith.constant 0 : i32
      %dma_wait3A_1060 = tpu.memref_slice %arg6[%dma_wait3A_1052, %dma_wait3A_1053, %dma_wait3A_1059] : memref<2x8x32xi32, #tpu.memory_space<vmem>> -> memref<1x1x32xi32, #tpu.memory_space<vmem>>
      %dma_wait3A_1061 = tpu.memref_squeeze %dma_wait3A_1060 : memref<1x1x32xi32, #tpu.memory_space<vmem>> -> memref<32xi32, #tpu.memory_space<vmem>>
      %dma_wait3A_1062 = arith.constant 0 : i32
      %dma_wait3A_1063 = arith.constant 0 : i32
      %dma_wait3A_1064 = tpu.memref_slice %arg2[%dma_wait3A_1062, %dma_wait3A_1063] : memref<8192x1024xf32, #tpu.memory_space<hbm>> -> memref<8192x1024xf32, #tpu.memory_space<hbm>>
      tpu.wait_indirect_dma semaphore(%arg8 : memref<!tpu.dma_semaphore, #tpu.memory_space<semaphore_mem>>) src(%dma_wait3A_1064 : memref<8192x1024xf32, #tpu.memory_space<hbm>>) dst(%dma_wait3A_1058 : memref<32x1024xf32, #tpu.memory_space<vmem>>)
      %mul3A_1065 = arith.constant 32 : i32
      %mul3A_1066 = arith.muli %mul3A_774, %mul3A_1065 : i32
      %add3A_1067 = arith.addi %mul3A_2, %mul3A_1066 : i32
      %run_scoped3A_1068 = arith.constant 0 : i32
      "tpu.region"() ({
        %run_scoped3A_1365 = tpu.sem_alloc : memref<!tpu.dma_semaphore, #tpu.memory_space<semaphore_mem>>
        %dma_start3A_1366 = arith.constant 0 : i32
        %dma_start3A_1367 = arith.constant 0 : i32
        %dma_start3A_1368 = tpu.memref_slice %arg7[%run_scoped3A_1068, %dma_start3A_1366, %dma_start3A_1367] : memref<2x32x1024xf32, #tpu.memory_space<vmem>> -> memref<1x32x1024xf32, #tpu.memory_space<vmem>>
        %dma_start3A_1369 = tpu.memref_squeeze %dma_start3A_1368 : memref<1x32x1024xf32, #tpu.memory_space<vmem>> -> memref<32x1024xf32, #tpu.memory_space<vmem>>
        %dma_start3A_1370 = arith.constant 0 : i32
        %dma_start3A_1371 = tpu.memref_slice %arg4[%add3A_1067, %dma_start3A_1370] : memref<32768x1024xf32, #tpu.memory_space<hbm>> -> memref<32x1024xf32, #tpu.memory_space<hbm>>
        %dma_start3A_1372 = arith.constant 0 : i32
        %dma_start3A_1373 = tpu.memref_slice %arg4[%add3A_1067, %dma_start3A_1372] : memref<32768x1024xf32, #tpu.memory_space<hbm>> -> memref<32x1024xf32, #tpu.memory_space<hbm>>
        %dma_start3A_1374 = arith.constant 0 : i32
        %dma_start3A_1375 = arith.constant 0 : i32
        %dma_start3A_1376 = tpu.memref_slice %arg7[%run_scoped3A_1068, %dma_start3A_1374, %dma_start3A_1375] : memref<2x32x1024xf32, #tpu.memory_space<vmem>> -> memref<1x32x1024xf32, #tpu.memory_space<vmem>>
        %dma_start3A_1377 = tpu.memref_squeeze %dma_start3A_1376 : memref<1x32x1024xf32, #tpu.memory_space<vmem>> -> memref<32x1024xf32, #tpu.memory_space<vmem>>
        tpu.enqueue_dma source(%dma_start3A_1377 : memref<32x1024xf32, #tpu.memory_space<vmem>>) target(%dma_start3A_1373 : memref<32x1024xf32, #tpu.memory_space<hbm>>) target_semaphore(%run_scoped3A_1365 : memref<!tpu.dma_semaphore, #tpu.memory_space<semaphore_mem>>)
        %dma_wait3A_1378 = arith.constant 0 : i32
        %dma_wait3A_1379 = arith.constant 0 : i32
        %dma_wait3A_1380 = tpu.memref_slice %arg7[%run_scoped3A_1068, %dma_wait3A_1378, %dma_wait3A_1379] : memref<2x32x1024xf32, #tpu.memory_space<vmem>> -> memref<1x32x1024xf32, #tpu.memory_space<vmem>>
        %dma_wait3A_1381 = tpu.memref_squeeze %dma_wait3A_1380 : memref<1x32x1024xf32, #tpu.memory_space<vmem>> -> memref<32x1024xf32, #tpu.memory_space<vmem>>
        %dma_wait3A_1382 = arith.constant 0 : i32
        %dma_wait3A_1383 = tpu.memref_slice %arg4[%add3A_1067, %dma_wait3A_1382] : memref<32768x1024xf32, #tpu.memory_space<hbm>> -> memref<32x1024xf32, #tpu.memory_space<hbm>>
        %dma_wait3A_1384 = arith.constant 0 : i32
        %dma_wait3A_1385 = tpu.memref_slice %arg4[%add3A_1067, %dma_wait3A_1384] : memref<32768x1024xf32, #tpu.memory_space<hbm>> -> memref<32x1024xf32, #tpu.memory_space<hbm>>
        %dma_wait3A_1386 = arith.constant 0 : i32
        %dma_wait3A_1387 = arith.constant 0 : i32
        %dma_wait3A_1388 = tpu.memref_slice %arg7[%run_scoped3A_1068, %dma_wait3A_1386, %dma_wait3A_1387] : memref<2x32x1024xf32, #tpu.memory_space<vmem>> -> memref<1x32x1024xf32, #tpu.memory_space<vmem>>
        %dma_wait3A_1389 = tpu.memref_squeeze %dma_wait3A_1388 : memref<1x32x1024xf32, #tpu.memory_space<vmem>> -> memref<32x1024xf32, #tpu.memory_space<vmem>>
        tpu.wait_dma2 semaphore(%run_scoped3A_1365 : memref<!tpu.dma_semaphore, #tpu.memory_space<semaphore_mem>>) src(%dma_wait3A_1389 : memref<32x1024xf32, #tpu.memory_space<vmem>>) dst(%dma_wait3A_1385 : memref<32x1024xf32, #tpu.memory_space<hbm>>)
        tpu.yield
      }) : () -> ()
      %add3A_1069 = arith.constant 2 : i32
      %add3A_1070 = arith.addi %mul3A_774, %add3A_1069 : i32
      %mul3A_1071 = arith.constant 32 : i32
      %mul3A_1072 = arith.muli %add3A_1070, %mul3A_1071 : i32
      %broadcast_in_dim3A_1073 = vector.broadcast %mul3A_1072 : i32 to vector<16xi32>
      %add3A_1074 = arith.addi %add3A_87, %broadcast_in_dim3A_1073 : vector<16xi32>
      %and3A_1075 = arith.andi %add3A_1074, %broadcast_in_dim3A_78 : vector<16xi32>
      %add3A_1076 = arith.addi %broadcast_in_dim3A_79, %and3A_1075 : vector<16xi32>
      %swap3A_1077 = arith.constant 0 : i32
      %swap3A_1078 = arith.constant 0 : i32
      %swap3A_1079 = arith.index_cast %swap3A_1077 : i32 to index
      %swap3A_1080 = arith.index_cast %swap3A_1078 : i32 to index
      %swap3A_1081 = arith.constant 0 : index
      %swap3A_1082 = tpu.vector_load %arg6[%swap3A_1079, %swap3A_1080, %swap3A_1081] {strides = array<i32>} : memref<2x8x32xi32, #tpu.memory_space<vmem>>, vector<16xi32>,
      tpu.vector_store %arg6[%swap3A_1079, %swap3A_1080, %swap3A_1081], %add3A_1076 {strides = array<i32>} : memref<2x8x32xi32, #tpu.memory_space<vmem>>, vector<16xi32>,
      %add3A_1083 = arith.addi %add3A_92, %broadcast_in_dim3A_1073 : vector<16xi32>
      %and3A_1084 = arith.andi %add3A_1083, %broadcast_in_dim3A_78 : vector<16xi32>
      %add3A_1085 = arith.addi %broadcast_in_dim3A_79, %and3A_1084 : vector<16xi32>
      %swap3A_1086 = arith.constant 0 : i32
      %swap3A_1087 = arith.constant 0 : i32
      %swap3A_1088 = arith.index_cast %swap3A_1086 : i32 to index
      %swap3A_1089 = arith.index_cast %swap3A_1087 : i32 to index
      %swap3A_1090 = arith.constant 16 : index
      %swap3A_1091 = tpu.vector_load %arg6[%swap3A_1088, %swap3A_1089, %swap3A_1090] {strides = array<i32>} : memref<2x8x32xi32, #tpu.memory_space<vmem>>, vector<16xi32>,
      tpu.vector_store %arg6[%swap3A_1088, %swap3A_1089, %swap3A_1090], %add3A_1085 {strides = array<i32>} : memref<2x8x32xi32, #tpu.memory_space<vmem>>, vector<16xi32>,
      %add3A_1092 = arith.addi %add3A_101, %broadcast_in_dim3A_1073 : vector<16xi32>
      %and3A_1093 = arith.andi %add3A_1092, %broadcast_in_dim3A_78 : vector<16xi32>
      %add3A_1094 = arith.addi %broadcast_in_dim3A_79, %and3A_1093 : vector<16xi32>
      %swap3A_1095 = arith.constant 0 : i32
      %swap3A_1096 = arith.constant 1 : i32
      %swap3A_1097 = arith.index_cast %swap3A_1095 : i32 to index
      %swap3A_1098 = arith.index_cast %swap3A_1096 : i32 to index
      %swap3A_1099 = arith.constant 0 : index
      %swap3A_1100 = tpu.vector_load %arg6[%swap3A_1097, %swap3A_1098, %swap3A_1099] {strides = array<i32>} : memref<2x8x32xi32, #tpu.memory_space<vmem>>, vector<16xi32>,
      tpu.vector_store %arg6[%swap3A_1097, %swap3A_1098, %swap3A_1099], %add3A_1094 {strides = array<i32>} : memref<2x8x32xi32, #tpu.memory_space<vmem>>, vector<16xi32>,
      %add3A_1101 = arith.addi %add3A_106, %broadcast_in_dim3A_1073 : vector<16xi32>
      %and3A_1102 = arith.andi %add3A_1101, %broadcast_in_dim3A_78 : vector<16xi32>
      %add3A_1103 = arith.addi %broadcast_in_dim3A_79, %and3A_1102 : vector<16xi32>
      %swap3A_1104 = arith.constant 0 : i32
      %swap3A_1105 = arith.constant 1 : i32
      %swap3A_1106 = arith.index_cast %swap3A_1104 : i32 to index
      %swap3A_1107 = arith.index_cast %swap3A_1105 : i32 to index
      %swap3A_1108 = arith.constant 16 : index
      %swap3A_1109 = tpu.vector_load %arg6[%swap3A_1106, %swap3A_1107, %swap3A_1108] {strides = array<i32>} : memref<2x8x32xi32, #tpu.memory_space<vmem>>, vector<16xi32>,
      tpu.vector_store %arg6[%swap3A_1106, %swap3A_1107, %swap3A_1108], %add3A_1103 {strides = array<i32>} : memref<2x8x32xi32, #tpu.memory_space<vmem>>, vector<16xi32>,
      %add3A_1110 = arith.addi %add3A_115, %broadcast_in_dim3A_1073 : vector<16xi32>
      %and3A_1111 = arith.andi %add3A_1110, %broadcast_in_dim3A_78 : vector<16xi32>
      %add3A_1112 = arith.addi %broadcast_in_dim3A_79, %and3A_1111 : vector<16xi32>
      %swap3A_1113 = arith.constant 0 : i32
      %swap3A_1114 = arith.constant 2 : i32
      %swap3A_1115 = arith.index_cast %swap3A_1113 : i32 to index
      %swap3A_1116 = arith.index_cast %swap3A_1114 : i32 to index
      %swap3A_1117 = arith.constant 0 : index
      %swap3A_1118 = tpu.vector_load %arg6[%swap3A_1115, %swap3A_1116, %swap3A_1117] {strides = array<i32>} : memref<2x8x32xi32, #tpu.memory_space<vmem>>, vector<16xi32>,
      tpu.vector_store %arg6[%swap3A_1115, %swap3A_1116, %swap3A_1117], %add3A_1112 {strides = array<i32>} : memref<2x8x32xi32, #tpu.memory_space<vmem>>, vector<16xi32>,
      %add3A_1119 = arith.addi %add3A_120, %broadcast_in_dim3A_1073 : vector<16xi32>
      %and3A_1120 = arith.andi %add3A_1119, %broadcast_in_dim3A_78 : vector<16xi32>
      %add3A_1121 = arith.addi %broadcast_in_dim3A_79, %and3A_1120 : vector<16xi32>
      %swap3A_1122 = arith.constant 0 : i32
      %swap3A_1123 = arith.constant 2 : i32
      %swap3A_1124 = arith.index_cast %swap3A_1122 : i32 to index
      %swap3A_1125 = arith.index_cast %swap3A_1123 : i32 to index
      %swap3A_1126 = arith.constant 16 : index
      %swap3A_1127 = tpu.vector_load %arg6[%swap3A_1124, %swap3A_1125, %swap3A_1126] {strides = array<i32>} : memref<2x8x32xi32, #tpu.memory_space<vmem>>, vector<16xi32>,
      tpu.vector_store %arg6[%swap3A_1124, %swap3A_1125, %swap3A_1126], %add3A_1121 {strides = array<i32>} : memref<2x8x32xi32, #tpu.memory_space<vmem>>, vector<16xi32>,
      %add3A_1128 = arith.addi %add3A_129, %broadcast_in_dim3A_1073 : vector<16xi32>
      %and3A_1129 = arith.andi %add3A_1128, %broadcast_in_dim3A_78 : vector<16xi32>
      %add3A_1130 = arith.addi %broadcast_in_dim3A_79, %and3A_1129 : vector<16xi32>
      %swap3A_1131 = arith.constant 0 : i32
      %swap3A_1132 = arith.constant 3 : i32
      %swap3A_1133 = arith.index_cast %swap3A_1131 : i32 to index
      %swap3A_1134 = arith.index_cast %swap3A_1132 : i32 to index
      %swap3A_1135 = arith.constant 0 : index
      %swap3A_1136 = tpu.vector_load %arg6[%swap3A_1133, %swap3A_1134, %swap3A_1135] {strides = array<i32>} : memref<2x8x32xi32, #tpu.memory_space<vmem>>, vector<16xi32>,
      tpu.vector_store %arg6[%swap3A_1133, %swap3A_1134, %swap3A_1135], %add3A_1130 {strides = array<i32>} : memref<2x8x32xi32, #tpu.memory_space<vmem>>, vector<16xi32>,
      %add3A_1137 = arith.addi %add3A_134, %broadcast_in_dim3A_1073 : vector<16xi32>
      %and3A_1138 = arith.andi %add3A_1137, %broadcast_in_dim3A_78 : vector<16xi32>
      %add3A_1139 = arith.addi %broadcast_in_dim3A_79, %and3A_1138 : vector<16xi32>
      %swap3A_1140 = arith.constant 0 : i32
      %swap3A_1141 = arith.constant 3 : i32
      %swap3A_1142 = arith.index_cast %swap3A_1140 : i32 to index
      %swap3A_1143 = arith.index_cast %swap3A_1141 : i32 to index
      %swap3A_1144 = arith.constant 16 : index
      %swap3A_1145 = tpu.vector_load %arg6[%swap3A_1142, %swap3A_1143, %swap3A_1144] {strides = array<i32>} : memref<2x8x32xi32, #tpu.memory_space<vmem>>, vector<16xi32>,
      tpu.vector_store %arg6[%swap3A_1142, %swap3A_1143, %swap3A_1144], %add3A_1139 {strides = array<i32>} : memref<2x8x32xi32, #tpu.memory_space<vmem>>, vector<16xi32>,
      %add3A_1146 = arith.addi %add3A_143, %broadcast_in_dim3A_1073 : vector<16xi32>
      %and3A_1147 = arith.andi %add3A_1146, %broadcast_in_dim3A_78 : vector<16xi32>
      %add3A_1148 = arith.addi %broadcast_in_dim3A_79, %and3A_1147 : vector<16xi32>
      %swap3A_1149 = arith.constant 0 : i32
      %swap3A_1150 = arith.constant 4 : i32
      %swap3A_1151 = arith.index_cast %swap3A_1149 : i32 to index
      %swap3A_1152 = arith.index_cast %swap3A_1150 : i32 to index
      %swap3A_1153 = arith.constant 0 : index
      %swap3A_1154 = tpu.vector_load %arg6[%swap3A_1151, %swap3A_1152, %swap3A_1153] {strides = array<i32>} : memref<2x8x32xi32, #tpu.memory_space<vmem>>, vector<16xi32>,
      tpu.vector_store %arg6[%swap3A_1151, %swap3A_1152, %swap3A_1153], %add3A_1148 {strides = array<i32>} : memref<2x8x32xi32, #tpu.memory_space<vmem>>, vector<16xi32>,
      %add3A_1155 = arith.addi %add3A_148, %broadcast_in_dim3A_1073 : vector<16xi32>
      %and3A_1156 = arith.andi %add3A_1155, %broadcast_in_dim3A_78 : vector<16xi32>
      %add3A_1157 = arith.addi %broadcast_in_dim3A_79, %and3A_1156 : vector<16xi32>
      %swap3A_1158 = arith.constant 0 : i32
      %swap3A_1159 = arith.constant 4 : i32
      %swap3A_1160 = arith.index_cast %swap3A_1158 : i32 to index
      %swap3A_1161 = arith.index_cast %swap3A_1159 : i32 to index
      %swap3A_1162 = arith.constant 16 : index
      %swap3A_1163 = tpu.vector_load %arg6[%swap3A_1160, %swap3A_1161, %swap3A_1162] {strides = array<i32>} : memref<2x8x32xi32, #tpu.memory_space<vmem>>, vector<16xi32>,
      tpu.vector_store %arg6[%swap3A_1160, %swap3A_1161, %swap3A_1162], %add3A_1157 {strides = array<i32>} : memref<2x8x32xi32, #tpu.memory_space<vmem>>, vector<16xi32>,
      %add3A_1164 = arith.addi %add3A_157, %broadcast_in_dim3A_1073 : vector<16xi32>
      %and3A_1165 = arith.andi %add3A_1164, %broadcast_in_dim3A_78 : vector<16xi32>
      %add3A_1166 = arith.addi %broadcast_in_dim3A_79, %and3A_1165 : vector<16xi32>
      %swap3A_1167 = arith.constant 0 : i32
      %swap3A_1168 = arith.constant 5 : i32
      %swap3A_1169 = arith.index_cast %swap3A_1167 : i32 to index
      %swap3A_1170 = arith.index_cast %swap3A_1168 : i32 to index
      %swap3A_1171 = arith.constant 0 : index
      %swap3A_1172 = tpu.vector_load %arg6[%swap3A_1169, %swap3A_1170, %swap3A_1171] {strides = array<i32>} : memref<2x8x32xi32, #tpu.memory_space<vmem>>, vector<16xi32>,
      tpu.vector_store %arg6[%swap3A_1169, %swap3A_1170, %swap3A_1171], %add3A_1166 {strides = array<i32>} : memref<2x8x32xi32, #tpu.memory_space<vmem>>, vector<16xi32>,
      %add3A_1173 = arith.addi %add3A_162, %broadcast_in_dim3A_1073 : vector<16xi32>
      %and3A_1174 = arith.andi %add3A_1173, %broadcast_in_dim3A_78 : vector<16xi32>
      %add3A_1175 = arith.addi %broadcast_in_dim3A_79, %and3A_1174 : vector<16xi32>
      %swap3A_1176 = arith.constant 0 : i32
      %swap3A_1177 = arith.constant 5 : i32
      %swap3A_1178 = arith.index_cast %swap3A_1176 : i32 to index
      %swap3A_1179 = arith.index_cast %swap3A_1177 : i32 to index
      %swap3A_1180 = arith.constant 16 : index
      %swap3A_1181 = tpu.vector_load %arg6[%swap3A_1178, %swap3A_1179, %swap3A_1180] {strides = array<i32>} : memref<2x8x32xi32, #tpu.memory_space<vmem>>, vector<16xi32>,
      tpu.vector_store %arg6[%swap3A_1178, %swap3A_1179, %swap3A_1180], %add3A_1175 {strides = array<i32>} : memref<2x8x32xi32, #tpu.memory_space<vmem>>, vector<16xi32>,
      %add3A_1182 = arith.addi %add3A_171, %broadcast_in_dim3A_1073 : vector<16xi32>
      %and3A_1183 = arith.andi %add3A_1182, %broadcast_in_dim3A_78 : vector<16xi32>
      %add3A_1184 = arith.addi %broadcast_in_dim3A_79, %and3A_1183 : vector<16xi32>
      %swap3A_1185 = arith.constant 0 : i32
      %swap3A_1186 = arith.constant 6 : i32
      %swap3A_1187 = arith.index_cast %swap3A_1185 : i32 to index
      %swap3A_1188 = arith.index_cast %swap3A_1186 : i32 to index
      %swap3A_1189 = arith.constant 0 : index
      %swap3A_1190 = tpu.vector_load %arg6[%swap3A_1187, %swap3A_1188, %swap3A_1189] {strides = array<i32>} : memref<2x8x32xi32, #tpu.memory_space<vmem>>, vector<16xi32>,
      tpu.vector_store %arg6[%swap3A_1187, %swap3A_1188, %swap3A_1189], %add3A_1184 {strides = array<i32>} : memref<2x8x32xi32, #tpu.memory_space<vmem>>, vector<16xi32>,
      %add3A_1191 = arith.addi %add3A_176, %broadcast_in_dim3A_1073 : vector<16xi32>
      %and3A_1192 = arith.andi %add3A_1191, %broadcast_in_dim3A_78 : vector<16xi32>
      %add3A_1193 = arith.addi %broadcast_in_dim3A_79, %and3A_1192 : vector<16xi32>
      %swap3A_1194 = arith.constant 0 : i32
      %swap3A_1195 = arith.constant 6 : i32
      %swap3A_1196 = arith.index_cast %swap3A_1194 : i32 to index
      %swap3A_1197 = arith.index_cast %swap3A_1195 : i32 to index
      %swap3A_1198 = arith.constant 16 : index
      %swap3A_1199 = tpu.vector_load %arg6[%swap3A_1196, %swap3A_1197, %swap3A_1198] {strides = array<i32>} : memref<2x8x32xi32, #tpu.memory_space<vmem>>, vector<16xi32>,
      tpu.vector_store %arg6[%swap3A_1196, %swap3A_1197, %swap3A_1198], %add3A_1193 {strides = array<i32>} : memref<2x8x32xi32, #tpu.memory_space<vmem>>, vector<16xi32>,
      %add3A_1200 = arith.addi %add3A_185, %broadcast_in_dim3A_1073 : vector<16xi32>
      %and3A_1201 = arith.andi %add3A_1200, %broadcast_in_dim3A_78 : vector<16xi32>
      %add3A_1202 = arith.addi %broadcast_in_dim3A_79, %and3A_1201 : vector<16xi32>
      %swap3A_1203 = arith.constant 0 : i32
      %swap3A_1204 = arith.constant 7 : i32
      %swap3A_1205 = arith.index_cast %swap3A_1203 : i32 to index
      %swap3A_1206 = arith.index_cast %swap3A_1204 : i32 to index
      %swap3A_1207 = arith.constant 0 : index
      %swap3A_1208 = tpu.vector_load %arg6[%swap3A_1205, %swap3A_1206, %swap3A_1207] {strides = array<i32>} : memref<2x8x32xi32, #tpu.memory_space<vmem>>, vector<16xi32>,
      tpu.vector_store %arg6[%swap3A_1205, %swap3A_1206, %swap3A_1207], %add3A_1202 {strides = array<i32>} : memref<2x8x32xi32, #tpu.memory_space<vmem>>, vector<16xi32>,
      %add3A_1209 = arith.addi %add3A_190, %broadcast_in_dim3A_1073 : vector<16xi32>
      %and3A_1210 = arith.andi %add3A_1209, %broadcast_in_dim3A_78 : vector<16xi32>
      %add3A_1211 = arith.addi %broadcast_in_dim3A_79, %and3A_1210 : vector<16xi32>
      %swap3A_1212 = arith.constant 0 : i32
      %swap3A_1213 = arith.constant 7 : i32
      %swap3A_1214 = arith.index_cast %swap3A_1212 : i32 to index
      %swap3A_1215 = arith.index_cast %swap3A_1213 : i32 to index
      %swap3A_1216 = arith.constant 16 : index
      %swap3A_1217 = tpu.vector_load %arg6[%swap3A_1214, %swap3A_1215, %swap3A_1216] {strides = array<i32>} : memref<2x8x32xi32, #tpu.memory_space<vmem>>, vector<16xi32>,
      tpu.vector_store %arg6[%swap3A_1214, %swap3A_1215, %swap3A_1216], %add3A_1211 {strides = array<i32>} : memref<2x8x32xi32, #tpu.memory_space<vmem>>, vector<16xi32>,
      %dma_start3A_1218 = arith.constant 0 : i32
      %dma_start3A_1219 = arith.constant 0 : i32
      %dma_start3A_1220 = arith.constant 0 : i32
      %dma_start3A_1221 = arith.constant 0 : i32
      %dma_start3A_1222 = arith.constant 0 : i32
      %dma_start3A_1223 = tpu.memref_slice %arg7[%dma_start3A_1220, %dma_start3A_1221, %dma_start3A_1222] : memref<2x32x1024xf32, #tpu.memory_space<vmem>> -> memref<1x32x1024xf32, #tpu.memory_space<vmem>>
      %dma_start3A_1224 = tpu.memref_squeeze %dma_start3A_1223 : memref<1x32x1024xf32, #tpu.memory_space<vmem>> -> memref<32x1024xf32, #tpu.memory_space<vmem>>
      %dma_start3A_1225 = arith.constant 0 : i32
      %dma_start3A_1226 = arith.constant 0 : i32
      %dma_start3A_1227 = tpu.memref_slice %dma_start3A_1224[%dma_start3A_1225, %dma_start3A_1226] : memref<32x1024xf32, #tpu.memory_space<vmem>> -> memref<32x128xf32, #tpu.memory_space<vmem>>
      %dma_start3A_1228 = arith.constant 0 : i32
      %dma_start3A_1229 = tpu.memref_slice %arg6[%dma_start3A_1218, %dma_start3A_1219, %dma_start3A_1228] : memref<2x8x32xi32, #tpu.memory_space<vmem>> -> memref<1x1x32xi32, #tpu.memory_space<vmem>>
      %dma_start3A_1230 = tpu.memref_squeeze %dma_start3A_1229 : memref<1x1x32xi32, #tpu.memory_space<vmem>> -> memref<32xi32, #tpu.memory_space<vmem>>
      %dma_start3A_1231 = arith.constant 0 : i32
      %dma_start3A_1232 = arith.constant 0 : i32
      %dma_start3A_1233 = tpu.memref_slice %arg2[%dma_start3A_1231, %dma_start3A_1232] : memref<8192x1024xf32, #tpu.memory_space<hbm>> -> memref<8192x128xf32, #tpu.memory_space<hbm>>
      tpu.enqueue_indirect_dma source(%dma_start3A_1233 : memref<8192x128xf32, #tpu.memory_space<hbm>>) target(%dma_start3A_1227 : memref<32x128xf32, #tpu.memory_space<vmem>>) offsets(%dma_start3A_1230 : memref<32xi32, #tpu.memory_space<vmem>>) semaphore(%arg8 : memref<!tpu.dma_semaphore, #tpu.memory_space<semaphore_mem>>)
      %dma_start3A_1234 = arith.constant 0 : i32
      %dma_start3A_1235 = arith.constant 1 : i32
      %dma_start3A_1236 = arith.constant 0 : i32
      %dma_start3A_1237 = arith.constant 0 : i32
      %dma_start3A_1238 = arith.constant 0 : i32
      %dma_start3A_1239 = tpu.memref_slice %arg7[%dma_start3A_1236, %dma_start3A_1237, %dma_start3A_1238] : memref<2x32x1024xf32, #tpu.memory_space<vmem>> -> memref<1x32x1024xf32, #tpu.memory_space<vmem>>
      %dma_start3A_1240 = tpu.memref_squeeze %dma_start3A_1239 : memref<1x32x1024xf32, #tpu.memory_space<vmem>> -> memref<32x1024xf32, #tpu.memory_space<vmem>>
      %dma_start3A_1241 = arith.constant 0 : i32
      %dma_start3A_1242 = arith.constant 128 : i32
      %dma_start3A_1243 = tpu.memref_slice %dma_start3A_1240[%dma_start3A_1241, %dma_start3A_1242] : memref<32x1024xf32, #tpu.memory_space<vmem>> -> memref<32x128xf32, #tpu.memory_space<vmem>>
      %dma_start3A_1244 = arith.constant 0 : i32
      %dma_start3A_1245 = tpu.memref_slice %arg6[%dma_start3A_1234, %dma_start3A_1235, %dma_start3A_1244] : memref<2x8x32xi32, #tpu.memory_space<vmem>> -> memref<1x1x32xi32, #tpu.memory_space<vmem>>
      %dma_start3A_1246 = tpu.memref_squeeze %dma_start3A_1245 : memref<1x1x32xi32, #tpu.memory_space<vmem>> -> memref<32xi32, #tpu.memory_space<vmem>>
      %dma_start3A_1247 = arith.constant 0 : i32
      %dma_start3A_1248 = arith.constant 128 : i32
      %dma_start3A_1249 = tpu.memref_slice %arg2[%dma_start3A_1247, %dma_start3A_1248] : memref<8192x1024xf32, #tpu.memory_space<hbm>> -> memref<8192x128xf32, #tpu.memory_space<hbm>>
      tpu.enqueue_indirect_dma source(%dma_start3A_1249 : memref<8192x128xf32, #tpu.memory_space<hbm>>) target(%dma_start3A_1243 : memref<32x128xf32, #tpu.memory_space<vmem>>) offsets(%dma_start3A_1246 : memref<32xi32, #tpu.memory_space<vmem>>) semaphore(%arg8 : memref<!tpu.dma_semaphore, #tpu.memory_space<semaphore_mem>>)
      %dma_start3A_1250 = arith.constant 0 : i32
      %dma_start3A_1251 = arith.constant 2 : i32
      %dma_start3A_1252 = arith.constant 0 : i32
      %dma_start3A_1253 = arith.constant 0 : i32
      %dma_start3A_1254 = arith.constant 0 : i32
      %dma_start3A_1255 = tpu.memref_slice %arg7[%dma_start3A_1252, %dma_start3A_1253, %dma_start3A_1254] : memref<2x32x1024xf32, #tpu.memory_space<vmem>> -> memref<1x32x1024xf32, #tpu.memory_space<vmem>>
      %dma_start3A_1256 = tpu.memref_squeeze %dma_start3A_1255 : memref<1x32x1024xf32, #tpu.memory_space<vmem>> -> memref<32x1024xf32, #tpu.memory_space<vmem>>
      %dma_start3A_1257 = arith.constant 0 : i32
      %dma_start3A_1258 = arith.constant 256 : i32
      %dma_start3A_1259 = tpu.memref_slice %dma_start3A_1256[%dma_start3A_1257, %dma_start3A_1258] : memref<32x1024xf32, #tpu.memory_space<vmem>> -> memref<32x128xf32, #tpu.memory_space<vmem>>
      %dma_start3A_1260 = arith.constant 0 : i32
      %dma_start3A_1261 = tpu.memref_slice %arg6[%dma_start3A_1250, %dma_start3A_1251, %dma_start3A_1260] : memref<2x8x32xi32, #tpu.memory_space<vmem>> -> memref<1x1x32xi32, #tpu.memory_space<vmem>>
      %dma_start3A_1262 = tpu.memref_squeeze %dma_start3A_1261 : memref<1x1x32xi32, #tpu.memory_space<vmem>> -> memref<32xi32, #tpu.memory_space<vmem>>
      %dma_start3A_1263 = arith.constant 0 : i32
      %dma_start3A_1264 = arith.constant 256 : i32
      %dma_start3A_1265 = tpu.memref_slice %arg2[%dma_start3A_1263, %dma_start3A_1264] : memref<8192x1024xf32, #tpu.memory_space<hbm>> -> memref<8192x128xf32, #tpu.memory_space<hbm>>
      tpu.enqueue_indirect_dma source(%dma_start3A_1265 : memref<8192x128xf32, #tpu.memory_space<hbm>>) target(%dma_start3A_1259 : memref<32x128xf32, #tpu.memory_space<vmem>>) offsets(%dma_start3A_1262 : memref<32xi32, #tpu.memory_space<vmem>>) semaphore(%arg8 : memref<!tpu.dma_semaphore, #tpu.memory_space<semaphore_mem>>)
      %dma_start3A_1266 = arith.constant 0 : i32
      %dma_start3A_1267 = arith.constant 3 : i32
      %dma_start3A_1268 = arith.constant 0 : i32
      %dma_start3A_1269 = arith.constant 0 : i32
      %dma_start3A_1270 = arith.constant 0 : i32
      %dma_start3A_1271 = tpu.memref_slice %arg7[%dma_start3A_1268, %dma_start3A_1269, %dma_start3A_1270] : memref<2x32x1024xf32, #tpu.memory_space<vmem>> -> memref<1x32x1024xf32, #tpu.memory_space<vmem>>
      %dma_start3A_1272 = tpu.memref_squeeze %dma_start3A_1271 : memref<1x32x1024xf32, #tpu.memory_space<vmem>> -> memref<32x1024xf32, #tpu.memory_space<vmem>>
      %dma_start3A_1273 = arith.constant 0 : i32
      %dma_start3A_1274 = arith.constant 384 : i32
      %dma_start3A_1275 = tpu.memref_slice %dma_start3A_1272[%dma_start3A_1273, %dma_start3A_1274] : memref<32x1024xf32, #tpu.memory_space<vmem>> -> memref<32x128xf32, #tpu.memory_space<vmem>>
      %dma_start3A_1276 = arith.constant 0 : i32
      %dma_start3A_1277 = tpu.memref_slice %arg6[%dma_start3A_1266, %dma_start3A_1267, %dma_start3A_1276] : memref<2x8x32xi32, #tpu.memory_space<vmem>> -> memref<1x1x32xi32, #tpu.memory_space<vmem>>
      %dma_start3A_1278 = tpu.memref_squeeze %dma_start3A_1277 : memref<1x1x32xi32, #tpu.memory_space<vmem>> -> memref<32xi32, #tpu.memory_space<vmem>>
      %dma_start3A_1279 = arith.constant 0 : i32
      %dma_start3A_1280 = arith.constant 384 : i32
      %dma_start3A_1281 = tpu.memref_slice %arg2[%dma_start3A_1279, %dma_start3A_1280] : memref<8192x1024xf32, #tpu.memory_space<hbm>> -> memref<8192x128xf32, #tpu.memory_space<hbm>>
      tpu.enqueue_indirect_dma source(%dma_start3A_1281 : memref<8192x128xf32, #tpu.memory_space<hbm>>) target(%dma_start3A_1275 : memref<32x128xf32, #tpu.memory_space<vmem>>) offsets(%dma_start3A_1278 : memref<32xi32, #tpu.memory_space<vmem>>) semaphore(%arg8 : memref<!tpu.dma_semaphore, #tpu.memory_space<semaphore_mem>>)
      %dma_start3A_1282 = arith.constant 0 : i32
      %dma_start3A_1283 = arith.constant 4 : i32
      %dma_start3A_1284 = arith.constant 0 : i32
      %dma_start3A_1285 = arith.constant 0 : i32
      %dma_start3A_1286 = arith.constant 0 : i32
      %dma_start3A_1287 = tpu.memref_slice %arg7[%dma_start3A_1284, %dma_start3A_1285, %dma_start3A_1286] : memref<2x32x1024xf32, #tpu.memory_space<vmem>> -> memref<1x32x1024xf32, #tpu.memory_space<vmem>>
      %dma_start3A_1288 = tpu.memref_squeeze %dma_start3A_1287 : memref<1x32x1024xf32, #tpu.memory_space<vmem>> -> memref<32x1024xf32, #tpu.memory_space<vmem>>
      %dma_start3A_1289 = arith.constant 0 : i32
      %dma_start3A_1290 = arith.constant 512 : i32
      %dma_start3A_1291 = tpu.memref_slice %dma_start3A_1288[%dma_start3A_1289, %dma_start3A_1290] : memref<32x1024xf32, #tpu.memory_space<vmem>> -> memref<32x128xf32, #tpu.memory_space<vmem>>
      %dma_start3A_1292 = arith.constant 0 : i32
      %dma_start3A_1293 = tpu.memref_slice %arg6[%dma_start3A_1282, %dma_start3A_1283, %dma_start3A_1292] : memref<2x8x32xi32, #tpu.memory_space<vmem>> -> memref<1x1x32xi32, #tpu.memory_space<vmem>>
      %dma_start3A_1294 = tpu.memref_squeeze %dma_start3A_1293 : memref<1x1x32xi32, #tpu.memory_space<vmem>> -> memref<32xi32, #tpu.memory_space<vmem>>
      %dma_start3A_1295 = arith.constant 0 : i32
      %dma_start3A_1296 = arith.constant 512 : i32
      %dma_start3A_1297 = tpu.memref_slice %arg2[%dma_start3A_1295, %dma_start3A_1296] : memref<8192x1024xf32, #tpu.memory_space<hbm>> -> memref<8192x128xf32, #tpu.memory_space<hbm>>
      tpu.enqueue_indirect_dma source(%dma_start3A_1297 : memref<8192x128xf32, #tpu.memory_space<hbm>>) target(%dma_start3A_1291 : memref<32x128xf32, #tpu.memory_space<vmem>>) offsets(%dma_start3A_1294 : memref<32xi32, #tpu.memory_space<vmem>>) semaphore(%arg8 : memref<!tpu.dma_semaphore, #tpu.memory_space<semaphore_mem>>)
      %dma_start3A_1298 = arith.constant 0 : i32
      %dma_start3A_1299 = arith.constant 5 : i32
      %dma_start3A_1300 = arith.constant 0 : i32
      %dma_start3A_1301 = arith.constant 0 : i32
      %dma_start3A_1302 = arith.constant 0 : i32
      %dma_start3A_1303 = tpu.memref_slice %arg7[%dma_start3A_1300, %dma_start3A_1301, %dma_start3A_1302] : memref<2x32x1024xf32, #tpu.memory_space<vmem>> -> memref<1x32x1024xf32, #tpu.memory_space<vmem>>
      %dma_start3A_1304 = tpu.memref_squeeze %dma_start3A_1303 : memref<1x32x1024xf32, #tpu.memory_space<vmem>> -> memref<32x1024xf32, #tpu.memory_space<vmem>>
      %dma_start3A_1305 = arith.constant 0 : i32
      %dma_start3A_1306 = arith.constant 640 : i32
      %dma_start3A_1307 = tpu.memref_slice %dma_start3A_1304[%dma_start3A_1305, %dma_start3A_1306] : memref<32x1024xf32, #tpu.memory_space<vmem>> -> memref<32x128xf32, #tpu.memory_space<vmem>>
      %dma_start3A_1308 = arith.constant 0 : i32
      %dma_start3A_1309 = tpu.memref_slice %arg6[%dma_start3A_1298, %dma_start3A_1299, %dma_start3A_1308] : memref<2x8x32xi32, #tpu.memory_space<vmem>> -> memref<1x1x32xi32, #tpu.memory_space<vmem>>
      %dma_start3A_1310 = tpu.memref_squeeze %dma_start3A_1309 : memref<1x1x32xi32, #tpu.memory_space<vmem>> -> memref<32xi32, #tpu.memory_space<vmem>>
      %dma_start3A_1311 = arith.constant 0 : i32
      %dma_start3A_1312 = arith.constant 640 : i32
      %dma_start3A_1313 = tpu.memref_slice %arg2[%dma_start3A_1311, %dma_start3A_1312] : memref<8192x1024xf32, #tpu.memory_space<hbm>> -> memref<8192x128xf32, #tpu.memory_space<hbm>>
      tpu.enqueue_indirect_dma source(%dma_start3A_1313 : memref<8192x128xf32, #tpu.memory_space<hbm>>) target(%dma_start3A_1307 : memref<32x128xf32, #tpu.memory_space<vmem>>) offsets(%dma_start3A_1310 : memref<32xi32, #tpu.memory_space<vmem>>) semaphore(%arg8 : memref<!tpu.dma_semaphore, #tpu.memory_space<semaphore_mem>>)
      %dma_start3A_1314 = arith.constant 0 : i32
      %dma_start3A_1315 = arith.constant 6 : i32
      %dma_start3A_1316 = arith.constant 0 : i32
      %dma_start3A_1317 = arith.constant 0 : i32
      %dma_start3A_1318 = arith.constant 0 : i32
      %dma_start3A_1319 = tpu.memref_slice %arg7[%dma_start3A_1316, %dma_start3A_1317, %dma_start3A_1318] : memref<2x32x1024xf32, #tpu.memory_space<vmem>> -> memref<1x32x1024xf32, #tpu.memory_space<vmem>>
      %dma_start3A_1320 = tpu.memref_squeeze %dma_start3A_1319 : memref<1x32x1024xf32, #tpu.memory_space<vmem>> -> memref<32x1024xf32, #tpu.memory_space<vmem>>
      %dma_start3A_1321 = arith.constant 0 : i32
      %dma_start3A_1322 = arith.constant 768 : i32
      %dma_start3A_1323 = tpu.memref_slice %dma_start3A_1320[%dma_start3A_1321, %dma_start3A_1322] : memref<32x1024xf32, #tpu.memory_space<vmem>> -> memref<32x128xf32, #tpu.memory_space<vmem>>
      %dma_start3A_1324 = arith.constant 0 : i32
      %dma_start3A_1325 = tpu.memref_slice %arg6[%dma_start3A_1314, %dma_start3A_1315, %dma_start3A_1324] : memref<2x8x32xi32, #tpu.memory_space<vmem>> -> memref<1x1x32xi32, #tpu.memory_space<vmem>>
      %dma_start3A_1326 = tpu.memref_squeeze %dma_start3A_1325 : memref<1x1x32xi32, #tpu.memory_space<vmem>> -> memref<32xi32, #tpu.memory_space<vmem>>
      %dma_start3A_1327 = arith.constant 0 : i32
      %dma_start3A_1328 = arith.constant 768 : i32
      %dma_start3A_1329 = tpu.memref_slice %arg2[%dma_start3A_1327, %dma_start3A_1328] : memref<8192x1024xf32, #tpu.memory_space<hbm>> -> memref<8192x128xf32, #tpu.memory_space<hbm>>
      tpu.enqueue_indirect_dma source(%dma_start3A_1329 : memref<8192x128xf32, #tpu.memory_space<hbm>>) target(%dma_start3A_1323 : memref<32x128xf32, #tpu.memory_space<vmem>>) offsets(%dma_start3A_1326 : memref<32xi32, #tpu.memory_space<vmem>>) semaphore(%arg8 : memref<!tpu.dma_semaphore, #tpu.memory_space<semaphore_mem>>)
      %dma_start3A_1330 = arith.constant 0 : i32
      %dma_start3A_1331 = arith.constant 7 : i32
      %dma_start3A_1332 = arith.constant 0 : i32
      %dma_start3A_1333 = arith.constant 0 : i32
      %dma_start3A_1334 = arith.constant 0 : i32
      %dma_start3A_1335 = tpu.memref_slice %arg7[%dma_start3A_1332, %dma_start3A_1333, %dma_start3A_1334] : memref<2x32x1024xf32, #tpu.memory_space<vmem>> -> memref<1x32x1024xf32, #tpu.memory_space<vmem>>
      %dma_start3A_1336 = tpu.memref_squeeze %dma_start3A_1335 : memref<1x32x1024xf32, #tpu.memory_space<vmem>> -> memref<32x1024xf32, #tpu.memory_space<vmem>>
      %dma_start3A_1337 = arith.constant 0 : i32
      %dma_start3A_1338 = arith.constant 896 : i32
      %dma_start3A_1339 = tpu.memref_slice %dma_start3A_1336[%dma_start3A_1337, %dma_start3A_1338] : memref<32x1024xf32, #tpu.memory_space<vmem>> -> memref<32x128xf32, #tpu.memory_space<vmem>>
      %dma_start3A_1340 = arith.constant 0 : i32
      %dma_start3A_1341 = tpu.memref_slice %arg6[%dma_start3A_1330, %dma_start3A_1331, %dma_start3A_1340] : memref<2x8x32xi32, #tpu.memory_space<vmem>> -> memref<1x1x32xi32, #tpu.memory_space<vmem>>
      %dma_start3A_1342 = tpu.memref_squeeze %dma_start3A_1341 : memref<1x1x32xi32, #tpu.memory_space<vmem>> -> memref<32xi32, #tpu.memory_space<vmem>>
      %dma_start3A_1343 = arith.constant 0 : i32
      %dma_start3A_1344 = arith.constant 896 : i32
      %dma_start3A_1345 = tpu.memref_slice %arg2[%dma_start3A_1343, %dma_start3A_1344] : memref<8192x1024xf32, #tpu.memory_space<hbm>> -> memref<8192x128xf32, #tpu.memory_space<hbm>>
      tpu.enqueue_indirect_dma source(%dma_start3A_1345 : memref<8192x128xf32, #tpu.memory_space<hbm>>) target(%dma_start3A_1339 : memref<32x128xf32, #tpu.memory_space<vmem>>) offsets(%dma_start3A_1342 : memref<32xi32, #tpu.memory_space<vmem>>) semaphore(%arg8 : memref<!tpu.dma_semaphore, #tpu.memory_space<semaphore_mem>>)
      %dma_wait3A_1346 = arith.constant 1 : i32
      %dma_wait3A_1347 = arith.constant 0 : i32
      %dma_wait3A_1348 = arith.constant 1 : i32
      %dma_wait3A_1349 = arith.constant 0 : i32
      %dma_wait3A_1350 = arith.constant 0 : i32
      %dma_wait3A_1351 = tpu.memref_slice %arg7[%dma_wait3A_1348, %dma_wait3A_1349, %dma_wait3A_1350] : memref<2x32x1024xf32, #tpu.memory_space<vmem>> -> memref<1x32x1024xf32, #tpu.memory_space<vmem>>
      %dma_wait3A_1352 = tpu.memref_squeeze %dma_wait3A_1351 : memref<1x32x1024xf32, #tpu.memory_space<vmem>> -> memref<32x1024xf32, #tpu.memory_space<vmem>>
      %dma_wait3A_1353 = arith.constant 0 : i32
      %dma_wait3A_1354 = tpu.memref_slice %arg6[%dma_wait3A_1346, %dma_wait3A_1347, %dma_wait3A_1353] : memref<2x8x32xi32, #tpu.memory_space<vmem>> -> memref<1x1x32xi32, #tpu.memory_space<vmem>>
      %dma_wait3A_1355 = tpu.memref_squeeze %dma_wait3A_1354 : memref<1x1x32xi32, #tpu.memory_space<vmem>> -> memref<32xi32, #tpu.memory_space<vmem>>
      %dma_wait3A_1356 = arith.constant 0 : i32
      %dma_wait3A_1357 = arith.constant 0 : i32
      %dma_wait3A_1358 = tpu.memref_slice %arg2[%dma_wait3A_1356, %dma_wait3A_1357] : memref<8192x1024xf32, #tpu.memory_space<hbm>> -> memref<8192x1024xf32, #tpu.memory_space<hbm>>
      tpu.wait_indirect_dma semaphore(%arg9 : memref<!tpu.dma_semaphore, #tpu.memory_space<semaphore_mem>>) src(%dma_wait3A_1358 : memref<8192x1024xf32, #tpu.memory_space<hbm>>) dst(%dma_wait3A_1352 : memref<32x1024xf32, #tpu.memory_space<vmem>>)
      %add3A_1359 = arith.constant 1 : i32
      %add3A_1360 = arith.addi %mul3A_774, %add3A_1359 : i32
      %mul3A_1361 = arith.constant 32 : i32
      %mul3A_1362 = arith.muli %add3A_1360, %mul3A_1361 : i32
      %add3A_1363 = arith.addi %mul3A_2, %mul3A_1362 : i32
      %run_scoped3A_1364 = arith.constant 1 : i32
      "tpu.region"() ({
        %run_scoped3A_1365 = tpu.sem_alloc : memref<!tpu.dma_semaphore, #tpu.memory_space<semaphore_mem>>
        %dma_start3A_1366 = arith.constant 0 : i32
        %dma_start3A_1367 = arith.constant 0 : i32
        %dma_start3A_1368 = tpu.memref_slice %arg7[%run_scoped3A_1364, %dma_start3A_1366, %dma_start3A_1367] : memref<2x32x1024xf32, #tpu.memory_space<vmem>> -> memref<1x32x1024xf32, #tpu.memory_space<vmem>>
        %dma_start3A_1369 = tpu.memref_squeeze %dma_start3A_1368 : memref<1x32x1024xf32, #tpu.memory_space<vmem>> -> memref<32x1024xf32, #tpu.memory_space<vmem>>
        %dma_start3A_1370 = arith.constant 0 : i32
        %dma_start3A_1371 = tpu.memref_slice %arg4[%add3A_1363, %dma_start3A_1370] : memref<32768x1024xf32, #tpu.memory_space<hbm>> -> memref<32x1024xf32, #tpu.memory_space<hbm>>
        %dma_start3A_1372 = arith.constant 0 : i32
        %dma_start3A_1373 = tpu.memref_slice %arg4[%add3A_1363, %dma_start3A_1372] : memref<32768x1024xf32, #tpu.memory_space<hbm>> -> memref<32x1024xf32, #tpu.memory_space<hbm>>
        %dma_start3A_1374 = arith.constant 0 : i32
        %dma_start3A_1375 = arith.constant 0 : i32
        %dma_start3A_1376 = tpu.memref_slice %arg7[%run_scoped3A_1364, %dma_start3A_1374, %dma_start3A_1375] : memref<2x32x1024xf32, #tpu.memory_space<vmem>> -> memref<1x32x1024xf32, #tpu.memory_space<vmem>>
        %dma_start3A_1377 = tpu.memref_squeeze %dma_start3A_1376 : memref<1x32x1024xf32, #tpu.memory_space<vmem>> -> memref<32x1024xf32, #tpu.memory_space<vmem>>
        tpu.enqueue_dma source(%dma_start3A_1377 : memref<32x1024xf32, #tpu.memory_space<vmem>>) target(%dma_start3A_1373 : memref<32x1024xf32, #tpu.memory_space<hbm>>) target_semaphore(%run_scoped3A_1365 : memref<!tpu.dma_semaphore, #tpu.memory_space<semaphore_mem>>)
        %dma_wait3A_1378 = arith.constant 0 : i32
        %dma_wait3A_1379 = arith.constant 0 : i32
        %dma_wait3A_1380 = tpu.memref_slice %arg7[%run_scoped3A_1364, %dma_wait3A_1378, %dma_wait3A_1379] : memref<2x32x1024xf32, #tpu.memory_space<vmem>> -> memref<1x32x1024xf32, #tpu.memory_space<vmem>>
        %dma_wait3A_1381 = tpu.memref_squeeze %dma_wait3A_1380 : memref<1x32x1024xf32, #tpu.memory_space<vmem>> -> memref<32x1024xf32, #tpu.memory_space<vmem>>
        %dma_wait3A_1382 = arith.constant 0 : i32
        %dma_wait3A_1383 = tpu.memref_slice %arg4[%add3A_1363, %dma_wait3A_1382] : memref<32768x1024xf32, #tpu.memory_space<hbm>> -> memref<32x1024xf32, #tpu.memory_space<hbm>>
        %dma_wait3A_1384 = arith.constant 0 : i32
        %dma_wait3A_1385 = tpu.memref_slice %arg4[%add3A_1363, %dma_wait3A_1384] : memref<32768x1024xf32, #tpu.memory_space<hbm>> -> memref<32x1024xf32, #tpu.memory_space<hbm>>
        %dma_wait3A_1386 = arith.constant 0 : i32
        %dma_wait3A_1387 = arith.constant 0 : i32
        %dma_wait3A_1388 = tpu.memref_slice %arg7[%run_scoped3A_1364, %dma_wait3A_1386, %dma_wait3A_1387] : memref<2x32x1024xf32, #tpu.memory_space<vmem>> -> memref<1x32x1024xf32, #tpu.memory_space<vmem>>
        %dma_wait3A_1389 = tpu.memref_squeeze %dma_wait3A_1388 : memref<1x32x1024xf32, #tpu.memory_space<vmem>> -> memref<32x1024xf32, #tpu.memory_space<vmem>>
        tpu.wait_dma2 semaphore(%run_scoped3A_1365 : memref<!tpu.dma_semaphore, #tpu.memory_space<semaphore_mem>>) src(%dma_wait3A_1389 : memref<32x1024xf32, #tpu.memory_space<vmem>>) dst(%dma_wait3A_1385 : memref<32x1024xf32, #tpu.memory_space<hbm>>)
        tpu.yield
      }) : () -> ()
    }
    %scan3A_467 = arith.constant 15 : i32
    %broadcast_in_dim3A_468 = arith.constant 992 : i32
    %broadcast_in_dim3A_469 = vector.broadcast %broadcast_in_dim3A_468 : i32 to vector<16xi32>
    %add3A_470 = arith.addi %add3A_87, %broadcast_in_dim3A_469 : vector<16xi32>
    %and3A_471 = arith.andi %add3A_470, %broadcast_in_dim3A_78 : vector<16xi32>
    %add3A_472 = arith.addi %broadcast_in_dim3A_79, %and3A_471 : vector<16xi32>
    %swap3A_473 = arith.constant 1 : i32
    %swap3A_474 = arith.constant 0 : i32
    %swap3A_475 = arith.index_cast %swap3A_473 : i32 to index
    %swap3A_476 = arith.index_cast %swap3A_474 : i32 to index
    %swap3A_477 = arith.constant 0 : index
    %swap3A_478 = tpu.vector_load %arg6[%swap3A_475, %swap3A_476, %swap3A_477] {strides = array<i32>} : memref<2x8x32xi32, #tpu.memory_space<vmem>>, vector<16xi32>,
    tpu.vector_store %arg6[%swap3A_475, %swap3A_476, %swap3A_477], %add3A_472 {strides = array<i32>} : memref<2x8x32xi32, #tpu.memory_space<vmem>>, vector<16xi32>,
    %add3A_479 = arith.addi %add3A_92, %broadcast_in_dim3A_469 : vector<16xi32>
    %and3A_480 = arith.andi %add3A_479, %broadcast_in_dim3A_78 : vector<16xi32>
    %add3A_481 = arith.addi %broadcast_in_dim3A_79, %and3A_480 : vector<16xi32>
    %swap3A_482 = arith.constant 1 : i32
    %swap3A_483 = arith.constant 0 : i32
    %swap3A_484 = arith.index_cast %swap3A_482 : i32 to index
    %swap3A_485 = arith.index_cast %swap3A_483 : i32 to index
    %swap3A_486 = arith.constant 16 : index
    %swap3A_487 = tpu.vector_load %arg6[%swap3A_484, %swap3A_485, %swap3A_486] {strides = array<i32>} : memref<2x8x32xi32, #tpu.memory_space<vmem>>, vector<16xi32>,
    tpu.vector_store %arg6[%swap3A_484, %swap3A_485, %swap3A_486], %add3A_481 {strides = array<i32>} : memref<2x8x32xi32, #tpu.memory_space<vmem>>, vector<16xi32>,
    %add3A_488 = arith.addi %add3A_101, %broadcast_in_dim3A_469 : vector<16xi32>
    %and3A_489 = arith.andi %add3A_488, %broadcast_in_dim3A_78 : vector<16xi32>
    %add3A_490 = arith.addi %broadcast_in_dim3A_79, %and3A_489 : vector<16xi32>
    %swap3A_491 = arith.constant 1 : i32
    %swap3A_492 = arith.constant 1 : i32
    %swap3A_493 = arith.index_cast %swap3A_491 : i32 to index
    %swap3A_494 = arith.index_cast %swap3A_492 : i32 to index
    %swap3A_495 = arith.constant 0 : index
    %swap3A_496 = tpu.vector_load %arg6[%swap3A_493, %swap3A_494, %swap3A_495] {strides = array<i32>} : memref<2x8x32xi32, #tpu.memory_space<vmem>>, vector<16xi32>,
    tpu.vector_store %arg6[%swap3A_493, %swap3A_494, %swap3A_495], %add3A_490 {strides = array<i32>} : memref<2x8x32xi32, #tpu.memory_space<vmem>>, vector<16xi32>,
    %add3A_497 = arith.addi %add3A_106, %broadcast_in_dim3A_469 : vector<16xi32>
    %and3A_498 = arith.andi %add3A_497, %broadcast_in_dim3A_78 : vector<16xi32>
    %add3A_499 = arith.addi %broadcast_in_dim3A_79, %and3A_498 : vector<16xi32>
    %swap3A_500 = arith.constant 1 : i32
    %swap3A_501 = arith.constant 1 : i32
    %swap3A_502 = arith.index_cast %swap3A_500 : i32 to index
    %swap3A_503 = arith.index_cast %swap3A_501 : i32 to index
    %swap3A_504 = arith.constant 16 : index
    %swap3A_505 = tpu.vector_load %arg6[%swap3A_502, %swap3A_503, %swap3A_504] {strides = array<i32>} : memref<2x8x32xi32, #tpu.memory_space<vmem>>, vector<16xi32>,
    tpu.vector_store %arg6[%swap3A_502, %swap3A_503, %swap3A_504], %add3A_499 {strides = array<i32>} : memref<2x8x32xi32, #tpu.memory_space<vmem>>, vector<16xi32>,
    %add3A_506 = arith.addi %add3A_115, %broadcast_in_dim3A_469 : vector<16xi32>
    %and3A_507 = arith.andi %add3A_506, %broadcast_in_dim3A_78 : vector<16xi32>
    %add3A_508 = arith.addi %broadcast_in_dim3A_79, %and3A_507 : vector<16xi32>
    %swap3A_509 = arith.constant 1 : i32
    %swap3A_510 = arith.constant 2 : i32
    %swap3A_511 = arith.index_cast %swap3A_509 : i32 to index
    %swap3A_512 = arith.index_cast %swap3A_510 : i32 to index
    %swap3A_513 = arith.constant 0 : index
    %swap3A_514 = tpu.vector_load %arg6[%swap3A_511, %swap3A_512, %swap3A_513] {strides = array<i32>} : memref<2x8x32xi32, #tpu.memory_space<vmem>>, vector<16xi32>,
    tpu.vector_store %arg6[%swap3A_511, %swap3A_512, %swap3A_513], %add3A_508 {strides = array<i32>} : memref<2x8x32xi32, #tpu.memory_space<vmem>>, vector<16xi32>,
    %add3A_515 = arith.addi %add3A_120, %broadcast_in_dim3A_469 : vector<16xi32>
    %and3A_516 = arith.andi %add3A_515, %broadcast_in_dim3A_78 : vector<16xi32>
    %add3A_517 = arith.addi %broadcast_in_dim3A_79, %and3A_516 : vector<16xi32>
    %swap3A_518 = arith.constant 1 : i32
    %swap3A_519 = arith.constant 2 : i32
    %swap3A_520 = arith.index_cast %swap3A_518 : i32 to index
    %swap3A_521 = arith.index_cast %swap3A_519 : i32 to index
    %swap3A_522 = arith.constant 16 : index
    %swap3A_523 = tpu.vector_load %arg6[%swap3A_520, %swap3A_521, %swap3A_522] {strides = array<i32>} : memref<2x8x32xi32, #tpu.memory_space<vmem>>, vector<16xi32>,
    tpu.vector_store %arg6[%swap3A_520, %swap3A_521, %swap3A_522], %add3A_517 {strides = array<i32>} : memref<2x8x32xi32, #tpu.memory_space<vmem>>, vector<16xi32>,
    %add3A_524 = arith.addi %add3A_129, %broadcast_in_dim3A_469 : vector<16xi32>
    %and3A_525 = arith.andi %add3A_524, %broadcast_in_dim3A_78 : vector<16xi32>
    %add3A_526 = arith.addi %broadcast_in_dim3A_79, %and3A_525 : vector<16xi32>
    %swap3A_527 = arith.constant 1 : i32
    %swap3A_528 = arith.constant 3 : i32
    %swap3A_529 = arith.index_cast %swap3A_527 : i32 to index
    %swap3A_530 = arith.index_cast %swap3A_528 : i32 to index
    %swap3A_531 = arith.constant 0 : index
    %swap3A_532 = tpu.vector_load %arg6[%swap3A_529, %swap3A_530, %swap3A_531] {strides = array<i32>} : memref<2x8x32xi32, #tpu.memory_space<vmem>>, vector<16xi32>,
    tpu.vector_store %arg6[%swap3A_529, %swap3A_530, %swap3A_531], %add3A_526 {strides = array<i32>} : memref<2x8x32xi32, #tpu.memory_space<vmem>>, vector<16xi32>,
    %add3A_533 = arith.addi %add3A_134, %broadcast_in_dim3A_469 : vector<16xi32>
    %and3A_534 = arith.andi %add3A_533, %broadcast_in_dim3A_78 : vector<16xi32>
    %add3A_535 = arith.addi %broadcast_in_dim3A_79, %and3A_534 : vector<16xi32>
    %swap3A_536 = arith.constant 1 : i32
    %swap3A_537 = arith.constant 3 : i32
    %swap3A_538 = arith.index_cast %swap3A_536 : i32 to index
    %swap3A_539 = arith.index_cast %swap3A_537 : i32 to index
    %swap3A_540 = arith.constant 16 : index
    %swap3A_541 = tpu.vector_load %arg6[%swap3A_538, %swap3A_539, %swap3A_540] {strides = array<i32>} : memref<2x8x32xi32, #tpu.memory_space<vmem>>, vector<16xi32>,
    tpu.vector_store %arg6[%swap3A_538, %swap3A_539, %swap3A_540], %add3A_535 {strides = array<i32>} : memref<2x8x32xi32, #tpu.memory_space<vmem>>, vector<16xi32>,
    %add3A_542 = arith.addi %add3A_143, %broadcast_in_dim3A_469 : vector<16xi32>
    %and3A_543 = arith.andi %add3A_542, %broadcast_in_dim3A_78 : vector<16xi32>
    %add3A_544 = arith.addi %broadcast_in_dim3A_79, %and3A_543 : vector<16xi32>
    %swap3A_545 = arith.constant 1 : i32
    %swap3A_546 = arith.constant 4 : i32
    %swap3A_547 = arith.index_cast %swap3A_545 : i32 to index
    %swap3A_548 = arith.index_cast %swap3A_546 : i32 to index
    %swap3A_549 = arith.constant 0 : index
    %swap3A_550 = tpu.vector_load %arg6[%swap3A_547, %swap3A_548, %swap3A_549] {strides = array<i32>} : memref<2x8x32xi32, #tpu.memory_space<vmem>>, vector<16xi32>,
    tpu.vector_store %arg6[%swap3A_547, %swap3A_548, %swap3A_549], %add3A_544 {strides = array<i32>} : memref<2x8x32xi32, #tpu.memory_space<vmem>>, vector<16xi32>,
    %add3A_551 = arith.addi %add3A_148, %broadcast_in_dim3A_469 : vector<16xi32>
    %and3A_552 = arith.andi %add3A_551, %broadcast_in_dim3A_78 : vector<16xi32>
    %add3A_553 = arith.addi %broadcast_in_dim3A_79, %and3A_552 : vector<16xi32>
    %swap3A_554 = arith.constant 1 : i32
    %swap3A_555 = arith.constant 4 : i32
    %swap3A_556 = arith.index_cast %swap3A_554 : i32 to index
    %swap3A_557 = arith.index_cast %swap3A_555 : i32 to index
    %swap3A_558 = arith.constant 16 : index
    %swap3A_559 = tpu.vector_load %arg6[%swap3A_556, %swap3A_557, %swap3A_558] {strides = array<i32>} : memref<2x8x32xi32, #tpu.memory_space<vmem>>, vector<16xi32>,
    tpu.vector_store %arg6[%swap3A_556, %swap3A_557, %swap3A_558], %add3A_553 {strides = array<i32>} : memref<2x8x32xi32, #tpu.memory_space<vmem>>, vector<16xi32>,
    %add3A_560 = arith.addi %add3A_157, %broadcast_in_dim3A_469 : vector<16xi32>
    %and3A_561 = arith.andi %add3A_560, %broadcast_in_dim3A_78 : vector<16xi32>
    %add3A_562 = arith.addi %broadcast_in_dim3A_79, %and3A_561 : vector<16xi32>
    %swap3A_563 = arith.constant 1 : i32
    %swap3A_564 = arith.constant 5 : i32
    %swap3A_565 = arith.index_cast %swap3A_563 : i32 to index
    %swap3A_566 = arith.index_cast %swap3A_564 : i32 to index
    %swap3A_567 = arith.constant 0 : index
    %swap3A_568 = tpu.vector_load %arg6[%swap3A_565, %swap3A_566, %swap3A_567] {strides = array<i32>} : memref<2x8x32xi32, #tpu.memory_space<vmem>>, vector<16xi32>,
    tpu.vector_store %arg6[%swap3A_565, %swap3A_566, %swap3A_567], %add3A_562 {strides = array<i32>} : memref<2x8x32xi32, #tpu.memory_space<vmem>>, vector<16xi32>,
    %add3A_569 = arith.addi %add3A_162, %broadcast_in_dim3A_469 : vector<16xi32>
    %and3A_570 = arith.andi %add3A_569, %broadcast_in_dim3A_78 : vector<16xi32>
    %add3A_571 = arith.addi %broadcast_in_dim3A_79, %and3A_570 : vector<16xi32>
    %swap3A_572 = arith.constant 1 : i32
    %swap3A_573 = arith.constant 5 : i32
    %swap3A_574 = arith.index_cast %swap3A_572 : i32 to index
    %swap3A_575 = arith.index_cast %swap3A_573 : i32 to index
    %swap3A_576 = arith.constant 16 : index
    %swap3A_577 = tpu.vector_load %arg6[%swap3A_574, %swap3A_575, %swap3A_576] {strides = array<i32>} : memref<2x8x32xi32, #tpu.memory_space<vmem>>, vector<16xi32>,
    tpu.vector_store %arg6[%swap3A_574, %swap3A_575, %swap3A_576], %add3A_571 {strides = array<i32>} : memref<2x8x32xi32, #tpu.memory_space<vmem>>, vector<16xi32>,
    %add3A_578 = arith.addi %add3A_171, %broadcast_in_dim3A_469 : vector<16xi32>
    %and3A_579 = arith.andi %add3A_578, %broadcast_in_dim3A_78 : vector<16xi32>
    %add3A_580 = arith.addi %broadcast_in_dim3A_79, %and3A_579 : vector<16xi32>
    %swap3A_581 = arith.constant 1 : i32
    %swap3A_582 = arith.constant 6 : i32
    %swap3A_583 = arith.index_cast %swap3A_581 : i32 to index
    %swap3A_584 = arith.index_cast %swap3A_582 : i32 to index
    %swap3A_585 = arith.constant 0 : index
    %swap3A_586 = tpu.vector_load %arg6[%swap3A_583, %swap3A_584, %swap3A_585] {strides = array<i32>} : memref<2x8x32xi32, #tpu.memory_space<vmem>>, vector<16xi32>,
    tpu.vector_store %arg6[%swap3A_583, %swap3A_584, %swap3A_585], %add3A_580 {strides = array<i32>} : memref<2x8x32xi32, #tpu.memory_space<vmem>>, vector<16xi32>,
    %add3A_587 = arith.addi %add3A_176, %broadcast_in_dim3A_469 : vector<16xi32>
    %and3A_588 = arith.andi %add3A_587, %broadcast_in_dim3A_78 : vector<16xi32>
    %add3A_589 = arith.addi %broadcast_in_dim3A_79, %and3A_588 : vector<16xi32>
    %swap3A_590 = arith.constant 1 : i32
    %swap3A_591 = arith.constant 6 : i32
    %swap3A_592 = arith.index_cast %swap3A_590 : i32 to index
    %swap3A_593 = arith.index_cast %swap3A_591 : i32 to index
    %swap3A_594 = arith.constant 16 : index
    %swap3A_595 = tpu.vector_load %arg6[%swap3A_592, %swap3A_593, %swap3A_594] {strides = array<i32>} : memref<2x8x32xi32, #tpu.memory_space<vmem>>, vector<16xi32>,
    tpu.vector_store %arg6[%swap3A_592, %swap3A_593, %swap3A_594], %add3A_589 {strides = array<i32>} : memref<2x8x32xi32, #tpu.memory_space<vmem>>, vector<16xi32>,
    %add3A_596 = arith.addi %add3A_185, %broadcast_in_dim3A_469 : vector<16xi32>
    %and3A_597 = arith.andi %add3A_596, %broadcast_in_dim3A_78 : vector<16xi32>
    %add3A_598 = arith.addi %broadcast_in_dim3A_79, %and3A_597 : vector<16xi32>
    %swap3A_599 = arith.constant 1 : i32
    %swap3A_600 = arith.constant 7 : i32
    %swap3A_601 = arith.index_cast %swap3A_599 : i32 to index
    %swap3A_602 = arith.index_cast %swap3A_600 : i32 to index
    %swap3A_603 = arith.constant 0 : index
    %swap3A_604 = tpu.vector_load %arg6[%swap3A_601, %swap3A_602, %swap3A_603] {strides = array<i32>} : memref<2x8x32xi32, #tpu.memory_space<vmem>>, vector<16xi32>,
    tpu.vector_store %arg6[%swap3A_601, %swap3A_602, %swap3A_603], %add3A_598 {strides = array<i32>} : memref<2x8x32xi32, #tpu.memory_space<vmem>>, vector<16xi32>,
    %add3A_605 = arith.addi %add3A_190, %broadcast_in_dim3A_469 : vector<16xi32>
    %and3A_606 = arith.andi %add3A_605, %broadcast_in_dim3A_78 : vector<16xi32>
    %add3A_607 = arith.addi %broadcast_in_dim3A_79, %and3A_606 : vector<16xi32>
    %swap3A_608 = arith.constant 1 : i32
    %swap3A_609 = arith.constant 7 : i32
    %swap3A_610 = arith.index_cast %swap3A_608 : i32 to index
    %swap3A_611 = arith.index_cast %swap3A_609 : i32 to index
    %swap3A_612 = arith.constant 16 : index
    %swap3A_613 = tpu.vector_load %arg6[%swap3A_610, %swap3A_611, %swap3A_612] {strides = array<i32>} : memref<2x8x32xi32, #tpu.memory_space<vmem>>, vector<16xi32>,
    tpu.vector_store %arg6[%swap3A_610, %swap3A_611, %swap3A_612], %add3A_607 {strides = array<i32>} : memref<2x8x32xi32, #tpu.memory_space<vmem>>, vector<16xi32>,
    %dma_start3A_614 = arith.constant 1 : i32
    %dma_start3A_615 = arith.constant 0 : i32
    %dma_start3A_616 = arith.constant 1 : i32
    %dma_start3A_617 = arith.constant 0 : i32
    %dma_start3A_618 = arith.constant 0 : i32
    %dma_start3A_619 = tpu.memref_slice %arg7[%dma_start3A_616, %dma_start3A_617, %dma_start3A_618] : memref<2x32x1024xf32, #tpu.memory_space<vmem>> -> memref<1x32x1024xf32, #tpu.memory_space<vmem>>
    %dma_start3A_620 = tpu.memref_squeeze %dma_start3A_619 : memref<1x32x1024xf32, #tpu.memory_space<vmem>> -> memref<32x1024xf32, #tpu.memory_space<vmem>>
    %dma_start3A_621 = arith.constant 0 : i32
    %dma_start3A_622 = arith.constant 0 : i32
    %dma_start3A_623 = tpu.memref_slice %dma_start3A_620[%dma_start3A_621, %dma_start3A_622] : memref<32x1024xf32, #tpu.memory_space<vmem>> -> memref<32x128xf32, #tpu.memory_space<vmem>>
    %dma_start3A_624 = arith.constant 0 : i32
    %dma_start3A_625 = tpu.memref_slice %arg6[%dma_start3A_614, %dma_start3A_615, %dma_start3A_624] : memref<2x8x32xi32, #tpu.memory_space<vmem>> -> memref<1x1x32xi32, #tpu.memory_space<vmem>>
    %dma_start3A_626 = tpu.memref_squeeze %dma_start3A_625 : memref<1x1x32xi32, #tpu.memory_space<vmem>> -> memref<32xi32, #tpu.memory_space<vmem>>
    %dma_start3A_627 = arith.constant 0 : i32
    %dma_start3A_628 = arith.constant 0 : i32
    %dma_start3A_629 = tpu.memref_slice %arg2[%dma_start3A_627, %dma_start3A_628] : memref<8192x1024xf32, #tpu.memory_space<hbm>> -> memref<8192x128xf32, #tpu.memory_space<hbm>>
    tpu.enqueue_indirect_dma source(%dma_start3A_629 : memref<8192x128xf32, #tpu.memory_space<hbm>>) target(%dma_start3A_623 : memref<32x128xf32, #tpu.memory_space<vmem>>) offsets(%dma_start3A_626 : memref<32xi32, #tpu.memory_space<vmem>>) semaphore(%arg9 : memref<!tpu.dma_semaphore, #tpu.memory_space<semaphore_mem>>)
    %dma_start3A_630 = arith.constant 1 : i32
    %dma_start3A_631 = arith.constant 1 : i32
    %dma_start3A_632 = arith.constant 1 : i32
    %dma_start3A_633 = arith.constant 0 : i32
    %dma_start3A_634 = arith.constant 0 : i32
    %dma_start3A_635 = tpu.memref_slice %arg7[%dma_start3A_632, %dma_start3A_633, %dma_start3A_634] : memref<2x32x1024xf32, #tpu.memory_space<vmem>> -> memref<1x32x1024xf32, #tpu.memory_space<vmem>>
    %dma_start3A_636 = tpu.memref_squeeze %dma_start3A_635 : memref<1x32x1024xf32, #tpu.memory_space<vmem>> -> memref<32x1024xf32, #tpu.memory_space<vmem>>
    %dma_start3A_637 = arith.constant 0 : i32
    %dma_start3A_638 = arith.constant 128 : i32
    %dma_start3A_639 = tpu.memref_slice %dma_start3A_636[%dma_start3A_637, %dma_start3A_638] : memref<32x1024xf32, #tpu.memory_space<vmem>> -> memref<32x128xf32, #tpu.memory_space<vmem>>
    %dma_start3A_640 = arith.constant 0 : i32
    %dma_start3A_641 = tpu.memref_slice %arg6[%dma_start3A_630, %dma_start3A_631, %dma_start3A_640] : memref<2x8x32xi32, #tpu.memory_space<vmem>> -> memref<1x1x32xi32, #tpu.memory_space<vmem>>
    %dma_start3A_642 = tpu.memref_squeeze %dma_start3A_641 : memref<1x1x32xi32, #tpu.memory_space<vmem>> -> memref<32xi32, #tpu.memory_space<vmem>>
    %dma_start3A_643 = arith.constant 0 : i32
    %dma_start3A_644 = arith.constant 128 : i32
    %dma_start3A_645 = tpu.memref_slice %arg2[%dma_start3A_643, %dma_start3A_644] : memref<8192x1024xf32, #tpu.memory_space<hbm>> -> memref<8192x128xf32, #tpu.memory_space<hbm>>
    tpu.enqueue_indirect_dma source(%dma_start3A_645 : memref<8192x128xf32, #tpu.memory_space<hbm>>) target(%dma_start3A_639 : memref<32x128xf32, #tpu.memory_space<vmem>>) offsets(%dma_start3A_642 : memref<32xi32, #tpu.memory_space<vmem>>) semaphore(%arg9 : memref<!tpu.dma_semaphore, #tpu.memory_space<semaphore_mem>>)
    %dma_start3A_646 = arith.constant 1 : i32
    %dma_start3A_647 = arith.constant 2 : i32
    %dma_start3A_648 = arith.constant 1 : i32
    %dma_start3A_649 = arith.constant 0 : i32
    %dma_start3A_650 = arith.constant 0 : i32
    %dma_start3A_651 = tpu.memref_slice %arg7[%dma_start3A_648, %dma_start3A_649, %dma_start3A_650] : memref<2x32x1024xf32, #tpu.memory_space<vmem>> -> memref<1x32x1024xf32, #tpu.memory_space<vmem>>
    %dma_start3A_652 = tpu.memref_squeeze %dma_start3A_651 : memref<1x32x1024xf32, #tpu.memory_space<vmem>> -> memref<32x1024xf32, #tpu.memory_space<vmem>>
    %dma_start3A_653 = arith.constant 0 : i32
    %dma_start3A_654 = arith.constant 256 : i32
    %dma_start3A_655 = tpu.memref_slice %dma_start3A_652[%dma_start3A_653, %dma_start3A_654] : memref<32x1024xf32, #tpu.memory_space<vmem>> -> memref<32x128xf32, #tpu.memory_space<vmem>>
    %dma_start3A_656 = arith.constant 0 : i32
    %dma_start3A_657 = tpu.memref_slice %arg6[%dma_start3A_646, %dma_start3A_647, %dma_start3A_656] : memref<2x8x32xi32, #tpu.memory_space<vmem>> -> memref<1x1x32xi32, #tpu.memory_space<vmem>>
    %dma_start3A_658 = tpu.memref_squeeze %dma_start3A_657 : memref<1x1x32xi32, #tpu.memory_space<vmem>> -> memref<32xi32, #tpu.memory_space<vmem>>
    %dma_start3A_659 = arith.constant 0 : i32
    %dma_start3A_660 = arith.constant 256 : i32
    %dma_start3A_661 = tpu.memref_slice %arg2[%dma_start3A_659, %dma_start3A_660] : memref<8192x1024xf32, #tpu.memory_space<hbm>> -> memref<8192x128xf32, #tpu.memory_space<hbm>>
    tpu.enqueue_indirect_dma source(%dma_start3A_661 : memref<8192x128xf32, #tpu.memory_space<hbm>>) target(%dma_start3A_655 : memref<32x128xf32, #tpu.memory_space<vmem>>) offsets(%dma_start3A_658 : memref<32xi32, #tpu.memory_space<vmem>>) semaphore(%arg9 : memref<!tpu.dma_semaphore, #tpu.memory_space<semaphore_mem>>)
    %dma_start3A_662 = arith.constant 1 : i32
    %dma_start3A_663 = arith.constant 3 : i32
    %dma_start3A_664 = arith.constant 1 : i32
    %dma_start3A_665 = arith.constant 0 : i32
    %dma_start3A_666 = arith.constant 0 : i32
    %dma_start3A_667 = tpu.memref_slice %arg7[%dma_start3A_664, %dma_start3A_665, %dma_start3A_666] : memref<2x32x1024xf32, #tpu.memory_space<vmem>> -> memref<1x32x1024xf32, #tpu.memory_space<vmem>>
    %dma_start3A_668 = tpu.memref_squeeze %dma_start3A_667 : memref<1x32x1024xf32, #tpu.memory_space<vmem>> -> memref<32x1024xf32, #tpu.memory_space<vmem>>
    %dma_start3A_669 = arith.constant 0 : i32
    %dma_start3A_670 = arith.constant 384 : i32
    %dma_start3A_671 = tpu.memref_slice %dma_start3A_668[%dma_start3A_669, %dma_start3A_670] : memref<32x1024xf32, #tpu.memory_space<vmem>> -> memref<32x128xf32, #tpu.memory_space<vmem>>
    %dma_start3A_672 = arith.constant 0 : i32
    %dma_start3A_673 = tpu.memref_slice %arg6[%dma_start3A_662, %dma_start3A_663, %dma_start3A_672] : memref<2x8x32xi32, #tpu.memory_space<vmem>> -> memref<1x1x32xi32, #tpu.memory_space<vmem>>
    %dma_start3A_674 = tpu.memref_squeeze %dma_start3A_673 : memref<1x1x32xi32, #tpu.memory_space<vmem>> -> memref<32xi32, #tpu.memory_space<vmem>>
    %dma_start3A_675 = arith.constant 0 : i32
    %dma_start3A_676 = arith.constant 384 : i32
    %dma_start3A_677 = tpu.memref_slice %arg2[%dma_start3A_675, %dma_start3A_676] : memref<8192x1024xf32, #tpu.memory_space<hbm>> -> memref<8192x128xf32, #tpu.memory_space<hbm>>
    tpu.enqueue_indirect_dma source(%dma_start3A_677 : memref<8192x128xf32, #tpu.memory_space<hbm>>) target(%dma_start3A_671 : memref<32x128xf32, #tpu.memory_space<vmem>>) offsets(%dma_start3A_674 : memref<32xi32, #tpu.memory_space<vmem>>) semaphore(%arg9 : memref<!tpu.dma_semaphore, #tpu.memory_space<semaphore_mem>>)
    %dma_start3A_678 = arith.constant 1 : i32
    %dma_start3A_679 = arith.constant 4 : i32
    %dma_start3A_680 = arith.constant 1 : i32
    %dma_start3A_681 = arith.constant 0 : i32
    %dma_start3A_682 = arith.constant 0 : i32
    %dma_start3A_683 = tpu.memref_slice %arg7[%dma_start3A_680, %dma_start3A_681, %dma_start3A_682] : memref<2x32x1024xf32, #tpu.memory_space<vmem>> -> memref<1x32x1024xf32, #tpu.memory_space<vmem>>
    %dma_start3A_684 = tpu.memref_squeeze %dma_start3A_683 : memref<1x32x1024xf32, #tpu.memory_space<vmem>> -> memref<32x1024xf32, #tpu.memory_space<vmem>>
    %dma_start3A_685 = arith.constant 0 : i32
    %dma_start3A_686 = arith.constant 512 : i32
    %dma_start3A_687 = tpu.memref_slice %dma_start3A_684[%dma_start3A_685, %dma_start3A_686] : memref<32x1024xf32, #tpu.memory_space<vmem>> -> memref<32x128xf32, #tpu.memory_space<vmem>>
    %dma_start3A_688 = arith.constant 0 : i32
    %dma_start3A_689 = tpu.memref_slice %arg6[%dma_start3A_678, %dma_start3A_679, %dma_start3A_688] : memref<2x8x32xi32, #tpu.memory_space<vmem>> -> memref<1x1x32xi32, #tpu.memory_space<vmem>>
    %dma_start3A_690 = tpu.memref_squeeze %dma_start3A_689 : memref<1x1x32xi32, #tpu.memory_space<vmem>> -> memref<32xi32, #tpu.memory_space<vmem>>
    %dma_start3A_691 = arith.constant 0 : i32
    %dma_start3A_692 = arith.constant 512 : i32
    %dma_start3A_693 = tpu.memref_slice %arg2[%dma_start3A_691, %dma_start3A_692] : memref<8192x1024xf32, #tpu.memory_space<hbm>> -> memref<8192x128xf32, #tpu.memory_space<hbm>>
    tpu.enqueue_indirect_dma source(%dma_start3A_693 : memref<8192x128xf32, #tpu.memory_space<hbm>>) target(%dma_start3A_687 : memref<32x128xf32, #tpu.memory_space<vmem>>) offsets(%dma_start3A_690 : memref<32xi32, #tpu.memory_space<vmem>>) semaphore(%arg9 : memref<!tpu.dma_semaphore, #tpu.memory_space<semaphore_mem>>)
    %dma_start3A_694 = arith.constant 1 : i32
    %dma_start3A_695 = arith.constant 5 : i32
    %dma_start3A_696 = arith.constant 1 : i32
    %dma_start3A_697 = arith.constant 0 : i32
    %dma_start3A_698 = arith.constant 0 : i32
    %dma_start3A_699 = tpu.memref_slice %arg7[%dma_start3A_696, %dma_start3A_697, %dma_start3A_698] : memref<2x32x1024xf32, #tpu.memory_space<vmem>> -> memref<1x32x1024xf32, #tpu.memory_space<vmem>>
    %dma_start3A_700 = tpu.memref_squeeze %dma_start3A_699 : memref<1x32x1024xf32, #tpu.memory_space<vmem>> -> memref<32x1024xf32, #tpu.memory_space<vmem>>
    %dma_start3A_701 = arith.constant 0 : i32
    %dma_start3A_702 = arith.constant 640 : i32
    %dma_start3A_703 = tpu.memref_slice %dma_start3A_700[%dma_start3A_701, %dma_start3A_702] : memref<32x1024xf32, #tpu.memory_space<vmem>> -> memref<32x128xf32, #tpu.memory_space<vmem>>
    %dma_start3A_704 = arith.constant 0 : i32
    %dma_start3A_705 = tpu.memref_slice %arg6[%dma_start3A_694, %dma_start3A_695, %dma_start3A_704] : memref<2x8x32xi32, #tpu.memory_space<vmem>> -> memref<1x1x32xi32, #tpu.memory_space<vmem>>
    %dma_start3A_706 = tpu.memref_squeeze %dma_start3A_705 : memref<1x1x32xi32, #tpu.memory_space<vmem>> -> memref<32xi32, #tpu.memory_space<vmem>>
    %dma_start3A_707 = arith.constant 0 : i32
    %dma_start3A_708 = arith.constant 640 : i32
    %dma_start3A_709 = tpu.memref_slice %arg2[%dma_start3A_707, %dma_start3A_708] : memref<8192x1024xf32, #tpu.memory_space<hbm>> -> memref<8192x128xf32, #tpu.memory_space<hbm>>
    tpu.enqueue_indirect_dma source(%dma_start3A_709 : memref<8192x128xf32, #tpu.memory_space<hbm>>) target(%dma_start3A_703 : memref<32x128xf32, #tpu.memory_space<vmem>>) offsets(%dma_start3A_706 : memref<32xi32, #tpu.memory_space<vmem>>) semaphore(%arg9 : memref<!tpu.dma_semaphore, #tpu.memory_space<semaphore_mem>>)
    %dma_start3A_710 = arith.constant 1 : i32
    %dma_start3A_711 = arith.constant 6 : i32
    %dma_start3A_712 = arith.constant 1 : i32
    %dma_start3A_713 = arith.constant 0 : i32
    %dma_start3A_714 = arith.constant 0 : i32
    %dma_start3A_715 = tpu.memref_slice %arg7[%dma_start3A_712, %dma_start3A_713, %dma_start3A_714] : memref<2x32x1024xf32, #tpu.memory_space<vmem>> -> memref<1x32x1024xf32, #tpu.memory_space<vmem>>
    %dma_start3A_716 = tpu.memref_squeeze %dma_start3A_715 : memref<1x32x1024xf32, #tpu.memory_space<vmem>> -> memref<32x1024xf32, #tpu.memory_space<vmem>>
    %dma_start3A_717 = arith.constant 0 : i32
    %dma_start3A_718 = arith.constant 768 : i32
    %dma_start3A_719 = tpu.memref_slice %dma_start3A_716[%dma_start3A_717, %dma_start3A_718] : memref<32x1024xf32, #tpu.memory_space<vmem>> -> memref<32x128xf32, #tpu.memory_space<vmem>>
    %dma_start3A_720 = arith.constant 0 : i32
    %dma_start3A_721 = tpu.memref_slice %arg6[%dma_start3A_710, %dma_start3A_711, %dma_start3A_720] : memref<2x8x32xi32, #tpu.memory_space<vmem>> -> memref<1x1x32xi32, #tpu.memory_space<vmem>>
    %dma_start3A_722 = tpu.memref_squeeze %dma_start3A_721 : memref<1x1x32xi32, #tpu.memory_space<vmem>> -> memref<32xi32, #tpu.memory_space<vmem>>
    %dma_start3A_723 = arith.constant 0 : i32
    %dma_start3A_724 = arith.constant 768 : i32
    %dma_start3A_725 = tpu.memref_slice %arg2[%dma_start3A_723, %dma_start3A_724] : memref<8192x1024xf32, #tpu.memory_space<hbm>> -> memref<8192x128xf32, #tpu.memory_space<hbm>>
    tpu.enqueue_indirect_dma source(%dma_start3A_725 : memref<8192x128xf32, #tpu.memory_space<hbm>>) target(%dma_start3A_719 : memref<32x128xf32, #tpu.memory_space<vmem>>) offsets(%dma_start3A_722 : memref<32xi32, #tpu.memory_space<vmem>>) semaphore(%arg9 : memref<!tpu.dma_semaphore, #tpu.memory_space<semaphore_mem>>)
    %dma_start3A_726 = arith.constant 1 : i32
    %dma_start3A_727 = arith.constant 7 : i32
    %dma_start3A_728 = arith.constant 1 : i32
    %dma_start3A_729 = arith.constant 0 : i32
    %dma_start3A_730 = arith.constant 0 : i32
    %dma_start3A_731 = tpu.memref_slice %arg7[%dma_start3A_728, %dma_start3A_729, %dma_start3A_730] : memref<2x32x1024xf32, #tpu.memory_space<vmem>> -> memref<1x32x1024xf32, #tpu.memory_space<vmem>>
    %dma_start3A_732 = tpu.memref_squeeze %dma_start3A_731 : memref<1x32x1024xf32, #tpu.memory_space<vmem>> -> memref<32x1024xf32, #tpu.memory_space<vmem>>
    %dma_start3A_733 = arith.constant 0 : i32
    %dma_start3A_734 = arith.constant 896 : i32
    %dma_start3A_735 = tpu.memref_slice %dma_start3A_732[%dma_start3A_733, %dma_start3A_734] : memref<32x1024xf32, #tpu.memory_space<vmem>> -> memref<32x128xf32, #tpu.memory_space<vmem>>
    %dma_start3A_736 = arith.constant 0 : i32
    %dma_start3A_737 = tpu.memref_slice %arg6[%dma_start3A_726, %dma_start3A_727, %dma_start3A_736] : memref<2x8x32xi32, #tpu.memory_space<vmem>> -> memref<1x1x32xi32, #tpu.memory_space<vmem>>
    %dma_start3A_738 = tpu.memref_squeeze %dma_start3A_737 : memref<1x1x32xi32, #tpu.memory_space<vmem>> -> memref<32xi32, #tpu.memory_space<vmem>>
    %dma_start3A_739 = arith.constant 0 : i32
    %dma_start3A_740 = arith.constant 896 : i32
    %dma_start3A_741 = tpu.memref_slice %arg2[%dma_start3A_739, %dma_start3A_740] : memref<8192x1024xf32, #tpu.memory_space<hbm>> -> memref<8192x128xf32, #tpu.memory_space<hbm>>
    tpu.enqueue_indirect_dma source(%dma_start3A_741 : memref<8192x128xf32, #tpu.memory_space<hbm>>) target(%dma_start3A_735 : memref<32x128xf32, #tpu.memory_space<vmem>>) offsets(%dma_start3A_738 : memref<32xi32, #tpu.memory_space<vmem>>) semaphore(%arg9 : memref<!tpu.dma_semaphore, #tpu.memory_space<semaphore_mem>>)
    %dma_wait3A = arith.constant 0 : i32
    %dma_wait3A_742 = arith.constant 0 : i32
    %dma_wait3A_743 = arith.constant 0 : i32
    %dma_wait3A_744 = arith.constant 0 : i32
    %dma_wait3A_745 = arith.constant 0 : i32
    %dma_wait3A_746 = tpu.memref_slice %arg7[%dma_wait3A_743, %dma_wait3A_744, %dma_wait3A_745] : memref<2x32x1024xf32, #tpu.memory_space<vmem>> -> memref<1x32x1024xf32, #tpu.memory_space<vmem>>
    %dma_wait3A_747 = tpu.memref_squeeze %dma_wait3A_746 : memref<1x32x1024xf32, #tpu.memory_space<vmem>> -> memref<32x1024xf32, #tpu.memory_space<vmem>>
    %dma_wait3A_748 = arith.constant 0 : i32
    %dma_wait3A_749 = tpu.memref_slice %arg6[%dma_wait3A, %dma_wait3A_742, %dma_wait3A_748] : memref<2x8x32xi32, #tpu.memory_space<vmem>> -> memref<1x1x32xi32, #tpu.memory_space<vmem>>
    %dma_wait3A_750 = tpu.memref_squeeze %dma_wait3A_749 : memref<1x1x32xi32, #tpu.memory_space<vmem>> -> memref<32xi32, #tpu.memory_space<vmem>>
    %dma_wait3A_751 = arith.constant 0 : i32
    %dma_wait3A_752 = arith.constant 0 : i32
    %dma_wait3A_753 = tpu.memref_slice %arg2[%dma_wait3A_751, %dma_wait3A_752] : memref<8192x1024xf32, #tpu.memory_space<hbm>> -> memref<8192x1024xf32, #tpu.memory_space<hbm>>
    tpu.wait_indirect_dma semaphore(%arg8 : memref<!tpu.dma_semaphore, #tpu.memory_space<semaphore_mem>>) src(%dma_wait3A_753 : memref<8192x1024xf32, #tpu.memory_space<hbm>>) dst(%dma_wait3A_747 : memref<32x1024xf32, #tpu.memory_space<vmem>>)
    %add3A_754 = arith.constant 960 : i32
    %add3A_755 = arith.addi %mul3A_2, %add3A_754 : i32
    %run_scoped3A = arith.constant 0 : i32
    "tpu.region"() ({
      %run_scoped3A_772 = tpu.sem_alloc : memref<!tpu.dma_semaphore, #tpu.memory_space<semaphore_mem>>
      %dma_start3A_773 = arith.constant 0 : i32
      %dma_start3A_774 = arith.constant 0 : i32
      %dma_start3A_775 = tpu.memref_slice %arg7[%run_scoped3A, %dma_start3A_773, %dma_start3A_774] : memref<2x32x1024xf32, #tpu.memory_space<vmem>> -> memref<1x32x1024xf32, #tpu.memory_space<vmem>>
      %dma_start3A_776 = tpu.memref_squeeze %dma_start3A_775 : memref<1x32x1024xf32, #tpu.memory_space<vmem>> -> memref<32x1024xf32, #tpu.memory_space<vmem>>
      %dma_start3A_777 = arith.constant 0 : i32
      %dma_start3A_778 = tpu.memref_slice %arg4[%add3A_755, %dma_start3A_777] : memref<32768x1024xf32, #tpu.memory_space<hbm>> -> memref<32x1024xf32, #tpu.memory_space<hbm>>
      %dma_start3A_779 = arith.constant 0 : i32
      %dma_start3A_780 = tpu.memref_slice %arg4[%add3A_755, %dma_start3A_779] : memref<32768x1024xf32, #tpu.memory_space<hbm>> -> memref<32x1024xf32, #tpu.memory_space<hbm>>
      %dma_start3A_781 = arith.constant 0 : i32
      %dma_start3A_782 = arith.constant 0 : i32
      %dma_start3A_783 = tpu.memref_slice %arg7[%run_scoped3A, %dma_start3A_781, %dma_start3A_782] : memref<2x32x1024xf32, #tpu.memory_space<vmem>> -> memref<1x32x1024xf32, #tpu.memory_space<vmem>>
      %dma_start3A_784 = tpu.memref_squeeze %dma_start3A_783 : memref<1x32x1024xf32, #tpu.memory_space<vmem>> -> memref<32x1024xf32, #tpu.memory_space<vmem>>
      tpu.enqueue_dma source(%dma_start3A_784 : memref<32x1024xf32, #tpu.memory_space<vmem>>) target(%dma_start3A_780 : memref<32x1024xf32, #tpu.memory_space<hbm>>) target_semaphore(%run_scoped3A_772 : memref<!tpu.dma_semaphore, #tpu.memory_space<semaphore_mem>>)
      %dma_wait3A_785 = arith.constant 0 : i32
      %dma_wait3A_786 = arith.constant 0 : i32
      %dma_wait3A_787 = tpu.memref_slice %arg7[%run_scoped3A, %dma_wait3A_785, %dma_wait3A_786] : memref<2x32x1024xf32, #tpu.memory_space<vmem>> -> memref<1x32x1024xf32, #tpu.memory_space<vmem>>
      %dma_wait3A_788 = tpu.memref_squeeze %dma_wait3A_787 : memref<1x32x1024xf32, #tpu.memory_space<vmem>> -> memref<32x1024xf32, #tpu.memory_space<vmem>>
      %dma_wait3A_789 = arith.constant 0 : i32
      %dma_wait3A_790 = tpu.memref_slice %arg4[%add3A_755, %dma_wait3A_789] : memref<32768x1024xf32, #tpu.memory_space<hbm>> -> memref<32x1024xf32, #tpu.memory_space<hbm>>
      %dma_wait3A_791 = arith.constant 0 : i32
      %dma_wait3A_792 = tpu.memref_slice %arg4[%add3A_755, %dma_wait3A_791] : memref<32768x1024xf32, #tpu.memory_space<hbm>> -> memref<32x1024xf32, #tpu.memory_space<hbm>>
      %dma_wait3A_793 = arith.constant 0 : i32
      %dma_wait3A_794 = arith.constant 0 : i32
      %dma_wait3A_795 = tpu.memref_slice %arg7[%run_scoped3A, %dma_wait3A_793, %dma_wait3A_794] : memref<2x32x1024xf32, #tpu.memory_space<vmem>> -> memref<1x32x1024xf32, #tpu.memory_space<vmem>>
      %dma_wait3A_796 = tpu.memref_squeeze %dma_wait3A_795 : memref<1x32x1024xf32, #tpu.memory_space<vmem>> -> memref<32x1024xf32, #tpu.memory_space<vmem>>
      tpu.wait_dma2 semaphore(%run_scoped3A_772 : memref<!tpu.dma_semaphore, #tpu.memory_space<semaphore_mem>>) src(%dma_wait3A_796 : memref<32x1024xf32, #tpu.memory_space<vmem>>) dst(%dma_wait3A_792 : memref<32x1024xf32, #tpu.memory_space<hbm>>)
      tpu.yield
    }) : () -> ()
    %dma_wait3A_756 = arith.constant 1 : i32
    %dma_wait3A_757 = arith.constant 0 : i32
    %dma_wait3A_758 = arith.constant 1 : i32
    %dma_wait3A_759 = arith.constant 0 : i32
    %dma_wait3A_760 = arith.constant 0 : i32
    %dma_wait3A_761 = tpu.memref_slice %arg7[%dma_wait3A_758, %dma_wait3A_759, %dma_wait3A_760] : memref<2x32x1024xf32, #tpu.memory_space<vmem>> -> memref<1x32x1024xf32, #tpu.memory_space<vmem>>
    %dma_wait3A_762 = tpu.memref_squeeze %dma_wait3A_761 : memref<1x32x1024xf32, #tpu.memory_space<vmem>> -> memref<32x1024xf32, #tpu.memory_space<vmem>>
    %dma_wait3A_763 = arith.constant 0 : i32
    %dma_wait3A_764 = tpu.memref_slice %arg6[%dma_wait3A_756, %dma_wait3A_757, %dma_wait3A_763] : memref<2x8x32xi32, #tpu.memory_space<vmem>> -> memref<1x1x32xi32, #tpu.memory_space<vmem>>
    %dma_wait3A_765 = tpu.memref_squeeze %dma_wait3A_764 : memref<1x1x32xi32, #tpu.memory_space<vmem>> -> memref<32xi32, #tpu.memory_space<vmem>>
    %dma_wait3A_766 = arith.constant 0 : i32
    %dma_wait3A_767 = arith.constant 0 : i32
    %dma_wait3A_768 = tpu.memref_slice %arg2[%dma_wait3A_766, %dma_wait3A_767] : memref<8192x1024xf32, #tpu.memory_space<hbm>> -> memref<8192x1024xf32, #tpu.memory_space<hbm>>
    tpu.wait_indirect_dma semaphore(%arg9 : memref<!tpu.dma_semaphore, #tpu.memory_space<semaphore_mem>>) src(%dma_wait3A_768 : memref<8192x1024xf32, #tpu.memory_space<hbm>>) dst(%dma_wait3A_762 : memref<32x1024xf32, #tpu.memory_space<vmem>>)
    %add3A_769 = arith.constant 992 : i32
    %add3A_770 = arith.addi %mul3A_2, %add3A_769 : i32
    %run_scoped3A_771 = arith.constant 1 : i32
    "tpu.region"() ({
      %run_scoped3A_772 = tpu.sem_alloc : memref<!tpu.dma_semaphore, #tpu.memory_space<semaphore_mem>>
      %dma_start3A_773 = arith.constant 0 : i32
      %dma_start3A_774 = arith.constant 0 : i32
      %dma_start3A_775 = tpu.memref_slice %arg7[%run_scoped3A_771, %dma_start3A_773, %dma_start3A_774] : memref<2x32x1024xf32, #tpu.memory_space<vmem>> -> memref<1x32x1024xf32, #tpu.memory_space<vmem>>
      %dma_start3A_776 = tpu.memref_squeeze %dma_start3A_775 : memref<1x32x1024xf32, #tpu.memory_space<vmem>> -> memref<32x1024xf32, #tpu.memory_space<vmem>>
      %dma_start3A_777 = arith.constant 0 : i32
      %dma_start3A_778 = tpu.memref_slice %arg4[%add3A_770, %dma_start3A_777] : memref<32768x1024xf32, #tpu.memory_space<hbm>> -> memref<32x1024xf32, #tpu.memory_space<hbm>>
      %dma_start3A_779 = arith.constant 0 : i32
      %dma_start3A_780 = tpu.memref_slice %arg4[%add3A_770, %dma_start3A_779] : memref<32768x1024xf32, #tpu.memory_space<hbm>> -> memref<32x1024xf32, #tpu.memory_space<hbm>>
      %dma_start3A_781 = arith.constant 0 : i32
      %dma_start3A_782 = arith.constant 0 : i32
      %dma_start3A_783 = tpu.memref_slice %arg7[%run_scoped3A_771, %dma_start3A_781, %dma_start3A_782] : memref<2x32x1024xf32, #tpu.memory_space<vmem>> -> memref<1x32x1024xf32, #tpu.memory_space<vmem>>
      %dma_start3A_784 = tpu.memref_squeeze %dma_start3A_783 : memref<1x32x1024xf32, #tpu.memory_space<vmem>> -> memref<32x1024xf32, #tpu.memory_space<vmem>>
      tpu.enqueue_dma source(%dma_start3A_784 : memref<32x1024xf32, #tpu.memory_space<vmem>>) target(%dma_start3A_780 : memref<32x1024xf32, #tpu.memory_space<hbm>>) target_semaphore(%run_scoped3A_772 : memref<!tpu.dma_semaphore, #tpu.memory_space<semaphore_mem>>)
      %dma_wait3A_785 = arith.constant 0 : i32
      %dma_wait3A_786 = arith.constant 0 : i32
      %dma_wait3A_787 = tpu.memref_slice %arg7[%run_scoped3A_771, %dma_wait3A_785, %dma_wait3A_786] : memref<2x32x1024xf32, #tpu.memory_space<vmem>> -> memref<1x32x1024xf32, #tpu.memory_space<vmem>>
      %dma_wait3A_788 = tpu.memref_squeeze %dma_wait3A_787 : memref<1x32x1024xf32, #tpu.memory_space<vmem>> -> memref<32x1024xf32, #tpu.memory_space<vmem>>
      %dma_wait3A_789 = arith.constant 0 : i32
      %dma_wait3A_790 = tpu.memref_slice %arg4[%add3A_770, %dma_wait3A_789] : memref<32768x1024xf32, #tpu.memory_space<hbm>> -> memref<32x1024xf32, #tpu.memory_space<hbm>>
      %dma_wait3A_791 = arith.constant 0 : i32
      %dma_wait3A_792 = tpu.memref_slice %arg4[%add3A_770, %dma_wait3A_791] : memref<32768x1024xf32, #tpu.memory_space<hbm>> -> memref<32x1024xf32, #tpu.memory_space<hbm>>
      %dma_wait3A_793 = arith.constant 0 : i32
      %dma_wait3A_794 = arith.constant 0 : i32
      %dma_wait3A_795 = tpu.memref_slice %arg7[%run_scoped3A_771, %dma_wait3A_793, %dma_wait3A_794] : memref<2x32x1024xf32, #tpu.memory_space<vmem>> -> memref<1x32x1024xf32, #tpu.memory_space<vmem>>
      %dma_wait3A_796 = tpu.memref_squeeze %dma_wait3A_795 : memref<1x32x1024xf32, #tpu.memory_space<vmem>> -> memref<32x1024xf32, #tpu.memory_space<vmem>>
      tpu.wait_dma2 semaphore(%run_scoped3A_772 : memref<!tpu.dma_semaphore, #tpu.memory_space<semaphore_mem>>) src(%dma_wait3A_796 : memref<32x1024xf32, #tpu.memory_space<vmem>>) dst(%dma_wait3A_792 : memref<32x1024xf32, #tpu.memory_space<hbm>>)
      tpu.yield
    }) : () -> ()
    return
  }
}

</mosaic_0001>

<sc_bundles>
// kernel: kernel.3.cloned.1.call-start
scs
__scs_entry_jumppad:
0x0: {  	(pc) =	sbr.rel $0x88, $3  }
0x1: {  	(tag) =	ssettag $0x0;
	lr =	simm.s32 $0x1  }
0x2: {  	[smem:$0x3F9F] =	sst lr;
	_ =	strace $0xD0000000  }
0x3: {  	_ = 	snop  }
0x4: {  	_ = 	snop  }
0x5: {  	_ = 	snop  }
0x6: {  	_ = 	snop  }
0x7: {  	_ = 	snop  }
__scs_overlays_trampoline_lowered:
0x8: {  	[smem:$0x3FAE] =	sst s0  }
0x9: {  	[smem:$0x3FAF] =	sst s1  }
0xa: {  	[smem:$0x3FB0] =	sst s2  }
0xb: {  	[smem:$0x3FB1] =	sst s3  }
0xc: {  	[smem:$0x3FB2] =	sst s4  }
0xd: {  	[smem:$0x3FB3] =	sst s5  }
0xe: {  	[smem:$0x3FB4] =	sst s6  }
0xf: {  	[smem:$0x3FB5] =	sst s7  }
0x10: {  	[smem:$0x3FB6] =	sst s8  }
0x11: {  	[smem:$0x3FB7] =	sst s9;
	s0 =	simm.s32 @!p0 $0x0  }
0x12: {  	s1 =	sld [smem:$0x3F9D];
	s0 =	simm.s32 @p0 $0x1  }
0x13: {  	[smem:$0x3FB8] =	sst s0;
	s0 =	simm.s32 @!p1 $0x0  }
0x14: {  	s2 =	sld [smem:$0x3F9C];
	s0 =	simm.s32 @p1 $0x1  }
0x15: {  	[smem:$0x3FB9] =	sst s0;
	s0 =	simm.s32 @!p2 $0x0  }
0x16: {  	s3 =	sld [smem:$0x3FDB];
	s0 =	simm.s32 @p2 $0x1  }
0x17: {  	s4 =	simm.s32 $0x1BF5;
	[smem:$0x3FBB] =	sst s0  }
0x18: {  	s0 =	sld [smem:$0x3F9E];
	_ =	swait.ge [sflag:s4], $0x0  }
0x19: {  	s7 =	sld [smem:$0x3F9F]  }
0x1a: {  	s8 =	sadd.s32 $0xFFFFE003, lr  }
0x1b: {  	s9 =	sadd.s32 $0xFFFFFEF7, lr;
	s5 =	simm.s32 $0xFFFFFFFF;
	p2 =	slt.u32 s8, $0xFFFFF086  }
0x1c: {  	p1 =	slt.u32 s9, $0xF7A;
	s5 =	simm.s32 @!p2 $0x0  }
0x1d: {  	s5 =	simm.s32 @p1 $0x1;
	p0 =	seq.s32 s7, s2  }
0x1e: {  	s7 =	smul.u32 @!p0 $0xF7A, s2;
	p2 =	seq.s32 @!p0 s5, $0x0  }
0x1f: {  	s9 =	smul.u32 $0xF7A, s1;
	s8 =	simm.s32 @!p0 $0x1BF5;
	p2 =	por !p2, p0  }
0x20: {  	[sflag:s8] =	ssyncset.s32 @!p0 $0xFFFFF086;
	s6 =	sadd.s32 @!p0 s3, s7;
	s7 =	simm.s32 @!p0 $0x108  }
0x21: {  	s3 =	sadd.s32 s3, s9;
	s6 =	sadd.s32 @!p0 $0x88, s6;
	s7 =	simm.s32 @p2 $0x1082  }
0x22: {  	[simem:s7], [sflag:s8] =	dma.local @!p0 [hbm:s6], $0xF7A  }
0x23: {  	s9 =	sor.u32 $0xD0000000, s2;
	s6 =	simm.s32 $0x108;
	_ =	swait.ge @!p0 [sflag:s8], $0x0  }
0x24: {  	s3 =	sadd.s32 $0x88, s3;
	s6 =	simm.s32 @!p1 $0x1082;
	[sflag:s4] =	ssyncset.s32 $0xFFFFF086  }
0x25: {  	[simem:s6], [sflag:s4] =	dma.local [hbm:s3], $0xF7A  }
0x26: {  	[smem:$0x3F9F] =	sst s1;
	(tag) =	ssettag s2;
	_ =	strace s9  }
0x27: {  	s1 =	sld [smem:$0x3FAF]  }
0x28: {  	s2 =	sld [smem:$0x3FB0]  }
0x29: {  	s4 =	sld [smem:$0x3FB2]  }
0x2a: {  	p0 =	seq.s32 s5, $0x0;
	s5 =	sld [smem:$0x3FB3]  }
0x2b: {  	s6 =	sld [smem:$0x3FB4]  }
0x2c: {  	s7 =	sld [smem:$0x3FB5]  }
0x2d: {  	s3 =	simm.s32 $0x108;
	s8 =	sld [smem:$0x3FB6]  }
0x2e: {  	s3 =	simm.s32 @!p0 $0x1082;
	s9 =	sld [smem:$0x3FB7]  }
0x2f: {  	lr =	sadd.s32 s0, s3;
	s0 =	sld [smem:$0x3FAE]  }
0x30: {  	s3 =	sld [smem:$0x3FB1]  }
0x31: {  	[smem:$0x3FBA] =	sst s10  }
0x32: {  	s10 =	sld [smem:$0x3FB8];
	_ =	sdelay $0x3  }
0x33: {  	p0 =	seq.s32 s10, $0x1;
	s10 =	sld [smem:$0x3FBA];
	_ =	sdelay $0x3  }
0x34: {  	[smem:$0x3FBA] =	sst s10  }
0x35: {  	s10 =	sld [smem:$0x3FB9];
	_ =	sdelay $0x3  }
0x36: {  	p1 =	seq.s32 s10, $0x1;
	s10 =	sld [smem:$0x3FBA];
	_ =	sdelay $0x3  }
0x37: {  	[smem:$0x3FBA] =	sst s10  }
0x38: {  	s10 =	sld [smem:$0x3FBB]  }
0x39: {  	_ = 	snop;
	(pc) =	sbr.ind lr, $3  }
0x3a: {  	_ = 	snop  }
0x3b: {  	_ = 	snop  }
0x3c: {  	p2 =	seq.s32 s10, $0x1;
	s10 =	sld [smem:$0x3FBA]  }
0x3d: {  	_ =	shalt  }
0x3e: {  	_ =	shalt  }
0x3f: {  	_ =	shalt  }
0x40: {  	_ =	shalt  }
0x41: {  	_ =	shalt  }
0x42: {  	_ =	shalt  }
0x43: {  	_ =	shalt  }
0x44: {  	_ =	shalt  }
0x45: {  	_ =	shalt  }
0x46: {  	_ =	shalt  }
0x47: {  	_ =	shalt  }
0x48: {  	_ =	shalt  }
0x49: {  	_ =	shalt  }
0x4a: {  	_ =	shalt  }
0x4b: {  	_ =	shalt  }
0x4c: {  	_ =	shalt  }
0x4d: {  	_ =	shalt  }
0x4e: {  	_ =	shalt  }
0x4f: {  	_ =	shalt  }
0x50: {  	_ =	shalt  }
0x51: {  	_ =	shalt  }
0x52: {  	_ =	shalt  }
0x53: {  	_ =	shalt  }
0x54: {  	_ =	shalt  }
0x55: {  	_ =	shalt  }
0x56: {  	_ =	shalt  }
0x57: {  	_ =	shalt  }
0x58: {  	_ =	shalt  }
0x59: {  	_ =	shalt  }
0x5a: {  	_ =	shalt  }
0x5b: {  	_ =	shalt  }
0x5c: {  	_ =	shalt  }
0x5d: {  	_ =	shalt  }
0x5e: {  	_ =	shalt  }
0x5f: {  	_ =	shalt  }
0x60: {  	_ =	shalt  }
0x61: {  	_ =	shalt  }
0x62: {  	_ =	shalt  }
0x63: {  	_ =	shalt  }
0x64: {  	_ =	shalt  }
0x65: {  	_ =	shalt  }
0x66: {  	_ =	shalt  }
0x67: {  	_ =	shalt  }
0x68: {  	_ =	shalt  }
0x69: {  	_ =	shalt  }
0x6a: {  	_ =	shalt  }
0x6b: {  	_ =	shalt  }
0x6c: {  	_ =	shalt  }
0x6d: {  	_ =	shalt  }
0x6e: {  	_ =	shalt  }
0x6f: {  	_ =	shalt  }
0x70: {  	_ =	shalt  }
0x71: {  	_ =	shalt  }
0x72: {  	_ =	shalt  }
0x73: {  	_ =	shalt  }
0x74: {  	_ =	shalt  }
0x75: {  	_ =	shalt  }
0x76: {  	_ =	shalt  }
0x77: {  	_ =	shalt  }
0x78: {  	_ =	shalt  }
0x79: {  	_ =	shalt  }
0x7a: {  	_ =	shalt  }
0x7b: {  	_ =	shalt  }
0x7c: {  	_ =	shalt  }
0x7d: {  	_ =	shalt  }
0x7e: {  	_ =	shalt  }
0x7f: {  	_ =	shalt  }
0x80: {  	_ =	shalt  }
0x81: {  	_ =	shalt  }
0x82: {  	_ =	shalt  }
0x83: {  	_ =	shalt  }
0x84: {  	_ =	shalt  }
0x85: {  	_ =	shalt  }
0x86: {  	_ =	shalt  }
0x87: {  	_ =	shalt  }
.Lfunc_end0:
.L_simem_size_0:
called_computation_lowered:
.L_overlay_start_0:
0x88: {  	s2 =	sld [smem:$0x3FD9]  }
0x89: {  	s3 =	sld [smem:$0x3FFE];
	_ =	sdelay $0x1  }
0x8a: {  	s1 =	srdreg.scid  }
0x8b: {  	s0 =	sand.u32 $0x1, s1  }
0x8c: {  	s14 =	sshll.u32 s0, $0xA;
	s2 =	sadd.s32 s3, s2  }
0x8d: {  	s2 =	sadd.s32 s2, s14  }
0x8e: {  	[smem:$0x3FC6] =	sst s2  }
0x8f: {  	_ = 	snop  }
0x90: {  	s2 =	sld [smem:$0x3FD0];
	_ =	sdelay $0x2  }
0x91: {  	s4 =	simm.s32 $0xA;
	s5 =	simm.s32 $0x10;
	s15 =	sld [smem:$0x3FC9]  }
0x92: {  	[smem:s5], [sflag:s4] =	dma.local [hbm:s2], $0x1  }
0x93: {  	_ =	swait.eq [sflag:s4], $0x1  }
0x94: {  	[sflag:s4] =	ssyncset.done $0x0  }
0x95: {  	[sflag:s4] =	ssyncadd.s32 $0xFFFFFFFF  }
0x96: {  	s16 =	sld [smem:$0x10];
	(tm) =	ssettm $0x1  }
0x97: {  	s17 =	sld [smem:$0x3FFB];
	_ =	sdelay $0x3  }
0x98: {  	_ =	strace s17  }
0x99: {  	s4 =	sld [smem:$0x3FFC];
	_ =	sdelay $0x3  }
0x9a: {  	_ =	strace s4  }
0x9b: {  	s4 =	sld [smem:$0x3FFD];
	_ =	sdelay $0x3  }
0x9c: {  	_ =	strace s4  }
0x9d: {  	_ =	strace $0x8FFFFFFF  }
0x9e: {  	s18 =	sld [smem:$0x3FDB];
	_ =	sdelay $0x1  }
0x9f: {  	s19 =	simm.s32 $_scs_section_size  }
0xa0: {  	s6 =	simm.s32 $_size__tile_overlayer_lowered;
	s7 =	simm.s32 $_tile_overlayer_lowered  }
0xa1: {  	s22 =	simm.s32 $0x1BFF;
	s21 =	sshll.u32 s7, $0x1;
	s4 =	sadd.s32 s19, s18  }
0xa2: {  	s8 =	simm.s32 $0x0;
	s20 =	sshll.u32 s6, $0x1;
	s6 =	sadd.s32 s21, s4  }
0xa3: {  	[timem:s8], [sflag:s22] =	dma.local [hbm:s6], s20  }
0xa4: {  	_ =	swait.ge [sflag:s22], s20  }
0xa5: {  	s5 =	ssub.s32 $0x0, s20;
	[sflag:s22] =	ssyncset.done $0x0  }
0xa6: {  	[sflag:s22] =	ssyncadd.s32 s5;
	_ =	sdelay $0x1  }
0xa7: {  	s23 =	simm.s32 $0x1B8B  }
0xa8: {  	_ =	swait.ge [sflag:s23], $0x1  }
0xa9: {  	[sflag:s23] =	ssyncset.done $0x0  }
0xaa: {  	s25 =	simm.s32 $0x1B8E;
	s24 =	sld [smem:$0x3FFE];
	[sflag:s23] =	ssyncadd.s32 $0xFFFFFFFF  }
0xab: {  	s26 =	simm.s32 $execute0_lowered;
	[smem:$0x3FD2] =	sst s25  }
0xac: {  	s6 =	sshll.u32 s26, $0x1;
	_ =	strace $0x80000046;
	[dreg:$0x1] =	wrdreg $0xFFFFFFFF  }
0xad: {  	s28 =	simm.s32 $_size_execute0_lowered;
	s4 =	sadd.s32 s4, s6;
	[dreg:$0x0] =	wrdreg $0x0  }
0xae: {  	s6 =	sshll.u32 s28, $0x1;
	[dreg:$0x2] =	wrdreg s4  }
0xaf: {  	[dreg:$0x3] =	wrdreg s6  }
0xb0: {  	[dreg:$0x4] =	wrdreg $0xC0  }
0xb1: {  	_ =	task [dreg:s8], $0x5FFFF  }
0xb2: {  	[dreg:$0x1] =	wrdreg $0xFFFFFFFF  }
0xb3: {  	[dreg:$0x0] =	wrdreg $0x60  }
0xb4: {  	[dreg:$0x2] =	wrdreg s15  }
0xb5: {  	[dreg:$0x3] =	wrdreg s24  }
0xb6: {  	[dreg:$0x4] =	wrdreg s16  }
0xb7: {  	[dreg:$0x5] =	wrdreg $0x9  }
0xb8: {  	_ =	task.clear_ibuf [dreg:s8], $0x6FFFF;
	_ =	strace $0x90000046  }
0xb9: {  	s29 =	simm.s32 $0x9;
	_ =	strace $0x80000048  }
0xba: {  	_ =	swait.ge [sflag:s29], $0x1  }
0xbb: {  	[sflag:s29] =	ssyncadd.s32 $0xFFFFFFFF  }
0xbc: {  	_ =	strace $0x90000048  }
0xbd: {  	_ =	sfence  }
0xbe: {  	s30 =	sld [smem:$0x0];
	_ =	sdelay $0x2  }
0xbf: {  	s31 =	sshll.u32 s1, $0xD;
	s1 =	sshrl.u32 s1, $0x2  }
0xc0: {  	s3 =	sand.u32 $0x4000, s31;
	s1 =	sadd.s32 s1, s30  }
0xc1: {  	s0 =	sor.u32 s3, s0;
	s1 =	sshll.u32 s1, $0x11  }
0xc2: {  	s0 =	sor.u32 s1, s0  }
0xc3: {  	s0 =	sadd.s32 $0x8F2B, s0  }
0xc4: {  	[sflag:s0] =	ssyncadd.remote.s32 $0x1  }
0xc5: {  	_ =	sfence.sel $0xFFFF  }
0xc6: {  	[dreg:$0x0] =	wrdreg $0xFFFFFFFF;
	(pc) =	sbr.abs _section_cstart, $3  }
0xc7: {  	[dreg:$0x1] =	wrdreg $0xFFFFFFFF  }
0xc8: {  	_ =	task.clear_ibuf [dreg:s8], $0x2FFFF;
	_ =	strace $0x9FFFFFFF  }
0xc9: {  	(tm) =	ssettm $0x7FFFFFFF  }
tec
execute0_lowered:
.L_overlay_start_1:
0x0: {  	(tag) =	ssettag $0x1  }
0x1: {  	s0 =	srdreg.scid;
	s17 =	stileid.u32;
	s5 =	simm.s32 $0x1  }
0x2: {  	s15 =	rddreg [dreg:$0x2];
	s8 =	simm.s32 $0x1;
	s18 =	simm.s32 $0x880  }
0x3: {  	s29 =	simm.s32 $0x2880;
	s30 =	simm.s32 $0x4880;
	s2 =	sand.u32 $0x1, s0  }
0x4: {  	s31 =	simm.s32 $0x6880;
	s1 =	sshll.u32 s17, $0xB;
	s0 =	sshll.u32 s2, $0xA  }
0x5: {  	p1 =	seq.s32 s2, $0x1;
	s22 =	ssub.s32 $0x2, s2;
	s10 =	sor.u32 s0, s1  }
0x6: {  	s2 =	sshll.u32 s2, $0x11;
	s1 =	simm.s32 $0x1;
	p0 =	seq.s32 s10, $0x0  }
0x7: {  	v13 =	vlaneseq.u32;
	s9 =	sshrl.u32 s22, $0x1;
	s20 =	sor.u32 $0x10, s0;
	p0 =	por !p0, !p1  }
0x8: {  	v1 =	vor.u32 s0, v13;
	s0 =	simm.s32 $0x0;
	s16 =	ssub.s32 s22, s9;
	p0 =	por !p0, !p0  }
0x9: {  	s10 =	sshll.u32 s10, $0x7;
	v2 =	vor.u32 s20, v13;
	s20 =	simm.s32 $0x8480;
	s1 =	simm.s32 @!p0 $0x0  }
0xa: {  	s28 =	smax.u32 s16, $0x1;
	s1 =	ssub.s32 s17, s1;
	s17 =	sshll.u32 s17, $0x12  }
0xb: {  	s3 =	sand.u32 $0x80, s1;
	p3 =	slt.s32 s1, $0x1;
	s17 =	sadd.s32 s17, s15  }
0xc: {  	s15 =	sadd.s32 s10, s15;
	s3 =	sshrl.u32 s3, $0x7;
	s2 =	sadd.s32 s2, s17  }
0xd: {  	s25 =	sadd.s32 $0x1E000, s15;
	s26 =	sadd.s32 $0x1F000, s15;
	s3 =	sadd.s32 s3, s1  }
0xe: {  	s17 =	simm.s32 $0x3;
	s4 =	sand.u32 $0xFFFFFFFE, s3;
	s3 =	sshra.s32 s3, $0x1  }
0xf: {  	s6 =	ssub.s32 s1, s4;
	s1 =	rddreg [dreg:$0x0];
	s4 =	simm.s32 $0x0  }
0x10: {  	p4 =	sne.s32 s6, $0x0;
	[smem:$0x7FF] =	sst s4;
	s6 =	sshll.u32 s6, $0xB  }
0x11: {  	s9 =	sadd.s32 $0x200, s1;
	s10 =	sadd.s32 $0x280, s1;
	p0 =	por !p3, !p4  }
0x12: {  	_ =	strace $0x80000047;
	[dreg:$0x4] =	wrdreg s2;
	p0 =	por !p0, !p0  }
0x13: {  	s15 =	sadd.s32 $0x300, s1;
	[dreg:$0x5] =	wrdreg s25;
	s5 =	simm.s32 @!p0 $0x0  }
0x14: {  	s16 =	sadd.s32 $0x380, s1;
	[dreg:$0x6] =	wrdreg s26;
	s7 =	ssub.s32 s3, s5  }
0x15: {  	[dreg:$0x7] =	wrdreg s28;
	s2 =	simm.s32 $0x8880;
	s3 =	sand.u32 $0x3, s7  }
0x16: {  	s5 =	sshrl.u32 s7, $0xD;
	p5 =	slt.s32 s7, $0x1;
	p6 =	sne.s32 s3, $0x0  }
0x17: {  	s26 =	simm.s32 $0x2;
	s5 =	sand.u32 $0x3, s5;
	p0 =	por !p5, !p6  }
0x18: {  	s25 =	simm.s32 $0x4080;
	s5 =	sadd.s32 s5, s7;
	p0 =	por !p0, !p0  }
0x19: {  	s19 =	sshllo.u32 s7, $0x3;
	s5 =	sshrl.u32 s5, $0x2;
	s8 =	simm.s32 @!p0 $0x0  }
0x1a: {  	v7 =	vmov s19;
	s19 =	simm.s32 $0x6480;
	s23 =	ssub.s32 s5, s8;
	s5 =	simm.s32 $0x1  }
0x1b: {  	vm0 =	vmmov $0xff;
	v12 =	vshrl.u32 v13, $0x3;
	s8 =	sadd.s32 $0x180, s1;
	s3 =	sshll.u32 s23, $0xC;
	s23 =	sshll.u32 s7, $0x3  }
0x1c: {  	v11 =	vand.u32 $0x7, v13;
	v12 =	vmul.u32 $0x8, v12;
	s22 =	sadd.s32 s6, s3;
	s21 =	sor.u32 $0x1, s23;
	s12 =	sor.u32 $0x2, s23;
	v3 =	vmov s23  }
0x1d: {  	s7 =	sadd.s32 $0x100, s1;
	s13 =	sor.u32 $0x3, s23;
	s14 =	sor.u32 $0x4, s23;
	v0 =	vmov s22;
	v4 =	vmov s21;
	v5 =	vmov s12  }
0x1e: {  	s24 =	sor.u32 $0x5, s23;
	s11 =	sor.u32 $0x6, s23;
	s6 =	sadd.s32 $0x80, s1;
	v6 =	vmov s13;
	v8 =	vmov s14;
	v3 =	vbroadcast v3, $0x0  }
0x1f: {  	s23 =	simm.s32 $0x7C80;
	s3 =	simm.s32 $0x6880;
	v9 =	vmov s24;
	s21 =	simm.s32 $0x3C80;
	v4 =	vbroadcast v4, $0x0;
	v5 =	vbroadcast v5, $0x0  }
0x20: {  	v10 =	vmov s11;
	s22 =	simm.s32 $0x5C80;
	s24 =	simm.s32 $0x2080;
	s12 =	simm.s32 $0x6080;
	v6 =	vbroadcast v6, $0x0;
	v8 =	vbroadcast v8, $0x0  }
0x21: {  	v13 =	vor.u32 $0x8, v13;
	s13 =	simm.s32 $0x8080;
	s14 =	simm.s32 $0x2480;
	s11 =	simm.s32 $0x4480;
	v9 =	vbroadcast v9, $0x0;
	v10 =	vbroadcast v10, $0x0  }
.LBB2_1:
0x22: {  	[dreg:$0x8] =	wrdreg s0  }
0x23: {  	s28 =	rddreg [dreg:$0x1]  }
0x24: {  	[tilespmem:s4], [sflag:$0x3] =	stream.linear.gather [hbm4b:s28+s4], $0x80, $0x38;
	[tilespmem:$0x10880] =	vst v63  }
0x25: {  	_ =	swait.ge [sflag:s17], $0x80  }
0x26: {  	[sflag:s17] =	ssyncset.done $0x0  }
0x27: {  	[sflag:s17] =	ssyncadd.s32 $0xFFFFFF80  }
0x28: {  	v14 =	vld.idx.msk [tilespmem:v3+s4+$0x0], $0xffff  }
0x29: {  	v15 =	vld.idx.msk [tilespmem:v4+s4+$0x0], $0xffff  }
0x2a: {  	v16 =	vld.idx.msk [tilespmem:v5+s4+$0x0], $0xffff  }
0x2b: {  	v17 =	vld.idx.msk [tilespmem:v6+s4+$0x0], $0xffff  }
0x2c: {  	v18 =	vld.idx.msk [tilespmem:v8+s4+$0x0], $0xffff;
	_ =	sdelay $0x1  }
0x2d: {  	v26 =	vld.idx.msk [tilespmem:v9+s4+$0x0], $0xffff;
	v27 =	vadd.s32 v1, v14  }
0x2e: {  	v28 =	vadd.s32 v2, v14;
	v25 =	vadd.s32 v1, v15;
	v24 =	vadd.s32 v2, v15  }
0x2f: {  	v23 =	vadd.s32 v1, v16;
	v22 =	vadd.s32 v2, v16;
	v21 =	vadd.s32 v1, v17  }
0x30: {  	v20 =	vadd.s32 v2, v17;
	v17 =	vadd.s32 v2, v18;
	v14 =	vand.u32 $0x7FF, v27  }
0x31: {  	v30 =	vld.idx.msk [tilespmem:v7+s4+$0x0], $0xffff;
	v19 =	vadd.s32 v1, v18;
	v33 =	vand.u32 $0x7FF, v17;
	v29 =	vor.u32 v0, v14  }
0x32: {  	v16 =	vld.idx.msk [tilespmem:v10+s4+$0x0], $0xffff;
	v18 =	vadd.s32 v1, v26;
	v14 =	vand.u32 $0x7FF, v28;
	v42 =	vor.u32 v0, v33;
	[tilespmem:$0x80] =	vst v29  }
0x33: {  	v31 =	vand.u32 $0x7FF, v25;
	v32 =	vand.u32 $0x7FF, v20;
	v15 =	vor.u32 v0, v14;
	[tilespmem:$0x290] =	vst v42  }
0x34: {  	v14 =	vadd.s32 v2, v26;
	v26 =	vor.u32 v0, v31;
	v31 =	vand.u32 $0x7FF, v24;
	[tilespmem:$0x90] =	vst v15  }
0x35: {  	v41 =	vand.u32 $0x7FF, v19;
	[tilespmem:$0x100] =	vst v26;
	v26 =	vor.u32 v0, v31;
	v31 =	vand.u32 $0x7FF, v23  }
0x36: {  	v29 =	vshll.u32 v29, $0x3;
	[tilespmem:$0x110] =	vst v26;
	v26 =	vor.u32 v0, v31;
	v31 =	vand.u32 $0x7FF, v22  }
0x37: {  	v29 =	vand.u32 $0xFFFFFFC0, v29;
	[tilespmem:$0x180] =	vst v26;
	v26 =	vor.u32 v0, v31;
	v31 =	vand.u32 $0x7FF, v21  }
0x38: {  	v44 =	vand.u32 $0x7FF, v14;
	v15 =	vadd.s32 v1, v16;
	[tilespmem:$0x190] =	vst v26;
	v26 =	vor.u32 v0, v31  }
0x39: {  	v16 =	vadd.s32 v2, v16;
	v31 =	vor.u32 v0, v32;
	[tilespmem:$0x200] =	vst v26;
	v26 =	vand.u32 $0x7, v27  }
0x3a: {  	v32 =	vor.u32 v0, v41;
	[tilespmem:$0x210] =	vst v31;
	v31 =	vand.u32 $0x7FF, v18;
	v43 =	vor.u32 v26, v29  }
0x3b: {  	v34 =	vand.u32 $0x7FF, v15;
	[tilespmem:$0x280] =	vst v32;
	v31 =	vor.u32 v0, v31;
	v35 =	vperm.xlane v43, v11  }
0x3c: {  	v45 =	vor.u32 v0, v34;
	v29 =	vadd.s32 v1, v30;
	[tilespmem:$0x300] =	vst v31;
	v31 =	vor.u32 v0, v44  }
0x3d: {  	v33 =	vperm.xlane v43, v13;
	[tilespmem:$0x310] =	vst v31;
	v31 =	vand.u32 $0x7FF, v16;
	v46 =	vadd.s32 v12, v35  }
0x3e: {  	[tilespmem:$0x380] =	vst v45;
	v30 =	vadd.s32 v2, v30;
	v47 =	vand.u32 $0x7FF, v29;
	v31 =	vor.u32 v0, v31  }
0x3f: {  	v48 =	vand.u32 $0x7FF, v30;
	v33 =	vadd.s32 v12, v33;
	[tilespmem:$0x390] =	vst v31;
	v31 =	vor.u32 v0, v47  }
0x40: {  	[tilespmem:$0x400] =	vst v31;
	v31 =	vor.u32 v0, v48  }
0x41: {  	[tilespmem:$0x410] =	vst v31  }
0x42: {  	[tilespmem:s18], [sflag:$0x1] =	stream.indirect_vreg.gather [hbm4b:s1+s4], $0x80, v46, vm0, $0xb8;
	[tilespmem:$0x10880] =	vst v63  }
0x43: {  	_ = 	snop  }
0x44: {  	[tilespmem:s29], [sflag:$0x1] =	stream.indirect_vreg.gather [hbm4b:s1+s4], $0x80, v33, vm0, $0xb8;
	[tilespmem:$0x10880] =	vst v63  }
0x45: {  	v31 =	vld [tilespmem:$0x90];
	_ =	sdelay $0x4  }
0x46: {  	v49 =	vshll.u32 v31, $0x3  }
0x47: {  	v31 =	vand.u32 $0x7, v31;
	v32 =	vand.u32 $0xFFFFFFC0, v49  }
0x48: {  	v31 =	vor.u32 v31, v32  }
0x49: {  	v32 =	vperm.xlane v31, v11;
	_ =	sdelay $0x1  }
0x4a: {  	v31 =	vperm.xlane v31, v13;
	v32 =	vadd.s32 v12, v32;
	_ =	sdelay $0x1  }
0x4b: {  	v31 =	vadd.s32 v12, v31;
	_ =	sdelay $0x2  }
0x4c: {  	[tilespmem:s30], [sflag:$0x1] =	stream.indirect_vreg.gather [hbm4b:s1+s4], $0x80, v32, vm0, $0xb8;
	[tilespmem:$0x10880] =	vst v63  }
0x4d: {  	_ = 	snop  }
0x4e: {  	[tilespmem:s31], [sflag:$0x1] =	stream.indirect_vreg.gather [hbm4b:s1+s4], $0x80, v31, vm0, $0xb8;
	[tilespmem:$0x10880] =	vst v63  }
0x4f: {  	v31 =	vld [tilespmem:$0x100];
	_ =	sdelay $0x4  }
0x50: {  	v50 =	vshll.u32 v31, $0x3  }
0x51: {  	v31 =	vand.u32 $0x7, v31;
	v32 =	vand.u32 $0xFFFFFFC0, v50  }
0x52: {  	v31 =	vor.u32 v31, v32  }
0x53: {  	v32 =	vperm.xlane v31, v11;
	_ =	sdelay $0x1  }
0x54: {  	v31 =	vperm.xlane v31, v13;
	v32 =	vadd.s32 v12, v32;
	_ =	sdelay $0x1  }
0x55: {  	v31 =	vadd.s32 v12, v31;
	_ =	sdelay $0x1  }
0x56: {  	s30 =	simm.s32 $0xC80  }
0x57: {  	[tilespmem:s30], [sflag:$0x1] =	stream.indirect_vreg.gather [hbm4b:s6+s4], $0x80, v32, vm0, $0xb8;
	[tilespmem:$0x10880] =	vst v63  }
0x58: {  	s30 =	simm.s32 $0x2C80  }
0x59: {  	[tilespmem:s30], [sflag:$0x1] =	stream.indirect_vreg.gather [hbm4b:s6+s4], $0x80, v31, vm0, $0xb8;
	[tilespmem:$0x10880] =	vst v63  }
0x5a: {  	v31 =	vld [tilespmem:$0x110];
	_ =	sdelay $0x4  }
0x5b: {  	v51 =	vshll.u32 v31, $0x3  }
0x5c: {  	v31 =	vand.u32 $0x7, v31;
	v32 =	vand.u32 $0xFFFFFFC0, v51  }
0x5d: {  	v31 =	vor.u32 v31, v32  }
0x5e: {  	v32 =	vperm.xlane v31, v11;
	_ =	sdelay $0x1  }
0x5f: {  	v31 =	vperm.xlane v31, v13;
	v32 =	vadd.s32 v12, v32;
	_ =	sdelay $0x1  }
0x60: {  	v31 =	vadd.s32 v12, v31;
	_ =	sdelay $0x1  }
0x61: {  	s30 =	simm.s32 $0x4C80  }
0x62: {  	[tilespmem:s30], [sflag:$0x1] =	stream.indirect_vreg.gather [hbm4b:s6+s4], $0x80, v32, vm0, $0xb8;
	[tilespmem:$0x10880] =	vst v63  }
0x63: {  	s30 =	simm.s32 $0x6C80  }
0x64: {  	[tilespmem:s30], [sflag:$0x1] =	stream.indirect_vreg.gather [hbm4b:s6+s4], $0x80, v31, vm0, $0xb8;
	[tilespmem:$0x10880] =	vst v63  }
0x65: {  	v31 =	vld [tilespmem:$0x180];
	_ =	sdelay $0x4  }
0x66: {  	v52 =	vshll.u32 v31, $0x3  }
0x67: {  	v31 =	vand.u32 $0x7, v31;
	v32 =	vand.u32 $0xFFFFFFC0, v52  }
0x68: {  	v31 =	vor.u32 v31, v32  }
0x69: {  	v32 =	vperm.xlane v31, v11;
	_ =	sdelay $0x1  }
0x6a: {  	v31 =	vperm.xlane v31, v13;
	v32 =	vadd.s32 v12, v32;
	_ =	sdelay $0x1  }
0x6b: {  	v31 =	vadd.s32 v12, v31;
	_ =	sdelay $0x1  }
0x6c: {  	s30 =	simm.s32 $0x1080  }
0x6d: {  	[tilespmem:s30], [sflag:$0x1] =	stream.indirect_vreg.gather [hbm4b:s7+s4], $0x80, v32, vm0, $0xb8;
	[tilespmem:$0x10880] =	vst v63  }
0x6e: {  	s30 =	simm.s32 $0x3080  }
0x6f: {  	[tilespmem:s30], [sflag:$0x1] =	stream.indirect_vreg.gather [hbm4b:s7+s4], $0x80, v31, vm0, $0xb8;
	[tilespmem:$0x10880] =	vst v63  }
0x70: {  	v31 =	vld [tilespmem:$0x190];
	_ =	sdelay $0x4  }
0x71: {  	v53 =	vshll.u32 v31, $0x3  }
0x72: {  	v31 =	vand.u32 $0x7, v31;
	v32 =	vand.u32 $0xFFFFFFC0, v53  }
0x73: {  	v31 =	vor.u32 v31, v32  }
0x74: {  	v32 =	vperm.xlane v31, v11;
	_ =	sdelay $0x1  }
0x75: {  	v31 =	vperm.xlane v31, v13;
	v32 =	vadd.s32 v12, v32;
	_ =	sdelay $0x1  }
0x76: {  	v31 =	vadd.s32 v12, v31;
	_ =	sdelay $0x1  }
0x77: {  	s30 =	simm.s32 $0x5080  }
0x78: {  	[tilespmem:s30], [sflag:$0x1] =	stream.indirect_vreg.gather [hbm4b:s7+s4], $0x80, v32, vm0, $0xb8;
	[tilespmem:$0x10880] =	vst v63  }
0x79: {  	s30 =	simm.s32 $0x7080  }
0x7a: {  	[tilespmem:s30], [sflag:$0x1] =	stream.indirect_vreg.gather [hbm4b:s7+s4], $0x80, v31, vm0, $0xb8;
	[tilespmem:$0x10880] =	vst v63  }
0x7b: {  	v31 =	vld [tilespmem:$0x200];
	_ =	sdelay $0x4  }
0x7c: {  	v54 =	vshll.u32 v31, $0x3  }
0x7d: {  	v31 =	vand.u32 $0x7, v31;
	v32 =	vand.u32 $0xFFFFFFC0, v54  }
0x7e: {  	v31 =	vor.u32 v31, v32  }
0x7f: {  	v32 =	vperm.xlane v31, v11;
	_ =	sdelay $0x1  }
0x80: {  	v31 =	vperm.xlane v31, v13;
	v32 =	vadd.s32 v12, v32;
	_ =	sdelay $0x1  }
0x81: {  	v31 =	vadd.s32 v12, v31;
	_ =	sdelay $0x1  }
0x82: {  	s30 =	simm.s32 $0x1480  }
0x83: {  	[tilespmem:s30], [sflag:$0x1] =	stream.indirect_vreg.gather [hbm4b:s8+s4], $0x80, v32, vm0, $0xb8;
	[tilespmem:$0x10880] =	vst v63  }
0x84: {  	s30 =	simm.s32 $0x3480  }
0x85: {  	[tilespmem:s30], [sflag:$0x1] =	stream.indirect_vreg.gather [hbm4b:s8+s4], $0x80, v31, vm0, $0xb8;
	[tilespmem:$0x10880] =	vst v63  }
0x86: {  	v31 =	vld [tilespmem:$0x210];
	_ =	sdelay $0x4  }
0x87: {  	v55 =	vshll.u32 v31, $0x3  }
0x88: {  	v31 =	vand.u32 $0x7, v31;
	v32 =	vand.u32 $0xFFFFFFC0, v55  }
0x89: {  	v31 =	vor.u32 v31, v32  }
0x8a: {  	v32 =	vperm.xlane v31, v11;
	_ =	sdelay $0x1  }
0x8b: {  	v31 =	vperm.xlane v31, v13;
	v32 =	vadd.s32 v12, v32;
	_ =	sdelay $0x1  }
0x8c: {  	v31 =	vadd.s32 v12, v31;
	_ =	sdelay $0x1  }
0x8d: {  	s30 =	simm.s32 $0x5480  }
0x8e: {  	[tilespmem:s30], [sflag:$0x1] =	stream.indirect_vreg.gather [hbm4b:s8+s4], $0x80, v32, vm0, $0xb8;
	[tilespmem:$0x10880] =	vst v63  }
0x8f: {  	s30 =	simm.s32 $0x7480  }
0x90: {  	[tilespmem:s30], [sflag:$0x1] =	stream.indirect_vreg.gather [hbm4b:s8+s4], $0x80, v31, vm0, $0xb8;
	[tilespmem:$0x10880] =	vst v63  }
0x91: {  	v31 =	vld [tilespmem:$0x280];
	_ =	sdelay $0x4  }
0x92: {  	v56 =	vshll.u32 v31, $0x3  }
0x93: {  	v31 =	vand.u32 $0x7, v31;
	v32 =	vand.u32 $0xFFFFFFC0, v56  }
0x94: {  	v31 =	vor.u32 v31, v32  }
0x95: {  	v32 =	vperm.xlane v31, v11;
	_ =	sdelay $0x1  }
0x96: {  	v31 =	vperm.xlane v31, v13;
	v32 =	vadd.s32 v12, v32;
	_ =	sdelay $0x1  }
0x97: {  	v31 =	vadd.s32 v12, v31;
	_ =	sdelay $0x1  }
0x98: {  	s30 =	simm.s32 $0x1880  }
0x99: {  	[tilespmem:s30], [sflag:$0x1] =	stream.indirect_vreg.gather [hbm4b:s9+s4], $0x80, v32, vm0, $0xb8;
	[tilespmem:$0x10880] =	vst v63  }
0x9a: {  	s30 =	simm.s32 $0x3880  }
0x9b: {  	[tilespmem:s30], [sflag:$0x1] =	stream.indirect_vreg.gather [hbm4b:s9+s4], $0x80, v31, vm0, $0xb8;
	[tilespmem:$0x10880] =	vst v63  }
0x9c: {  	v31 =	vld [tilespmem:$0x290];
	_ =	sdelay $0x4  }
0x9d: {  	v57 =	vshll.u32 v31, $0x3  }
0x9e: {  	v31 =	vand.u32 $0x7, v31;
	v32 =	vand.u32 $0xFFFFFFC0, v57  }
0x9f: {  	v31 =	vor.u32 v31, v32  }
0xa0: {  	v32 =	vperm.xlane v31, v11;
	_ =	sdelay $0x1  }
0xa1: {  	v31 =	vperm.xlane v31, v13;
	v32 =	vadd.s32 v12, v32;
	_ =	sdelay $0x1  }
0xa2: {  	v31 =	vadd.s32 v12, v31;
	_ =	sdelay $0x1  }
0xa3: {  	s30 =	simm.s32 $0x5880  }
0xa4: {  	[tilespmem:s30], [sflag:$0x1] =	stream.indirect_vreg.gather [hbm4b:s9+s4], $0x80, v32, vm0, $0xb8;
	[tilespmem:$0x10880] =	vst v63  }
0xa5: {  	s30 =	simm.s32 $0x7880  }
0xa6: {  	[tilespmem:s30], [sflag:$0x1] =	stream.indirect_vreg.gather [hbm4b:s9+s4], $0x80, v31, vm0, $0xb8;
	[tilespmem:$0x10880] =	vst v63  }
0xa7: {  	v31 =	vld [tilespmem:$0x300];
	_ =	sdelay $0x4  }
0xa8: {  	v58 =	vshll.u32 v31, $0x3  }
0xa9: {  	v31 =	vand.u32 $0x7, v31;
	v32 =	vand.u32 $0xFFFFFFC0, v58  }
0xaa: {  	v31 =	vor.u32 v31, v32  }
0xab: {  	v32 =	vperm.xlane v31, v11;
	_ =	sdelay $0x1  }
0xac: {  	v31 =	vperm.xlane v31, v13;
	v32 =	vadd.s32 v12, v32;
	_ =	sdelay $0x1  }
0xad: {  	v31 =	vadd.s32 v12, v31;
	_ =	sdelay $0x1  }
0xae: {  	s30 =	simm.s32 $0x1C80  }
0xaf: {  	[tilespmem:s30], [sflag:$0x1] =	stream.indirect_vreg.gather [hbm4b:s10+s4], $0x80, v32, vm0, $0xb8;
	[tilespmem:$0x10880] =	vst v63  }
0xb0: {  	_ = 	snop  }
0xb1: {  	[tilespmem:s21], [sflag:$0x1] =	stream.indirect_vreg.gather [hbm4b:s10+s4], $0x80, v31, vm0, $0xb8;
	[tilespmem:$0x10880] =	vst v63  }
0xb2: {  	v31 =	vld [tilespmem:$0x310];
	_ =	sdelay $0x4  }
0xb3: {  	v59 =	vshll.u32 v31, $0x3  }
0xb4: {  	v31 =	vand.u32 $0x7, v31;
	v32 =	vand.u32 $0xFFFFFFC0, v59  }
0xb5: {  	v31 =	vor.u32 v31, v32  }
0xb6: {  	v32 =	vperm.xlane v31, v11;
	_ =	sdelay $0x1  }
0xb7: {  	v31 =	vperm.xlane v31, v13;
	v32 =	vadd.s32 v12, v32;
	_ =	sdelay $0x1  }
0xb8: {  	v31 =	vadd.s32 v12, v31;
	_ =	sdelay $0x2  }
0xb9: {  	[tilespmem:s22], [sflag:$0x1] =	stream.indirect_vreg.gather [hbm4b:s10+s4], $0x80, v32, vm0, $0xb8;
	[tilespmem:$0x10880] =	vst v63  }
0xba: {  	_ = 	snop  }
0xbb: {  	[tilespmem:s23], [sflag:$0x1] =	stream.indirect_vreg.gather [hbm4b:s10+s4], $0x80, v31, vm0, $0xb8;
	[tilespmem:$0x10880] =	vst v63  }
0xbc: {  	v31 =	vld [tilespmem:$0x380];
	_ =	sdelay $0x4  }
0xbd: {  	v60 =	vshll.u32 v31, $0x3  }
0xbe: {  	v31 =	vand.u32 $0x7, v31;
	v32 =	vand.u32 $0xFFFFFFC0, v60  }
0xbf: {  	v31 =	vor.u32 v31, v32  }
0xc0: {  	v32 =	vperm.xlane v31, v11;
	_ =	sdelay $0x1  }
0xc1: {  	v31 =	vperm.xlane v31, v13;
	v32 =	vadd.s32 v12, v32;
	_ =	sdelay $0x1  }
0xc2: {  	v31 =	vadd.s32 v12, v31;
	_ =	sdelay $0x2  }
0xc3: {  	[tilespmem:s24], [sflag:$0x1] =	stream.indirect_vreg.gather [hbm4b:s15+s4], $0x80, v32, vm0, $0xb8;
	[tilespmem:$0x10880] =	vst v63  }
0xc4: {  	_ = 	snop  }
0xc5: {  	[tilespmem:s25], [sflag:$0x1] =	stream.indirect_vreg.gather [hbm4b:s15+s4], $0x80, v31, vm0, $0xb8;
	[tilespmem:$0x10880] =	vst v63  }
0xc6: {  	v31 =	vld [tilespmem:$0x390];
	_ =	sdelay $0x4  }
0xc7: {  	v61 =	vshll.u32 v31, $0x3  }
0xc8: {  	v31 =	vand.u32 $0x7, v31;
	v32 =	vand.u32 $0xFFFFFFC0, v61  }
0xc9: {  	v31 =	vor.u32 v31, v32  }
0xca: {  	v32 =	vperm.xlane v31, v11;
	_ =	sdelay $0x1  }
0xcb: {  	v31 =	vperm.xlane v31, v13;
	v32 =	vadd.s32 v12, v32;
	_ =	sdelay $0x1  }
0xcc: {  	v31 =	vadd.s32 v12, v31;
	_ =	sdelay $0x2  }
0xcd: {  	[tilespmem:s12], [sflag:$0x1] =	stream.indirect_vreg.gather [hbm4b:s15+s4], $0x80, v32, vm0, $0xb8;
	[tilespmem:$0x10880] =	vst v63  }
0xce: {  	_ = 	snop  }
0xcf: {  	[tilespmem:s13], [sflag:$0x1] =	stream.indirect_vreg.gather [hbm4b:s15+s4], $0x80, v31, vm0, $0xb8;
	[tilespmem:$0x10880] =	vst v63  }
0xd0: {  	v31 =	vld [tilespmem:$0x400];
	_ =	sdelay $0x4  }
0xd1: {  	v62 =	vshll.u32 v31, $0x3  }
0xd2: {  	v31 =	vand.u32 $0x7, v31;
	v32 =	vand.u32 $0xFFFFFFC0, v62  }
0xd3: {  	v31 =	vor.u32 v31, v32  }
0xd4: {  	v32 =	vperm.xlane v31, v11;
	_ =	sdelay $0x1  }
0xd5: {  	v31 =	vperm.xlane v31, v13;
	v32 =	vadd.s32 v12, v32;
	_ =	sdelay $0x1  }
0xd6: {  	v31 =	vadd.s32 v12, v31;
	_ =	sdelay $0x2  }
0xd7: {  	[tilespmem:s14], [sflag:$0x1] =	stream.indirect_vreg.gather [hbm4b:s16+s4], $0x80, v32, vm0, $0xb8;
	[tilespmem:$0x10880] =	vst v63  }
0xd8: {  	_ = 	snop  }
0xd9: {  	[tilespmem:s11], [sflag:$0x1] =	stream.indirect_vreg.gather [hbm4b:s16+s4], $0x80, v31, vm0, $0xb8;
	[tilespmem:$0x10880] =	vst v63  }
0xda: {  	v31 =	vld [tilespmem:$0x410];
	_ =	sdelay $0x4  }
0xdb: {  	v63 =	vshll.u32 v31, $0x3  }
0xdc: {  	v31 =	vand.u32 $0x7, v31;
	v32 =	vand.u32 $0xFFFFFFC0, v63  }
0xdd: {  	v31 =	vor.u32 v31, v32  }
0xde: {  	v32 =	vperm.xlane v31, v11;
	_ =	sdelay $0x1  }
0xdf: {  	v31 =	vperm.xlane v31, v13;
	v32 =	vadd.s32 v12, v32;
	_ =	sdelay $0x1  }
0xe0: {  	v31 =	vadd.s32 v12, v31;
	_ =	sdelay $0x1  }
0xe1: {  	s0 =	simm.s32 $0x4880  }
0xe2: {  	[tilespmem:s19], [sflag:$0x1] =	stream.indirect_vreg.gather [hbm4b:s16+s4], $0x80, v32, vm0, $0xb8;
	[tilespmem:$0x10880] =	vst v63  }
0xe3: {  	s28 =	simm.s32 $0x40;
	s29 =	rddreg [dreg:$0x4];
	s31 =	simm.s32 $0x2880  }
0xe4: {  	[tilespmem:s20], [sflag:$0x1] =	stream.indirect_vreg.gather [hbm4b:s16+s4], $0x80, v31, vm0, $0xb8;
	[tilespmem:$0x10880] =	vst v63  }
.LBB2_2:
0xe5: {  	s30 =	sadd.s32 $0xFFFFFFE0, s28  }
0xe6: {  	v31 =	vadd.s32 s30, v27;
	v32 =	vadd.s32 s30, v28;
	v33 =	vadd.s32 s30, v25  }
0xe7: {  	v34 =	vadd.s32 s30, v24;
	v35 =	vadd.s32 s30, v23;
	v36 =	vadd.s32 s30, v22  }
0xe8: {  	v40 =	vadd.s32 s30, v21;
	v43 =	vadd.s32 s30, v20;
	v31 =	vand.u32 $0x7FF, v31  }
0xe9: {  	v46 =	vadd.s32 s30, v19;
	v32 =	vand.u32 $0x7FF, v32;
	v31 =	vor.u32 v0, v31  }
0xea: {  	v49 =	vadd.s32 s30, v17;
	v33 =	vand.u32 $0x7FF, v33;
	v32 =	vor.u32 v0, v32;
	[tilespmem:$0x480] =	vst v31  }
0xeb: {  	v52 =	vadd.s32 s30, v18;
	v34 =	vand.u32 $0x7FF, v34;
	v33 =	vor.u32 v0, v33;
	[tilespmem:$0x490] =	vst v32  }
0xec: {  	v56 =	vadd.s32 s30, v14;
	v35 =	vand.u32 $0x7FF, v35;
	v34 =	vor.u32 v0, v34;
	[tilespmem:$0x500] =	vst v33  }
0xed: {  	v58 =	vadd.s32 s30, v15;
	v63 =	vand.u32 $0x7FF, v36;
	v62 =	vor.u32 v0, v35;
	[tilespmem:$0x510] =	vst v34  }
0xee: {  	v60 =	vadd.s32 s30, v16;
	v42 =	vand.u32 $0x7FF, v40;
	v41 =	vor.u32 v0, v63;
	[tilespmem:$0x580] =	vst v62  }
0xef: {  	v38 =	vadd.s32 s30, v29;
	v45 =	vand.u32 $0x7FF, v43;
	v44 =	vor.u32 v0, v42;
	[tilespmem:$0x590] =	vst v41  }
0xf0: {  	v48 =	vand.u32 $0x7FF, v46;
	v47 =	vor.u32 v0, v45;
	[tilespmem:$0x600] =	vst v44;
	v31 =	vshll.u32 v31, $0x3  }
0xf1: {  	v51 =	vand.u32 $0x7FF, v49;
	v50 =	vor.u32 v0, v48;
	[tilespmem:$0x610] =	vst v47;
	v31 =	vand.u32 $0xFFFFFFC0, v31  }
0xf2: {  	v54 =	vand.u32 $0x7FF, v52;
	v53 =	vor.u32 v0, v51;
	[tilespmem:$0x680] =	vst v50;
	v31 =	vor.u32 v26, v31  }
0xf3: {  	v59 =	vand.u32 $0x7FF, v58;
	v55 =	vor.u32 v0, v54;
	[tilespmem:$0x690] =	vst v53;
	v61 =	vperm.xlane v31, v11  }
0xf4: {  	v57 =	vand.u32 $0x7FF, v56;
	v37 =	vand.u32 $0x7FF, v60;
	v63 =	vor.u32 v0, v59;
	[tilespmem:$0x700] =	vst v55  }
0xf5: {  	v40 =	vor.u32 v0, v37;
	[tilespmem:$0x780] =	vst v63;
	v31 =	vperm.xlane v31, v13;
	v39 =	vadd.s32 v12, v61  }
0xf6: {  	v62 =	vor.u32 v0, v57;
	v32 =	vand.u32 $0x7FF, v38;
	v41 =	vadd.s32 s30, v30;
	[tilespmem:$0x790] =	vst v40  }
0xf7: {  	[tilespmem:$0x710] =	vst v62;
	v32 =	vor.u32 v0, v32;
	v42 =	vand.u32 $0x7FF, v41;
	v31 =	vadd.s32 v12, v31  }
0xf8: {  	[tilespmem:$0x800] =	vst v32;
	v43 =	vor.u32 v0, v42  }
0xf9: {  	[tilespmem:$0x810] =	vst v43  }
0xfa: {  	[tilespmem:s2], [sflag:$0x2] =	stream.indirect_vreg.gather [hbm4b:s1+s4], $0x80, v39, vm0, $0xb8;
	[tilespmem:$0x10880] =	vst v63  }
0xfb: {  	s30 =	simm.s32 $0xA880  }
0xfc: {  	[tilespmem:s30], [sflag:$0x2] =	stream.indirect_vreg.gather [hbm4b:s1+s4], $0x80, v31, vm0, $0xb8;
	[tilespmem:$0x10880] =	vst v63  }
0xfd: {  	v31 =	vld [tilespmem:$0x490];
	_ =	sdelay $0x4  }
0xfe: {  	v44 =	vshll.u32 v31, $0x3  }
0xff: {  	v31 =	vand.u32 $0x7, v31;
	v32 =	vand.u32 $0xFFFFFFC0, v44  }
0x100: {  	v31 =	vor.u32 v31, v32  }
0x101: {  	v32 =	vperm.xlane v31, v11;
	_ =	sdelay $0x1  }
0x102: {  	v31 =	vperm.xlane v31, v13;
	v32 =	vadd.s32 v12, v32;
	_ =	sdelay $0x1  }
0x103: {  	v31 =	vadd.s32 v12, v31;
	_ =	sdelay $0x1  }
0x104: {  	s30 =	simm.s32 $0xC880  }
0x105: {  	[tilespmem:s30], [sflag:$0x2] =	stream.indirect_vreg.gather [hbm4b:s1+s4], $0x80, v32, vm0, $0xb8;
	[tilespmem:$0x10880] =	vst v63  }
0x106: {  	s30 =	simm.s32 $0xE880  }
0x107: {  	[tilespmem:s30], [sflag:$0x2] =	stream.indirect_vreg.gather [hbm4b:s1+s4], $0x80, v31, vm0, $0xb8;
	[tilespmem:$0x10880] =	vst v63  }
0x108: {  	v31 =	vld [tilespmem:$0x500];
	_ =	sdelay $0x4  }
0x109: {  	v45 =	vshll.u32 v31, $0x3  }
0x10a: {  	v31 =	vand.u32 $0x7, v31;
	v32 =	vand.u32 $0xFFFFFFC0, v45  }
0x10b: {  	v31 =	vor.u32 v31, v32  }
0x10c: {  	v32 =	vperm.xlane v31, v11;
	_ =	sdelay $0x1  }
0x10d: {  	v31 =	vperm.xlane v31, v13;
	v32 =	vadd.s32 v12, v32;
	_ =	sdelay $0x1  }
0x10e: {  	v31 =	vadd.s32 v12, v31;
	_ =	sdelay $0x1  }
0x10f: {  	s30 =	simm.s32 $0x8C80  }
0x110: {  	[tilespmem:s30], [sflag:$0x2] =	stream.indirect_vreg.gather [hbm4b:s6+s4], $0x80, v32, vm0, $0xb8;
	[tilespmem:$0x10880] =	vst v63  }
0x111: {  	s30 =	simm.s32 $0xAC80  }
0x112: {  	[tilespmem:s30], [sflag:$0x2] =	stream.indirect_vreg.gather [hbm4b:s6+s4], $0x80, v31, vm0, $0xb8;
	[tilespmem:$0x10880] =	vst v63  }
0x113: {  	v31 =	vld [tilespmem:$0x510];
	_ =	sdelay $0x4  }
0x114: {  	v46 =	vshll.u32 v31, $0x3  }
0x115: {  	v31 =	vand.u32 $0x7, v31;
	v32 =	vand.u32 $0xFFFFFFC0, v46  }
0x116: {  	v31 =	vor.u32 v31, v32  }
0x117: {  	v32 =	vperm.xlane v31, v11;
	_ =	sdelay $0x1  }
0x118: {  	v31 =	vperm.xlane v31, v13;
	v32 =	vadd.s32 v12, v32;
	_ =	sdelay $0x1  }
0x119: {  	v31 =	vadd.s32 v12, v31;
	_ =	sdelay $0x1  }
0x11a: {  	s30 =	simm.s32 $0xCC80  }
0x11b: {  	[tilespmem:s30], [sflag:$0x2] =	stream.indirect_vreg.gather [hbm4b:s6+s4], $0x80, v32, vm0, $0xb8;
	[tilespmem:$0x10880] =	vst v63  }
0x11c: {  	s30 =	simm.s32 $0xEC80  }
0x11d: {  	[tilespmem:s30], [sflag:$0x2] =	stream.indirect_vreg.gather [hbm4b:s6+s4], $0x80, v31, vm0, $0xb8;
	[tilespmem:$0x10880] =	vst v63  }
0x11e: {  	v31 =	vld [tilespmem:$0x580];
	_ =	sdelay $0x4  }
0x11f: {  	v47 =	vshll.u32 v31, $0x3  }
0x120: {  	v31 =	vand.u32 $0x7, v31;
	v32 =	vand.u32 $0xFFFFFFC0, v47  }
0x121: {  	v31 =	vor.u32 v31, v32  }
0x122: {  	v32 =	vperm.xlane v31, v11;
	_ =	sdelay $0x1  }
0x123: {  	v31 =	vperm.xlane v31, v13;
	v32 =	vadd.s32 v12, v32;
	_ =	sdelay $0x1  }
0x124: {  	v31 =	vadd.s32 v12, v31;
	_ =	sdelay $0x1  }
0x125: {  	s30 =	simm.s32 $0x9080  }
0x126: {  	[tilespmem:s30], [sflag:$0x2] =	stream.indirect_vreg.gather [hbm4b:s7+s4], $0x80, v32, vm0, $0xb8;
	[tilespmem:$0x10880] =	vst v63  }
0x127: {  	s30 =	simm.s32 $0xB080  }
0x128: {  	[tilespmem:s30], [sflag:$0x2] =	stream.indirect_vreg.gather [hbm4b:s7+s4], $0x80, v31, vm0, $0xb8;
	[tilespmem:$0x10880] =	vst v63  }
0x129: {  	v31 =	vld [tilespmem:$0x590];
	_ =	sdelay $0x4  }
0x12a: {  	v48 =	vshll.u32 v31, $0x3  }
0x12b: {  	v31 =	vand.u32 $0x7, v31;
	v32 =	vand.u32 $0xFFFFFFC0, v48  }
0x12c: {  	v31 =	vor.u32 v31, v32  }
0x12d: {  	v32 =	vperm.xlane v31, v11;
	_ =	sdelay $0x1  }
0x12e: {  	v31 =	vperm.xlane v31, v13;
	v32 =	vadd.s32 v12, v32;
	_ =	sdelay $0x1  }
0x12f: {  	v31 =	vadd.s32 v12, v31;
	_ =	sdelay $0x1  }
0x130: {  	s30 =	simm.s32 $0xD080  }
0x131: {  	[tilespmem:s30], [sflag:$0x2] =	stream.indirect_vreg.gather [hbm4b:s7+s4], $0x80, v32, vm0, $0xb8;
	[tilespmem:$0x10880] =	vst v63  }
0x132: {  	s30 =	simm.s32 $0xF080  }
0x133: {  	[tilespmem:s30], [sflag:$0x2] =	stream.indirect_vreg.gather [hbm4b:s7+s4], $0x80, v31, vm0, $0xb8;
	[tilespmem:$0x10880] =	vst v63  }
0x134: {  	v31 =	vld [tilespmem:$0x600];
	_ =	sdelay $0x4  }
0x135: {  	v49 =	vshll.u32 v31, $0x3  }
0x136: {  	v31 =	vand.u32 $0x7, v31;
	v32 =	vand.u32 $0xFFFFFFC0, v49  }
0x137: {  	v31 =	vor.u32 v31, v32  }
0x138: {  	v32 =	vperm.xlane v31, v11;
	_ =	sdelay $0x1  }
0x139: {  	v31 =	vperm.xlane v31, v13;
	v32 =	vadd.s32 v12, v32;
	_ =	sdelay $0x1  }
0x13a: {  	v31 =	vadd.s32 v12, v31;
	_ =	sdelay $0x1  }
0x13b: {  	s30 =	simm.s32 $0x9480  }
0x13c: {  	[tilespmem:s30], [sflag:$0x2] =	stream.indirect_vreg.gather [hbm4b:s8+s4], $0x80, v32, vm0, $0xb8;
	[tilespmem:$0x10880] =	vst v63  }
0x13d: {  	s30 =	simm.s32 $0xB480  }
0x13e: {  	[tilespmem:s30], [sflag:$0x2] =	stream.indirect_vreg.gather [hbm4b:s8+s4], $0x80, v31, vm0, $0xb8;
	[tilespmem:$0x10880] =	vst v63  }
0x13f: {  	v31 =	vld [tilespmem:$0x610];
	_ =	sdelay $0x4  }
0x140: {  	v50 =	vshll.u32 v31, $0x3  }
0x141: {  	v31 =	vand.u32 $0x7, v31;
	v32 =	vand.u32 $0xFFFFFFC0, v50  }
0x142: {  	v31 =	vor.u32 v31, v32  }
0x143: {  	v32 =	vperm.xlane v31, v11;
	_ =	sdelay $0x1  }
0x144: {  	v31 =	vperm.xlane v31, v13;
	v32 =	vadd.s32 v12, v32;
	_ =	sdelay $0x1  }
0x145: {  	v31 =	vadd.s32 v12, v31;
	_ =	sdelay $0x1  }
0x146: {  	s30 =	simm.s32 $0xD480  }
0x147: {  	[tilespmem:s30], [sflag:$0x2] =	stream.indirect_vreg.gather [hbm4b:s8+s4], $0x80, v32, vm0, $0xb8;
	[tilespmem:$0x10880] =	vst v63  }
0x148: {  	s30 =	simm.s32 $0xF480  }
0x149: {  	[tilespmem:s30], [sflag:$0x2] =	stream.indirect_vreg.gather [hbm4b:s8+s4], $0x80, v31, vm0, $0xb8;
	[tilespmem:$0x10880] =	vst v63  }
0x14a: {  	v31 =	vld [tilespmem:$0x680];
	_ =	sdelay $0x4  }
0x14b: {  	v51 =	vshll.u32 v31, $0x3  }
0x14c: {  	v31 =	vand.u32 $0x7, v31;
	v32 =	vand.u32 $0xFFFFFFC0, v51  }
0x14d: {  	v31 =	vor.u32 v31, v32  }
0x14e: {  	v32 =	vperm.xlane v31, v11;
	_ =	sdelay $0x1  }
0x14f: {  	v31 =	vperm.xlane v31, v13;
	v32 =	vadd.s32 v12, v32;
	_ =	sdelay $0x1  }
0x150: {  	v31 =	vadd.s32 v12, v31;
	_ =	sdelay $0x1  }
0x151: {  	s30 =	simm.s32 $0x9880  }
0x152: {  	[tilespmem:s30], [sflag:$0x2] =	stream.indirect_vreg.gather [hbm4b:s9+s4], $0x80, v32, vm0, $0xb8;
	[tilespmem:$0x10880] =	vst v63  }
0x153: {  	s30 =	simm.s32 $0xB880  }
0x154: {  	[tilespmem:s30], [sflag:$0x2] =	stream.indirect_vreg.gather [hbm4b:s9+s4], $0x80, v31, vm0, $0xb8;
	[tilespmem:$0x10880] =	vst v63  }
0x155: {  	v31 =	vld [tilespmem:$0x690];
	_ =	sdelay $0x4  }
0x156: {  	v52 =	vshll.u32 v31, $0x3  }
0x157: {  	v31 =	vand.u32 $0x7, v31;
	v32 =	vand.u32 $0xFFFFFFC0, v52  }
0x158: {  	v31 =	vor.u32 v31, v32  }
0x159: {  	v32 =	vperm.xlane v31, v11;
	_ =	sdelay $0x1  }
0x15a: {  	v31 =	vperm.xlane v31, v13;
	v32 =	vadd.s32 v12, v32;
	_ =	sdelay $0x1  }
0x15b: {  	v31 =	vadd.s32 v12, v31;
	_ =	sdelay $0x1  }
0x15c: {  	s30 =	simm.s32 $0xD880  }
0x15d: {  	[tilespmem:s30], [sflag:$0x2] =	stream.indirect_vreg.gather [hbm4b:s9+s4], $0x80, v32, vm0, $0xb8;
	[tilespmem:$0x10880] =	vst v63  }
0x15e: {  	s30 =	simm.s32 $0xF880  }
0x15f: {  	[tilespmem:s30], [sflag:$0x2] =	stream.indirect_vreg.gather [hbm4b:s9+s4], $0x80, v31, vm0, $0xb8;
	[tilespmem:$0x10880] =	vst v63  }
0x160: {  	v31 =	vld [tilespmem:$0x700];
	_ =	sdelay $0x4  }
0x161: {  	v53 =	vshll.u32 v31, $0x3  }
0x162: {  	v31 =	vand.u32 $0x7, v31;
	v32 =	vand.u32 $0xFFFFFFC0, v53  }
0x163: {  	v31 =	vor.u32 v31, v32  }
0x164: {  	v32 =	vperm.xlane v31, v11;
	_ =	sdelay $0x1  }
0x165: {  	v31 =	vperm.xlane v31, v13;
	v32 =	vadd.s32 v12, v32;
	_ =	sdelay $0x1  }
0x166: {  	v31 =	vadd.s32 v12, v31;
	_ =	sdelay $0x1  }
0x167: {  	s30 =	simm.s32 $0x9C80  }
0x168: {  	[tilespmem:s30], [sflag:$0x2] =	stream.indirect_vreg.gather [hbm4b:s10+s4], $0x80, v32, vm0, $0xb8;
	[tilespmem:$0x10880] =	vst v63  }
0x169: {  	s30 =	simm.s32 $0xBC80  }
0x16a: {  	[tilespmem:s30], [sflag:$0x2] =	stream.indirect_vreg.gather [hbm4b:s10+s4], $0x80, v31, vm0, $0xb8;
	[tilespmem:$0x10880] =	vst v63  }
0x16b: {  	v31 =	vld [tilespmem:$0x710];
	_ =	sdelay $0x4  }
0x16c: {  	v54 =	vshll.u32 v31, $0x3  }
0x16d: {  	v31 =	vand.u32 $0x7, v31;
	v32 =	vand.u32 $0xFFFFFFC0, v54  }
0x16e: {  	v31 =	vor.u32 v31, v32  }
0x16f: {  	v32 =	vperm.xlane v31, v11;
	_ =	sdelay $0x1  }
0x170: {  	v31 =	vperm.xlane v31, v13;
	v32 =	vadd.s32 v12, v32;
	_ =	sdelay $0x1  }
0x171: {  	v31 =	vadd.s32 v12, v31;
	_ =	sdelay $0x1  }
0x172: {  	s30 =	simm.s32 $0xDC80  }
0x173: {  	[tilespmem:s30], [sflag:$0x2] =	stream.indirect_vreg.gather [hbm4b:s10+s4], $0x80, v32, vm0, $0xb8;
	[tilespmem:$0x10880] =	vst v63  }
0x174: {  	s30 =	simm.s32 $0xFC80  }
0x175: {  	[tilespmem:s30], [sflag:$0x2] =	stream.indirect_vreg.gather [hbm4b:s10+s4], $0x80, v31, vm0, $0xb8;
	[tilespmem:$0x10880] =	vst v63  }
0x176: {  	v31 =	vld [tilespmem:$0x780];
	_ =	sdelay $0x4  }
0x177: {  	v55 =	vshll.u32 v31, $0x3  }
0x178: {  	v31 =	vand.u32 $0x7, v31;
	v32 =	vand.u32 $0xFFFFFFC0, v55  }
0x179: {  	v31 =	vor.u32 v31, v32  }
0x17a: {  	v32 =	vperm.xlane v31, v11;
	_ =	sdelay $0x1  }
0x17b: {  	v31 =	vperm.xlane v31, v13;
	v32 =	vadd.s32 v12, v32;
	_ =	sdelay $0x1  }
0x17c: {  	v31 =	vadd.s32 v12, v31;
	_ =	sdelay $0x1  }
0x17d: {  	s30 =	simm.s32 $0xA080  }
0x17e: {  	[tilespmem:s30], [sflag:$0x2] =	stream.indirect_vreg.gather [hbm4b:s15+s4], $0x80, v32, vm0, $0xb8;
	[tilespmem:$0x10880] =	vst v63  }
0x17f: {  	s30 =	simm.s32 $0xC080  }
0x180: {  	[tilespmem:s30], [sflag:$0x2] =	stream.indirect_vreg.gather [hbm4b:s15+s4], $0x80, v31, vm0, $0xb8;
	[tilespmem:$0x10880] =	vst v63  }
0x181: {  	v31 =	vld [tilespmem:$0x790];
	_ =	sdelay $0x4  }
0x182: {  	v56 =	vshll.u32 v31, $0x3  }
0x183: {  	v31 =	vand.u32 $0x7, v31;
	v32 =	vand.u32 $0xFFFFFFC0, v56  }
0x184: {  	v31 =	vor.u32 v31, v32  }
0x185: {  	v32 =	vperm.xlane v31, v11;
	_ =	sdelay $0x1  }
0x186: {  	v31 =	vperm.xlane v31, v13;
	v32 =	vadd.s32 v12, v32;
	_ =	sdelay $0x1  }
0x187: {  	v31 =	vadd.s32 v12, v31;
	_ =	sdelay $0x1  }
0x188: {  	s30 =	simm.s32 $0xE080  }
0x189: {  	[tilespmem:s30], [sflag:$0x2] =	stream.indirect_vreg.gather [hbm4b:s15+s4], $0x80, v32, vm0, $0xb8;
	[tilespmem:$0x10880] =	vst v63  }
0x18a: {  	s30 =	simm.s32 $0x10080  }
0x18b: {  	[tilespmem:s30], [sflag:$0x2] =	stream.indirect_vreg.gather [hbm4b:s15+s4], $0x80, v31, vm0, $0xb8;
	[tilespmem:$0x10880] =	vst v63  }
0x18c: {  	v31 =	vld [tilespmem:$0x800];
	_ =	sdelay $0x4  }
0x18d: {  	v57 =	vshll.u32 v31, $0x3  }
0x18e: {  	v31 =	vand.u32 $0x7, v31;
	v32 =	vand.u32 $0xFFFFFFC0, v57  }
0x18f: {  	v31 =	vor.u32 v31, v32  }
0x190: {  	v32 =	vperm.xlane v31, v11;
	_ =	sdelay $0x1  }
0x191: {  	v31 =	vperm.xlane v31, v13;
	v32 =	vadd.s32 v12, v32;
	_ =	sdelay $0x1  }
0x192: {  	v31 =	vadd.s32 v12, v31;
	_ =	sdelay $0x1  }
0x193: {  	s30 =	simm.s32 $0xA480  }
0x194: {  	[tilespmem:s30], [sflag:$0x2] =	stream.indirect_vreg.gather [hbm4b:s16+s4], $0x80, v32, vm0, $0xb8;
	[tilespmem:$0x10880] =	vst v63  }
0x195: {  	s30 =	simm.s32 $0xC480  }
0x196: {  	[tilespmem:s30], [sflag:$0x2] =	stream.indirect_vreg.gather [hbm4b:s16+s4], $0x80, v31, vm0, $0xb8;
	[tilespmem:$0x10880] =	vst v63  }
0x197: {  	v31 =	vld [tilespmem:$0x810];
	_ =	sdelay $0x4  }
0x198: {  	v58 =	vshll.u32 v31, $0x3  }
0x199: {  	v31 =	vand.u32 $0x7, v31;
	v32 =	vand.u32 $0xFFFFFFC0, v58  }
0x19a: {  	v31 =	vor.u32 v31, v32  }
0x19b: {  	v32 =	vperm.xlane v31, v11;
	_ =	sdelay $0x1  }
0x19c: {  	v31 =	vperm.xlane v31, v13;
	v32 =	vadd.s32 v12, v32;
	_ =	sdelay $0x1  }
0x19d: {  	v31 =	vadd.s32 v12, v31;
	_ =	sdelay $0x1  }
0x19e: {  	s30 =	simm.s32 $0xE480  }
0x19f: {  	[tilespmem:s30], [sflag:$0x2] =	stream.indirect_vreg.gather [hbm4b:s16+s4], $0x80, v32, vm0, $0xb8;
	[tilespmem:$0x10880] =	vst v63  }
0x1a0: {  	s30 =	simm.s32 $0x10480  }
0x1a1: {  	[tilespmem:s30], [sflag:$0x2] =	stream.indirect_vreg.gather [hbm4b:s16+s4], $0x80, v31, vm0, $0xb8;
	[tilespmem:$0x10880] =	vst v63  }
0x1a2: {  	_ =	swait.ge [sflag:s5], $0x8000  }
0x1a3: {  	[sflag:s5] =	ssyncset.done $0x0  }
0x1a4: {  	v60 =	vadd.s32 s28, v25;
	[sflag:s5] =	ssyncadd.s32 $0xFFFF8000  }
0x1a5: {  	v59 =	vadd.s32 s28, v28;
	v33 =	vand.u32 $0x7FF, v60;
	[hbm4b:s29+s4] =	stream.linear.scatter [tilespmem:s18], [sflag:$0x3], $0x8000, $0x38;
	[tilespmem:$0x10880] =	vst v63  }
0x1a6: {  	v63 =	vadd.s32 s28, v22;
	v60 =	vadd.s32 s28, v15;
	v31 =	vadd.s32 s28, v27;
	_ =	swait.ge [sflag:s17], $0x8000  }
0x1a7: {  	v33 =	vor.u32 v0, v33;
	v62 =	vadd.s32 s28, v23;
	v31 =	vand.u32 $0x7FF, v31;
	[sflag:s17] =	ssyncset.done $0x0  }
0x1a8: {  	v41 =	vand.u32 $0x7FF, v63;
	v32 =	vand.u32 $0x7FF, v59;
	v31 =	vor.u32 v0, v31;
	[sflag:s17] =	ssyncadd.s32 $0xFFFF8000  }
0x1a9: {  	v35 =	vand.u32 $0x7FF, v62;
	v61 =	vadd.s32 s28, v24;
	v32 =	vor.u32 v0, v32;
	[tilespmem:$0x80] =	vst v31  }
0x1aa: {  	v42 =	vadd.s32 s28, v21;
	v62 =	vadd.s32 s28, v16;
	v34 =	vand.u32 $0x7FF, v61;
	[tilespmem:$0x90] =	vst v32  }
0x1ab: {  	v40 =	vor.u32 v0, v35;
	v43 =	vor.u32 v0, v41;
	v34 =	vor.u32 v0, v34;
	[tilespmem:$0x100] =	vst v33  }
0x1ac: {  	v61 =	vand.u32 $0x7FF, v60;
	v44 =	vand.u32 $0x7FF, v42;
	v45 =	vadd.s32 s28, v20;
	[tilespmem:$0x110] =	vst v34  }
0x1ad: {  	v42 =	vand.u32 $0x7FF, v62;
	v47 =	vand.u32 $0x7FF, v45;
	v48 =	vadd.s32 s28, v19;
	[tilespmem:$0x180] =	vst v40  }
0x1ae: {  	v46 =	vor.u32 v0, v44;
	v49 =	vor.u32 v0, v47;
	v50 =	vand.u32 $0x7FF, v48;
	[tilespmem:$0x190] =	vst v43  }
0x1af: {  	v51 =	vadd.s32 s28, v17;
	v52 =	vor.u32 v0, v50;
	[tilespmem:$0x200] =	vst v46;
	v31 =	vshll.u32 v31, $0x3  }
0x1b0: {  	v53 =	vand.u32 $0x7FF, v51;
	v54 =	vadd.s32 s28, v18;
	[tilespmem:$0x210] =	vst v49;
	v31 =	vand.u32 $0xFFFFFFC0, v31  }
0x1b1: {  	v55 =	vor.u32 v0, v53;
	v56 =	vand.u32 $0x7FF, v54;
	[tilespmem:$0x280] =	vst v52;
	v31 =	vor.u32 v26, v31  }
0x1b2: {  	v57 =	vor.u32 v0, v56;
	v58 =	vadd.s32 s28, v14;
	[tilespmem:$0x290] =	vst v55;
	v63 =	vperm.xlane v31, v11  }
0x1b3: {  	v41 =	vor.u32 v0, v61;
	v45 =	vor.u32 v0, v42;
	v59 =	vand.u32 $0x7FF, v58;
	[tilespmem:$0x300] =	vst v57  }
0x1b4: {  	v43 =	vadd.s32 s28, v29;
	[tilespmem:$0x380] =	vst v41;
	v31 =	vperm.xlane v31, v13;
	v44 =	vadd.s32 v12, v63  }
0x1b5: {  	v40 =	vor.u32 v0, v59;
	v46 =	vadd.s32 s28, v30;
	[tilespmem:$0x390] =	vst v45;
	v32 =	vand.u32 $0x7FF, v43  }
0x1b6: {  	[tilespmem:$0x310] =	vst v40;
	v47 =	vand.u32 $0x7FF, v46;
	v32 =	vor.u32 v0, v32;
	v31 =	vadd.s32 v12, v31  }
0x1b7: {  	v48 =	vor.u32 v0, v47;
	[tilespmem:$0x400] =	vst v32  }
0x1b8: {  	[tilespmem:$0x410] =	vst v48  }
0x1b9: {  	[tilespmem:s18], [sflag:$0x1] =	stream.indirect_vreg.gather [hbm4b:s1+s4], $0x80, v44, vm0, $0xb8;
	[tilespmem:$0x10880] =	vst v63  }
0x1ba: {  	_ = 	snop  }
0x1bb: {  	[tilespmem:s31], [sflag:$0x1] =	stream.indirect_vreg.gather [hbm4b:s1+s4], $0x80, v31, vm0, $0xb8;
	[tilespmem:$0x10880] =	vst v63  }
0x1bc: {  	v31 =	vld [tilespmem:$0x90];
	_ =	sdelay $0x4  }
0x1bd: {  	v49 =	vshll.u32 v31, $0x3  }
0x1be: {  	v31 =	vand.u32 $0x7, v31;
	v32 =	vand.u32 $0xFFFFFFC0, v49  }
0x1bf: {  	v31 =	vor.u32 v31, v32  }
0x1c0: {  	v32 =	vperm.xlane v31, v11;
	_ =	sdelay $0x1  }
0x1c1: {  	v31 =	vperm.xlane v31, v13;
	v32 =	vadd.s32 v12, v32;
	_ =	sdelay $0x1  }
0x1c2: {  	v31 =	vadd.s32 v12, v31;
	_ =	sdelay $0x2  }
0x1c3: {  	[tilespmem:s0], [sflag:$0x1] =	stream.indirect_vreg.gather [hbm4b:s1+s4], $0x80, v32, vm0, $0xb8;
	[tilespmem:$0x10880] =	vst v63  }
0x1c4: {  	_ = 	snop  }
0x1c5: {  	[tilespmem:s3], [sflag:$0x1] =	stream.indirect_vreg.gather [hbm4b:s1+s4], $0x80, v31, vm0, $0xb8;
	[tilespmem:$0x10880] =	vst v63  }
0x1c6: {  	v31 =	vld [tilespmem:$0x100];
	_ =	sdelay $0x4  }
0x1c7: {  	v50 =	vshll.u32 v31, $0x3  }
0x1c8: {  	v31 =	vand.u32 $0x7, v31;
	v32 =	vand.u32 $0xFFFFFFC0, v50  }
0x1c9: {  	v31 =	vor.u32 v31, v32  }
0x1ca: {  	v32 =	vperm.xlane v31, v11;
	_ =	sdelay $0x1  }
0x1cb: {  	v31 =	vperm.xlane v31, v13;
	v32 =	vadd.s32 v12, v32;
	_ =	sdelay $0x1  }
0x1cc: {  	v31 =	vadd.s32 v12, v31;
	_ =	sdelay $0x1  }
0x1cd: {  	s30 =	simm.s32 $0xC80  }
0x1ce: {  	[tilespmem:s30], [sflag:$0x1] =	stream.indirect_vreg.gather [hbm4b:s6+s4], $0x80, v32, vm0, $0xb8;
	[tilespmem:$0x10880] =	vst v63  }
0x1cf: {  	s30 =	simm.s32 $0x2C80  }
0x1d0: {  	[tilespmem:s30], [sflag:$0x1] =	stream.indirect_vreg.gather [hbm4b:s6+s4], $0x80, v31, vm0, $0xb8;
	[tilespmem:$0x10880] =	vst v63  }
0x1d1: {  	v31 =	vld [tilespmem:$0x110];
	_ =	sdelay $0x4  }
0x1d2: {  	v51 =	vshll.u32 v31, $0x3  }
0x1d3: {  	v31 =	vand.u32 $0x7, v31;
	v32 =	vand.u32 $0xFFFFFFC0, v51  }
0x1d4: {  	v31 =	vor.u32 v31, v32  }
0x1d5: {  	v32 =	vperm.xlane v31, v11;
	_ =	sdelay $0x1  }
0x1d6: {  	v31 =	vperm.xlane v31, v13;
	v32 =	vadd.s32 v12, v32;
	_ =	sdelay $0x1  }
0x1d7: {  	v31 =	vadd.s32 v12, v31;
	_ =	sdelay $0x1  }
0x1d8: {  	s30 =	simm.s32 $0x4C80  }
0x1d9: {  	[tilespmem:s30], [sflag:$0x1] =	stream.indirect_vreg.gather [hbm4b:s6+s4], $0x80, v32, vm0, $0xb8;
	[tilespmem:$0x10880] =	vst v63  }
0x1da: {  	s30 =	simm.s32 $0x6C80  }
0x1db: {  	[tilespmem:s30], [sflag:$0x1] =	stream.indirect_vreg.gather [hbm4b:s6+s4], $0x80, v31, vm0, $0xb8;
	[tilespmem:$0x10880] =	vst v63  }
0x1dc: {  	v31 =	vld [tilespmem:$0x180];
	_ =	sdelay $0x4  }
0x1dd: {  	v52 =	vshll.u32 v31, $0x3  }
0x1de: {  	v31 =	vand.u32 $0x7, v31;
	v32 =	vand.u32 $0xFFFFFFC0, v52  }
0x1df: {  	v31 =	vor.u32 v31, v32  }
0x1e0: {  	v32 =	vperm.xlane v31, v11;
	_ =	sdelay $0x1  }
0x1e1: {  	v31 =	vperm.xlane v31, v13;
	v32 =	vadd.s32 v12, v32;
	_ =	sdelay $0x1  }
0x1e2: {  	v31 =	vadd.s32 v12, v31;
	_ =	sdelay $0x1  }
0x1e3: {  	s30 =	simm.s32 $0x1080  }
0x1e4: {  	[tilespmem:s30], [sflag:$0x1] =	stream.indirect_vreg.gather [hbm4b:s7+s4], $0x80, v32, vm0, $0xb8;
	[tilespmem:$0x10880] =	vst v63  }
0x1e5: {  	s30 =	simm.s32 $0x3080  }
0x1e6: {  	[tilespmem:s30], [sflag:$0x1] =	stream.indirect_vreg.gather [hbm4b:s7+s4], $0x80, v31, vm0, $0xb8;
	[tilespmem:$0x10880] =	vst v63  }
0x1e7: {  	v31 =	vld [tilespmem:$0x190];
	_ =	sdelay $0x4  }
0x1e8: {  	v53 =	vshll.u32 v31, $0x3  }
0x1e9: {  	v31 =	vand.u32 $0x7, v31;
	v32 =	vand.u32 $0xFFFFFFC0, v53  }
0x1ea: {  	v31 =	vor.u32 v31, v32  }
0x1eb: {  	v32 =	vperm.xlane v31, v11;
	_ =	sdelay $0x1  }
0x1ec: {  	v31 =	vperm.xlane v31, v13;
	v32 =	vadd.s32 v12, v32;
	_ =	sdelay $0x1  }
0x1ed: {  	v31 =	vadd.s32 v12, v31;
	_ =	sdelay $0x1  }
0x1ee: {  	s30 =	simm.s32 $0x5080  }
0x1ef: {  	[tilespmem:s30], [sflag:$0x1] =	stream.indirect_vreg.gather [hbm4b:s7+s4], $0x80, v32, vm0, $0xb8;
	[tilespmem:$0x10880] =	vst v63  }
0x1f0: {  	s30 =	simm.s32 $0x7080  }
0x1f1: {  	[tilespmem:s30], [sflag:$0x1] =	stream.indirect_vreg.gather [hbm4b:s7+s4], $0x80, v31, vm0, $0xb8;
	[tilespmem:$0x10880] =	vst v63  }
0x1f2: {  	v31 =	vld [tilespmem:$0x200];
	_ =	sdelay $0x4  }
0x1f3: {  	v54 =	vshll.u32 v31, $0x3  }
0x1f4: {  	v31 =	vand.u32 $0x7, v31;
	v32 =	vand.u32 $0xFFFFFFC0, v54  }
0x1f5: {  	v31 =	vor.u32 v31, v32  }
0x1f6: {  	v32 =	vperm.xlane v31, v11;
	_ =	sdelay $0x1  }
0x1f7: {  	v31 =	vperm.xlane v31, v13;
	v32 =	vadd.s32 v12, v32;
	_ =	sdelay $0x1  }
0x1f8: {  	v31 =	vadd.s32 v12, v31;
	_ =	sdelay $0x1  }
0x1f9: {  	s30 =	simm.s32 $0x1480  }
0x1fa: {  	[tilespmem:s30], [sflag:$0x1] =	stream.indirect_vreg.gather [hbm4b:s8+s4], $0x80, v32, vm0, $0xb8;
	[tilespmem:$0x10880] =	vst v63  }
0x1fb: {  	s30 =	simm.s32 $0x3480  }
0x1fc: {  	[tilespmem:s30], [sflag:$0x1] =	stream.indirect_vreg.gather [hbm4b:s8+s4], $0x80, v31, vm0, $0xb8;
	[tilespmem:$0x10880] =	vst v63  }
0x1fd: {  	v31 =	vld [tilespmem:$0x210];
	_ =	sdelay $0x4  }
0x1fe: {  	v55 =	vshll.u32 v31, $0x3  }
0x1ff: {  	v31 =	vand.u32 $0x7, v31;
	v32 =	vand.u32 $0xFFFFFFC0, v55  }
0x200: {  	v31 =	vor.u32 v31, v32  }
0x201: {  	v32 =	vperm.xlane v31, v11;
	_ =	sdelay $0x1  }
0x202: {  	v31 =	vperm.xlane v31, v13;
	v32 =	vadd.s32 v12, v32;
	_ =	sdelay $0x1  }
0x203: {  	v31 =	vadd.s32 v12, v31;
	_ =	sdelay $0x1  }
0x204: {  	s30 =	simm.s32 $0x5480  }
0x205: {  	[tilespmem:s30], [sflag:$0x1] =	stream.indirect_vreg.gather [hbm4b:s8+s4], $0x80, v32, vm0, $0xb8;
	[tilespmem:$0x10880] =	vst v63  }
0x206: {  	s30 =	simm.s32 $0x7480  }
0x207: {  	[tilespmem:s30], [sflag:$0x1] =	stream.indirect_vreg.gather [hbm4b:s8+s4], $0x80, v31, vm0, $0xb8;
	[tilespmem:$0x10880] =	vst v63  }
0x208: {  	v31 =	vld [tilespmem:$0x280];
	_ =	sdelay $0x4  }
0x209: {  	v56 =	vshll.u32 v31, $0x3  }
0x20a: {  	v31 =	vand.u32 $0x7, v31;
	v32 =	vand.u32 $0xFFFFFFC0, v56  }
0x20b: {  	v31 =	vor.u32 v31, v32  }
0x20c: {  	v32 =	vperm.xlane v31, v11;
	_ =	sdelay $0x1  }
0x20d: {  	v31 =	vperm.xlane v31, v13;
	v32 =	vadd.s32 v12, v32;
	_ =	sdelay $0x1  }
0x20e: {  	v31 =	vadd.s32 v12, v31;
	_ =	sdelay $0x1  }
0x20f: {  	s30 =	simm.s32 $0x1880  }
0x210: {  	[tilespmem:s30], [sflag:$0x1] =	stream.indirect_vreg.gather [hbm4b:s9+s4], $0x80, v32, vm0, $0xb8;
	[tilespmem:$0x10880] =	vst v63  }
0x211: {  	s30 =	simm.s32 $0x3880  }
0x212: {  	[tilespmem:s30], [sflag:$0x1] =	stream.indirect_vreg.gather [hbm4b:s9+s4], $0x80, v31, vm0, $0xb8;
	[tilespmem:$0x10880] =	vst v63  }
0x213: {  	v31 =	vld [tilespmem:$0x290];
	_ =	sdelay $0x4  }
0x214: {  	v57 =	vshll.u32 v31, $0x3  }
0x215: {  	v31 =	vand.u32 $0x7, v31;
	v32 =	vand.u32 $0xFFFFFFC0, v57  }
0x216: {  	v31 =	vor.u32 v31, v32  }
0x217: {  	v32 =	vperm.xlane v31, v11;
	_ =	sdelay $0x1  }
0x218: {  	v31 =	vperm.xlane v31, v13;
	v32 =	vadd.s32 v12, v32;
	_ =	sdelay $0x1  }
0x219: {  	v31 =	vadd.s32 v12, v31;
	_ =	sdelay $0x1  }
0x21a: {  	s30 =	simm.s32 $0x5880  }
0x21b: {  	[tilespmem:s30], [sflag:$0x1] =	stream.indirect_vreg.gather [hbm4b:s9+s4], $0x80, v32, vm0, $0xb8;
	[tilespmem:$0x10880] =	vst v63  }
0x21c: {  	s30 =	simm.s32 $0x7880  }
0x21d: {  	[tilespmem:s30], [sflag:$0x1] =	stream.indirect_vreg.gather [hbm4b:s9+s4], $0x80, v31, vm0, $0xb8;
	[tilespmem:$0x10880] =	vst v63  }
0x21e: {  	v31 =	vld [tilespmem:$0x300];
	_ =	sdelay $0x4  }
0x21f: {  	v58 =	vshll.u32 v31, $0x3  }
0x220: {  	v31 =	vand.u32 $0x7, v31;
	v32 =	vand.u32 $0xFFFFFFC0, v58  }
0x221: {  	v31 =	vor.u32 v31, v32  }
0x222: {  	v32 =	vperm.xlane v31, v11;
	_ =	sdelay $0x1  }
0x223: {  	v31 =	vperm.xlane v31, v13;
	v32 =	vadd.s32 v12, v32;
	_ =	sdelay $0x1  }
0x224: {  	v31 =	vadd.s32 v12, v31;
	_ =	sdelay $0x1  }
0x225: {  	s30 =	simm.s32 $0x1C80  }
0x226: {  	[tilespmem:s30], [sflag:$0x1] =	stream.indirect_vreg.gather [hbm4b:s10+s4], $0x80, v32, vm0, $0xb8;
	[tilespmem:$0x10880] =	vst v63  }
0x227: {  	_ = 	snop  }
0x228: {  	[tilespmem:s21], [sflag:$0x1] =	stream.indirect_vreg.gather [hbm4b:s10+s4], $0x80, v31, vm0, $0xb8;
	[tilespmem:$0x10880] =	vst v63  }
0x229: {  	v31 =	vld [tilespmem:$0x310];
	_ =	sdelay $0x4  }
0x22a: {  	v59 =	vshll.u32 v31, $0x3  }
0x22b: {  	v31 =	vand.u32 $0x7, v31;
	v32 =	vand.u32 $0xFFFFFFC0, v59  }
0x22c: {  	v31 =	vor.u32 v31, v32  }
0x22d: {  	v32 =	vperm.xlane v31, v11;
	_ =	sdelay $0x1  }
0x22e: {  	v31 =	vperm.xlane v31, v13;
	v32 =	vadd.s32 v12, v32;
	_ =	sdelay $0x1  }
0x22f: {  	v31 =	vadd.s32 v12, v31;
	_ =	sdelay $0x2  }
0x230: {  	[tilespmem:s22], [sflag:$0x1] =	stream.indirect_vreg.gather [hbm4b:s10+s4], $0x80, v32, vm0, $0xb8;
	[tilespmem:$0x10880] =	vst v63  }
0x231: {  	_ = 	snop  }
0x232: {  	[tilespmem:s23], [sflag:$0x1] =	stream.indirect_vreg.gather [hbm4b:s10+s4], $0x80, v31, vm0, $0xb8;
	[tilespmem:$0x10880] =	vst v63  }
0x233: {  	v31 =	vld [tilespmem:$0x380];
	_ =	sdelay $0x4  }
0x234: {  	v60 =	vshll.u32 v31, $0x3  }
0x235: {  	v31 =	vand.u32 $0x7, v31;
	v32 =	vand.u32 $0xFFFFFFC0, v60  }
0x236: {  	v31 =	vor.u32 v31, v32  }
0x237: {  	v32 =	vperm.xlane v31, v11;
	_ =	sdelay $0x1  }
0x238: {  	v31 =	vperm.xlane v31, v13;
	v32 =	vadd.s32 v12, v32;
	_ =	sdelay $0x1  }
0x239: {  	v31 =	vadd.s32 v12, v31;
	_ =	sdelay $0x2  }
0x23a: {  	[tilespmem:s24], [sflag:$0x1] =	stream.indirect_vreg.gather [hbm4b:s15+s4], $0x80, v32, vm0, $0xb8;
	[tilespmem:$0x10880] =	vst v63  }
0x23b: {  	_ = 	snop  }
0x23c: {  	[tilespmem:s25], [sflag:$0x1] =	stream.indirect_vreg.gather [hbm4b:s15+s4], $0x80, v31, vm0, $0xb8;
	[tilespmem:$0x10880] =	vst v63  }
0x23d: {  	v31 =	vld [tilespmem:$0x390];
	_ =	sdelay $0x4  }
0x23e: {  	v61 =	vshll.u32 v31, $0x3  }
0x23f: {  	v31 =	vand.u32 $0x7, v31;
	v32 =	vand.u32 $0xFFFFFFC0, v61  }
0x240: {  	v31 =	vor.u32 v31, v32  }
0x241: {  	v32 =	vperm.xlane v31, v11;
	_ =	sdelay $0x1  }
0x242: {  	v31 =	vperm.xlane v31, v13;
	v32 =	vadd.s32 v12, v32;
	_ =	sdelay $0x1  }
0x243: {  	v31 =	vadd.s32 v12, v31;
	_ =	sdelay $0x2  }
0x244: {  	[tilespmem:s12], [sflag:$0x1] =	stream.indirect_vreg.gather [hbm4b:s15+s4], $0x80, v32, vm0, $0xb8;
	[tilespmem:$0x10880] =	vst v63  }
0x245: {  	_ = 	snop  }
0x246: {  	[tilespmem:s13], [sflag:$0x1] =	stream.indirect_vreg.gather [hbm4b:s15+s4], $0x80, v31, vm0, $0xb8;
	[tilespmem:$0x10880] =	vst v63  }
0x247: {  	v31 =	vld [tilespmem:$0x400];
	_ =	sdelay $0x4  }
0x248: {  	v62 =	vshll.u32 v31, $0x3  }
0x249: {  	v31 =	vand.u32 $0x7, v31;
	v32 =	vand.u32 $0xFFFFFFC0, v62  }
0x24a: {  	v31 =	vor.u32 v31, v32  }
0x24b: {  	v32 =	vperm.xlane v31, v11;
	_ =	sdelay $0x1  }
0x24c: {  	v31 =	vperm.xlane v31, v13;
	v32 =	vadd.s32 v12, v32;
	_ =	sdelay $0x1  }
0x24d: {  	v31 =	vadd.s32 v12, v31;
	_ =	sdelay $0x2  }
0x24e: {  	[tilespmem:s14], [sflag:$0x1] =	stream.indirect_vreg.gather [hbm4b:s16+s4], $0x80, v32, vm0, $0xb8;
	[tilespmem:$0x10880] =	vst v63  }
0x24f: {  	_ = 	snop  }
0x250: {  	[tilespmem:s11], [sflag:$0x1] =	stream.indirect_vreg.gather [hbm4b:s16+s4], $0x80, v31, vm0, $0xb8;
	[tilespmem:$0x10880] =	vst v63  }
0x251: {  	v31 =	vld [tilespmem:$0x410];
	_ =	sdelay $0x4  }
0x252: {  	v63 =	vshll.u32 v31, $0x3  }
0x253: {  	v31 =	vand.u32 $0x7, v31;
	v32 =	vand.u32 $0xFFFFFFC0, v63  }
0x254: {  	v31 =	vor.u32 v31, v32  }
0x255: {  	v32 =	vperm.xlane v31, v11;
	_ =	sdelay $0x1  }
0x256: {  	v31 =	vperm.xlane v31, v13;
	v32 =	vadd.s32 v12, v32;
	_ =	sdelay $0x1  }
0x257: {  	v31 =	vadd.s32 v12, v31;
	_ =	sdelay $0x2  }
0x258: {  	[tilespmem:s19], [sflag:$0x1] =	stream.indirect_vreg.gather [hbm4b:s16+s4], $0x80, v32, vm0, $0xb8;
	[tilespmem:$0x10880] =	vst v63  }
0x259: {  	_ = 	snop  }
0x25a: {  	[tilespmem:s20], [sflag:$0x1] =	stream.indirect_vreg.gather [hbm4b:s16+s4], $0x80, v31, vm0, $0xb8;
	[tilespmem:$0x10880] =	vst v63  }
0x25b: {  	_ =	swait.ge [sflag:s26], $0x8000  }
0x25c: {  	p0 =	sne.s32 s28, $0x3C0;
	[sflag:s26] =	ssyncset.done $0x0  }
.Ltmp0:
0x25d: {  	s30 =	sadd.s32 $0x1000, s29;
	[sflag:s26] =	ssyncadd.s32 $0xFFFF8000;
	(pc) =	sbr.rel @p0 .LBB2_2-.Ltmp0, $4  }
0x25e: {  	[hbm4b:s30+s4] =	stream.linear.scatter [tilespmem:s2], [sflag:$0x3], $0x8000, $0x38;
	[tilespmem:$0x10880] =	vst v63  }
0x25f: {  	_ =	swait.ge [sflag:s17], $0x8000  }
0x260: {  	[sflag:s17] =	ssyncset.done $0x0  }
0x261: {  	s28 =	sadd.s32 $0x40, s28;
	s29 =	sadd.s32 $0x2000, s29;
	[sflag:s17] =	ssyncadd.s32 $0xFFFF8000  }
0x262: {  	v27 =	vadd.s32 $0x3E0, v27;
	v28 =	vadd.s32 $0x3E0, v28;
	v25 =	vadd.s32 $0x3E0, v25  }
0x263: {  	v24 =	vadd.s32 $0x3E0, v24;
	v23 =	vadd.s32 $0x3E0, v23;
	v22 =	vadd.s32 $0x3E0, v22  }
0x264: {  	v21 =	vadd.s32 $0x3E0, v21;
	v20 =	vadd.s32 $0x3E0, v20;
	v27 =	vand.u32 $0x7FF, v27  }
0x265: {  	v19 =	vadd.s32 $0x3E0, v19;
	v28 =	vand.u32 $0x7FF, v28;
	v27 =	vor.u32 v0, v27  }
0x266: {  	v17 =	vadd.s32 $0x3E0, v17;
	v25 =	vand.u32 $0x7FF, v25;
	v28 =	vor.u32 v0, v28;
	[tilespmem:$0x480] =	vst v27  }
0x267: {  	v18 =	vadd.s32 $0x3E0, v18;
	v24 =	vand.u32 $0x7FF, v24;
	v25 =	vor.u32 v0, v25;
	[tilespmem:$0x490] =	vst v28  }
0x268: {  	v14 =	vadd.s32 $0x3E0, v14;
	v23 =	vand.u32 $0x7FF, v23;
	v24 =	vor.u32 v0, v24;
	[tilespmem:$0x500] =	vst v25  }
0x269: {  	v15 =	vadd.s32 $0x3E0, v15;
	v22 =	vand.u32 $0x7FF, v22;
	v23 =	vor.u32 v0, v23;
	[tilespmem:$0x510] =	vst v24  }
0x26a: {  	v16 =	vadd.s32 $0x3E0, v16;
	v21 =	vand.u32 $0x7FF, v21;
	v22 =	vor.u32 v0, v22;
	[tilespmem:$0x580] =	vst v23  }
0x26b: {  	v20 =	vand.u32 $0x7FF, v20;
	v19 =	vand.u32 $0x7FF, v19;
	v21 =	vor.u32 v0, v21;
	[tilespmem:$0x590] =	vst v22  }
0x26c: {  	v17 =	vand.u32 $0x7FF, v17;
	v20 =	vor.u32 v0, v20;
	[tilespmem:$0x600] =	vst v21;
	v57 =	vshll.u32 v27, $0x3  }
0x26d: {  	v18 =	vand.u32 $0x7FF, v18;
	v19 =	vor.u32 v0, v19;
	[tilespmem:$0x610] =	vst v20;
	v58 =	vand.u32 $0xFFFFFFC0, v57  }
0x26e: {  	v14 =	vand.u32 $0x7FF, v14;
	v17 =	vor.u32 v0, v17;
	[tilespmem:$0x680] =	vst v19;
	v59 =	vor.u32 v26, v58  }
0x26f: {  	v15 =	vand.u32 $0x7FF, v15;
	v18 =	vor.u32 v0, v18;
	[tilespmem:$0x690] =	vst v17;
	v60 =	vperm.xlane v59, v11  }
0x270: {  	v16 =	vand.u32 $0x7FF, v16;
	v14 =	vor.u32 v0, v14;
	v15 =	vor.u32 v0, v15;
	[tilespmem:$0x700] =	vst v18  }
0x271: {  	[tilespmem:$0x710] =	vst v14;
	v14 =	vadd.s32 $0x3E0, v29;
	v61 =	vperm.xlane v59, v13;
	v17 =	vadd.s32 v12, v60  }
0x272: {  	v62 =	vadd.s32 $0x3E0, v30;
	[tilespmem:$0x780] =	vst v15;
	v15 =	vor.u32 v0, v16;
	v14 =	vand.u32 $0x7FF, v14  }
0x273: {  	[tilespmem:$0x790] =	vst v15;
	v15 =	vand.u32 $0x7FF, v62;
	v14 =	vor.u32 v0, v14;
	v63 =	vadd.s32 v12, v61  }
0x274: {  	[tilespmem:$0x800] =	vst v14;
	v14 =	vor.u32 v0, v15  }
0x275: {  	[tilespmem:$0x810] =	vst v14  }
0x276: {  	[tilespmem:s2], [sflag:$0x2] =	stream.indirect_vreg.gather [hbm4b:s1+s4], $0x80, v17, vm0, $0xb8;
	[tilespmem:$0x10880] =	vst v63  }
0x277: {  	s0 =	simm.s32 $0xA880  }
0x278: {  	[tilespmem:s0], [sflag:$0x2] =	stream.indirect_vreg.gather [hbm4b:s1+s4], $0x80, v63, vm0, $0xb8;
	[tilespmem:$0x10880] =	vst v63  }
0x279: {  	v14 =	vld [tilespmem:$0x490];
	_ =	sdelay $0x4  }
0x27a: {  	v15 =	vshll.u32 v14, $0x3  }
0x27b: {  	v14 =	vand.u32 $0x7, v14;
	v15 =	vand.u32 $0xFFFFFFC0, v15  }
0x27c: {  	v14 =	vor.u32 v14, v15  }
0x27d: {  	v15 =	vperm.xlane v14, v11;
	_ =	sdelay $0x1  }
0x27e: {  	v14 =	vperm.xlane v14, v13;
	v15 =	vadd.s32 v12, v15;
	_ =	sdelay $0x1  }
0x27f: {  	v14 =	vadd.s32 v12, v14;
	_ =	sdelay $0x1  }
0x280: {  	s28 =	simm.s32 $0xC880  }
0x281: {  	[tilespmem:s28], [sflag:$0x2] =	stream.indirect_vreg.gather [hbm4b:s1+s4], $0x80, v15, vm0, $0xb8;
	[tilespmem:$0x10880] =	vst v63  }
0x282: {  	s28 =	simm.s32 $0xE880  }
0x283: {  	[tilespmem:s28], [sflag:$0x2] =	stream.indirect_vreg.gather [hbm4b:s1+s4], $0x80, v14, vm0, $0xb8;
	[tilespmem:$0x10880] =	vst v63  }
0x284: {  	v14 =	vld [tilespmem:$0x500];
	_ =	sdelay $0x4  }
0x285: {  	v15 =	vshll.u32 v14, $0x3  }
0x286: {  	v14 =	vand.u32 $0x7, v14;
	v15 =	vand.u32 $0xFFFFFFC0, v15  }
0x287: {  	v14 =	vor.u32 v14, v15  }
0x288: {  	v15 =	vperm.xlane v14, v11;
	_ =	sdelay $0x1  }
0x289: {  	v14 =	vperm.xlane v14, v13;
	v15 =	vadd.s32 v12, v15;
	_ =	sdelay $0x1  }
0x28a: {  	v14 =	vadd.s32 v12, v14;
	_ =	sdelay $0x1  }
0x28b: {  	s28 =	simm.s32 $0x8C80  }
0x28c: {  	[tilespmem:s28], [sflag:$0x2] =	stream.indirect_vreg.gather [hbm4b:s6+s4], $0x80, v15, vm0, $0xb8;
	[tilespmem:$0x10880] =	vst v63  }
0x28d: {  	s28 =	simm.s32 $0xAC80  }
0x28e: {  	[tilespmem:s28], [sflag:$0x2] =	stream.indirect_vreg.gather [hbm4b:s6+s4], $0x80, v14, vm0, $0xb8;
	[tilespmem:$0x10880] =	vst v63  }
0x28f: {  	v14 =	vld [tilespmem:$0x510];
	_ =	sdelay $0x4  }
0x290: {  	v15 =	vshll.u32 v14, $0x3  }
0x291: {  	v14 =	vand.u32 $0x7, v14;
	v15 =	vand.u32 $0xFFFFFFC0, v15  }
0x292: {  	v14 =	vor.u32 v14, v15  }
0x293: {  	v15 =	vperm.xlane v14, v11;
	_ =	sdelay $0x1  }
0x294: {  	v14 =	vperm.xlane v14, v13;
	v15 =	vadd.s32 v12, v15;
	_ =	sdelay $0x1  }
0x295: {  	v14 =	vadd.s32 v12, v14;
	_ =	sdelay $0x1  }
0x296: {  	s28 =	simm.s32 $0xCC80  }
0x297: {  	[tilespmem:s28], [sflag:$0x2] =	stream.indirect_vreg.gather [hbm4b:s6+s4], $0x80, v15, vm0, $0xb8;
	[tilespmem:$0x10880] =	vst v63  }
0x298: {  	s28 =	simm.s32 $0xEC80  }
0x299: {  	[tilespmem:s28], [sflag:$0x2] =	stream.indirect_vreg.gather [hbm4b:s6+s4], $0x80, v14, vm0, $0xb8;
	[tilespmem:$0x10880] =	vst v63  }
0x29a: {  	v14 =	vld [tilespmem:$0x580];
	_ =	sdelay $0x4  }
0x29b: {  	v15 =	vshll.u32 v14, $0x3  }
0x29c: {  	v14 =	vand.u32 $0x7, v14;
	v15 =	vand.u32 $0xFFFFFFC0, v15  }
0x29d: {  	v14 =	vor.u32 v14, v15  }
0x29e: {  	v15 =	vperm.xlane v14, v11;
	_ =	sdelay $0x1  }
0x29f: {  	v14 =	vperm.xlane v14, v13;
	v15 =	vadd.s32 v12, v15;
	_ =	sdelay $0x1  }
0x2a0: {  	v14 =	vadd.s32 v12, v14;
	_ =	sdelay $0x1  }
0x2a1: {  	s28 =	simm.s32 $0x9080  }
0x2a2: {  	[tilespmem:s28], [sflag:$0x2] =	stream.indirect_vreg.gather [hbm4b:s7+s4], $0x80, v15, vm0, $0xb8;
	[tilespmem:$0x10880] =	vst v63  }
0x2a3: {  	s28 =	simm.s32 $0xB080  }
0x2a4: {  	[tilespmem:s28], [sflag:$0x2] =	stream.indirect_vreg.gather [hbm4b:s7+s4], $0x80, v14, vm0, $0xb8;
	[tilespmem:$0x10880] =	vst v63  }
0x2a5: {  	v14 =	vld [tilespmem:$0x590];
	_ =	sdelay $0x4  }
0x2a6: {  	v15 =	vshll.u32 v14, $0x3  }
0x2a7: {  	v14 =	vand.u32 $0x7, v14;
	v15 =	vand.u32 $0xFFFFFFC0, v15  }
0x2a8: {  	v14 =	vor.u32 v14, v15  }
0x2a9: {  	v15 =	vperm.xlane v14, v11;
	_ =	sdelay $0x1  }
0x2aa: {  	v14 =	vperm.xlane v14, v13;
	v15 =	vadd.s32 v12, v15;
	_ =	sdelay $0x1  }
0x2ab: {  	v14 =	vadd.s32 v12, v14;
	_ =	sdelay $0x1  }
0x2ac: {  	s28 =	simm.s32 $0xD080  }
0x2ad: {  	[tilespmem:s28], [sflag:$0x2] =	stream.indirect_vreg.gather [hbm4b:s7+s4], $0x80, v15, vm0, $0xb8;
	[tilespmem:$0x10880] =	vst v63  }
0x2ae: {  	s28 =	simm.s32 $0xF080  }
0x2af: {  	[tilespmem:s28], [sflag:$0x2] =	stream.indirect_vreg.gather [hbm4b:s7+s4], $0x80, v14, vm0, $0xb8;
	[tilespmem:$0x10880] =	vst v63  }
0x2b0: {  	v14 =	vld [tilespmem:$0x600];
	_ =	sdelay $0x4  }
0x2b1: {  	v15 =	vshll.u32 v14, $0x3  }
0x2b2: {  	v14 =	vand.u32 $0x7, v14;
	v15 =	vand.u32 $0xFFFFFFC0, v15  }
0x2b3: {  	v14 =	vor.u32 v14, v15  }
0x2b4: {  	v15 =	vperm.xlane v14, v11;
	_ =	sdelay $0x1  }
0x2b5: {  	v14 =	vperm.xlane v14, v13;
	v15 =	vadd.s32 v12, v15;
	_ =	sdelay $0x1  }
0x2b6: {  	v14 =	vadd.s32 v12, v14;
	_ =	sdelay $0x1  }
0x2b7: {  	s28 =	simm.s32 $0x9480  }
0x2b8: {  	[tilespmem:s28], [sflag:$0x2] =	stream.indirect_vreg.gather [hbm4b:s8+s4], $0x80, v15, vm0, $0xb8;
	[tilespmem:$0x10880] =	vst v63  }
0x2b9: {  	s28 =	simm.s32 $0xB480  }
0x2ba: {  	[tilespmem:s28], [sflag:$0x2] =	stream.indirect_vreg.gather [hbm4b:s8+s4], $0x80, v14, vm0, $0xb8;
	[tilespmem:$0x10880] =	vst v63  }
0x2bb: {  	v14 =	vld [tilespmem:$0x610];
	_ =	sdelay $0x4  }
0x2bc: {  	v15 =	vshll.u32 v14, $0x3  }
0x2bd: {  	v14 =	vand.u32 $0x7, v14;
	v15 =	vand.u32 $0xFFFFFFC0, v15  }
0x2be: {  	v14 =	vor.u32 v14, v15  }
0x2bf: {  	v15 =	vperm.xlane v14, v11;
	_ =	sdelay $0x1  }
0x2c0: {  	v14 =	vperm.xlane v14, v13;
	v15 =	vadd.s32 v12, v15;
	_ =	sdelay $0x1  }
0x2c1: {  	v14 =	vadd.s32 v12, v14;
	_ =	sdelay $0x1  }
0x2c2: {  	s28 =	simm.s32 $0xD480  }
0x2c3: {  	[tilespmem:s28], [sflag:$0x2] =	stream.indirect_vreg.gather [hbm4b:s8+s4], $0x80, v15, vm0, $0xb8;
	[tilespmem:$0x10880] =	vst v63  }
0x2c4: {  	s28 =	simm.s32 $0xF480  }
0x2c5: {  	[tilespmem:s28], [sflag:$0x2] =	stream.indirect_vreg.gather [hbm4b:s8+s4], $0x80, v14, vm0, $0xb8;
	[tilespmem:$0x10880] =	vst v63  }
0x2c6: {  	v14 =	vld [tilespmem:$0x680];
	_ =	sdelay $0x4  }
0x2c7: {  	v15 =	vshll.u32 v14, $0x3  }
0x2c8: {  	v14 =	vand.u32 $0x7, v14;
	v15 =	vand.u32 $0xFFFFFFC0, v15  }
0x2c9: {  	v14 =	vor.u32 v14, v15  }
0x2ca: {  	v15 =	vperm.xlane v14, v11;
	_ =	sdelay $0x1  }
0x2cb: {  	v14 =	vperm.xlane v14, v13;
	v15 =	vadd.s32 v12, v15;
	_ =	sdelay $0x1  }
0x2cc: {  	v14 =	vadd.s32 v12, v14;
	_ =	sdelay $0x1  }
0x2cd: {  	s28 =	simm.s32 $0x9880  }
0x2ce: {  	[tilespmem:s28], [sflag:$0x2] =	stream.indirect_vreg.gather [hbm4b:s9+s4], $0x80, v15, vm0, $0xb8;
	[tilespmem:$0x10880] =	vst v63  }
0x2cf: {  	s28 =	simm.s32 $0xB880  }
0x2d0: {  	[tilespmem:s28], [sflag:$0x2] =	stream.indirect_vreg.gather [hbm4b:s9+s4], $0x80, v14, vm0, $0xb8;
	[tilespmem:$0x10880] =	vst v63  }
0x2d1: {  	v14 =	vld [tilespmem:$0x690];
	_ =	sdelay $0x4  }
0x2d2: {  	v15 =	vshll.u32 v14, $0x3  }
0x2d3: {  	v14 =	vand.u32 $0x7, v14;
	v15 =	vand.u32 $0xFFFFFFC0, v15  }
0x2d4: {  	v14 =	vor.u32 v14, v15  }
0x2d5: {  	v15 =	vperm.xlane v14, v11;
	_ =	sdelay $0x1  }
0x2d6: {  	v14 =	vperm.xlane v14, v13;
	v15 =	vadd.s32 v12, v15;
	_ =	sdelay $0x1  }
0x2d7: {  	v14 =	vadd.s32 v12, v14;
	_ =	sdelay $0x1  }
0x2d8: {  	s28 =	simm.s32 $0xD880  }
0x2d9: {  	[tilespmem:s28], [sflag:$0x2] =	stream.indirect_vreg.gather [hbm4b:s9+s4], $0x80, v15, vm0, $0xb8;
	[tilespmem:$0x10880] =	vst v63  }
0x2da: {  	s28 =	simm.s32 $0xF880  }
0x2db: {  	[tilespmem:s28], [sflag:$0x2] =	stream.indirect_vreg.gather [hbm4b:s9+s4], $0x80, v14, vm0, $0xb8;
	[tilespmem:$0x10880] =	vst v63  }
0x2dc: {  	v14 =	vld [tilespmem:$0x700];
	_ =	sdelay $0x4  }
0x2dd: {  	v15 =	vshll.u32 v14, $0x3  }
0x2de: {  	v14 =	vand.u32 $0x7, v14;
	v15 =	vand.u32 $0xFFFFFFC0, v15  }
0x2df: {  	v14 =	vor.u32 v14, v15  }
0x2e0: {  	v15 =	vperm.xlane v14, v11;
	_ =	sdelay $0x1  }
0x2e1: {  	v14 =	vperm.xlane v14, v13;
	v15 =	vadd.s32 v12, v15;
	_ =	sdelay $0x1  }
0x2e2: {  	v14 =	vadd.s32 v12, v14;
	_ =	sdelay $0x1  }
0x2e3: {  	s28 =	simm.s32 $0x9C80  }
0x2e4: {  	[tilespmem:s28], [sflag:$0x2] =	stream.indirect_vreg.gather [hbm4b:s10+s4], $0x80, v15, vm0, $0xb8;
	[tilespmem:$0x10880] =	vst v63  }
0x2e5: {  	s28 =	simm.s32 $0xBC80  }
0x2e6: {  	[tilespmem:s28], [sflag:$0x2] =	stream.indirect_vreg.gather [hbm4b:s10+s4], $0x80, v14, vm0, $0xb8;
	[tilespmem:$0x10880] =	vst v63  }
0x2e7: {  	v14 =	vld [tilespmem:$0x710];
	_ =	sdelay $0x4  }
0x2e8: {  	v15 =	vshll.u32 v14, $0x3  }
0x2e9: {  	v14 =	vand.u32 $0x7, v14;
	v15 =	vand.u32 $0xFFFFFFC0, v15  }
0x2ea: {  	v14 =	vor.u32 v14, v15  }
0x2eb: {  	v15 =	vperm.xlane v14, v11;
	_ =	sdelay $0x1  }
0x2ec: {  	v14 =	vperm.xlane v14, v13;
	v15 =	vadd.s32 v12, v15;
	_ =	sdelay $0x1  }
0x2ed: {  	v14 =	vadd.s32 v12, v14;
	_ =	sdelay $0x1  }
0x2ee: {  	s28 =	simm.s32 $0xDC80  }
0x2ef: {  	[tilespmem:s28], [sflag:$0x2] =	stream.indirect_vreg.gather [hbm4b:s10+s4], $0x80, v15, vm0, $0xb8;
	[tilespmem:$0x10880] =	vst v63  }
0x2f0: {  	s28 =	simm.s32 $0xFC80  }
0x2f1: {  	[tilespmem:s28], [sflag:$0x2] =	stream.indirect_vreg.gather [hbm4b:s10+s4], $0x80, v14, vm0, $0xb8;
	[tilespmem:$0x10880] =	vst v63  }
0x2f2: {  	v14 =	vld [tilespmem:$0x780];
	_ =	sdelay $0x4  }
0x2f3: {  	v15 =	vshll.u32 v14, $0x3  }
0x2f4: {  	v14 =	vand.u32 $0x7, v14;
	v15 =	vand.u32 $0xFFFFFFC0, v15  }
0x2f5: {  	v14 =	vor.u32 v14, v15  }
0x2f6: {  	v15 =	vperm.xlane v14, v11;
	_ =	sdelay $0x1  }
0x2f7: {  	v14 =	vperm.xlane v14, v13;
	v15 =	vadd.s32 v12, v15;
	_ =	sdelay $0x1  }
0x2f8: {  	v14 =	vadd.s32 v12, v14;
	_ =	sdelay $0x1  }
0x2f9: {  	s28 =	simm.s32 $0xA080  }
0x2fa: {  	[tilespmem:s28], [sflag:$0x2] =	stream.indirect_vreg.gather [hbm4b:s15+s4], $0x80, v15, vm0, $0xb8;
	[tilespmem:$0x10880] =	vst v63  }
0x2fb: {  	s28 =	simm.s32 $0xC080  }
0x2fc: {  	[tilespmem:s28], [sflag:$0x2] =	stream.indirect_vreg.gather [hbm4b:s15+s4], $0x80, v14, vm0, $0xb8;
	[tilespmem:$0x10880] =	vst v63  }
0x2fd: {  	v14 =	vld [tilespmem:$0x790];
	_ =	sdelay $0x4  }
0x2fe: {  	v15 =	vshll.u32 v14, $0x3  }
0x2ff: {  	v14 =	vand.u32 $0x7, v14;
	v15 =	vand.u32 $0xFFFFFFC0, v15  }
0x300: {  	v14 =	vor.u32 v14, v15  }
0x301: {  	v15 =	vperm.xlane v14, v11;
	_ =	sdelay $0x1  }
0x302: {  	v14 =	vperm.xlane v14, v13;
	v15 =	vadd.s32 v12, v15;
	_ =	sdelay $0x1  }
0x303: {  	v14 =	vadd.s32 v12, v14;
	_ =	sdelay $0x1  }
0x304: {  	s28 =	simm.s32 $0xE080  }
0x305: {  	[tilespmem:s28], [sflag:$0x2] =	stream.indirect_vreg.gather [hbm4b:s15+s4], $0x80, v15, vm0, $0xb8;
	[tilespmem:$0x10880] =	vst v63  }
0x306: {  	s28 =	simm.s32 $0x10080  }
0x307: {  	[tilespmem:s28], [sflag:$0x2] =	stream.indirect_vreg.gather [hbm4b:s15+s4], $0x80, v14, vm0, $0xb8;
	[tilespmem:$0x10880] =	vst v63  }
0x308: {  	v14 =	vld [tilespmem:$0x800];
	_ =	sdelay $0x4  }
0x309: {  	v15 =	vshll.u32 v14, $0x3  }
0x30a: {  	v14 =	vand.u32 $0x7, v14;
	v15 =	vand.u32 $0xFFFFFFC0, v15  }
0x30b: {  	v14 =	vor.u32 v14, v15  }
0x30c: {  	v15 =	vperm.xlane v14, v11;
	_ =	sdelay $0x1  }
0x30d: {  	v14 =	vperm.xlane v14, v13;
	v15 =	vadd.s32 v12, v15;
	_ =	sdelay $0x1  }
0x30e: {  	v14 =	vadd.s32 v12, v14;
	_ =	sdelay $0x1  }
0x30f: {  	s28 =	simm.s32 $0xA480  }
0x310: {  	[tilespmem:s28], [sflag:$0x2] =	stream.indirect_vreg.gather [hbm4b:s16+s4], $0x80, v15, vm0, $0xb8;
	[tilespmem:$0x10880] =	vst v63  }
0x311: {  	s28 =	simm.s32 $0xC480  }
0x312: {  	[tilespmem:s28], [sflag:$0x2] =	stream.indirect_vreg.gather [hbm4b:s16+s4], $0x80, v14, vm0, $0xb8;
	[tilespmem:$0x10880] =	vst v63  }
0x313: {  	v14 =	vld [tilespmem:$0x810];
	_ =	sdelay $0x4  }
0x314: {  	v15 =	vshll.u32 v14, $0x3  }
0x315: {  	v14 =	vand.u32 $0x7, v14;
	v15 =	vand.u32 $0xFFFFFFC0, v15  }
0x316: {  	v14 =	vor.u32 v14, v15  }
0x317: {  	v15 =	vperm.xlane v14, v11;
	_ =	sdelay $0x1  }
0x318: {  	v14 =	vperm.xlane v14, v13;
	v15 =	vadd.s32 v12, v15;
	_ =	sdelay $0x1  }
0x319: {  	v14 =	vadd.s32 v12, v14;
	_ =	sdelay $0x1  }
0x31a: {  	s28 =	simm.s32 $0xE480  }
0x31b: {  	[tilespmem:s28], [sflag:$0x2] =	stream.indirect_vreg.gather [hbm4b:s16+s4], $0x80, v15, vm0, $0xb8;
	[tilespmem:$0x10880] =	vst v63  }
0x31c: {  	s28 =	simm.s32 $0x10480  }
0x31d: {  	[tilespmem:s28], [sflag:$0x2] =	stream.indirect_vreg.gather [hbm4b:s16+s4], $0x80, v14, vm0, $0xb8;
	[tilespmem:$0x10880] =	vst v63  }
0x31e: {  	_ =	swait.ge [sflag:s5], $0x8000  }
0x31f: {  	[sflag:s5] =	ssyncset.done $0x0  }
0x320: {  	s28 =	rddreg [dreg:$0x5];
	[sflag:s5] =	ssyncadd.s32 $0xFFFF8000  }
0x321: {  	[hbm4b:s28+s4] =	stream.linear.scatter [tilespmem:s18], [sflag:$0x3], $0x8000, $0x38;
	[tilespmem:$0x10880] =	vst v63  }
0x322: {  	_ =	swait.ge [sflag:s17], $0x8000  }
0x323: {  	[sflag:s17] =	ssyncset.done $0x0  }
0x324: {  	[sflag:s17] =	ssyncadd.s32 $0xFFFF8000  }
0x325: {  	_ =	swait.ge [sflag:s26], $0x8000  }
0x326: {  	[sflag:s26] =	ssyncset.done $0x0  }
0x327: {  	s0 =	rddreg [dreg:$0x6];
	[sflag:s26] =	ssyncadd.s32 $0xFFFF8000  }
0x328: {  	[hbm4b:s0+s4] =	stream.linear.scatter [tilespmem:s2], [sflag:$0x3], $0x8000, $0x38;
	[tilespmem:$0x10880] =	vst v63  }
0x329: {  	_ =	swait.ge [sflag:s17], $0x8000  }
0x32a: {  	s28 =	rddreg [dreg:$0x8]  }
0x32b: {  	s0 =	sadd.s32 $0x1, s28;
	s28 =	rddreg [dreg:$0x7]  }
0x32c: {  	p0 =	sne.s32 s0, s28  }
.Ltmp1:
0x32d: {  	_ = 	snop;
	(pc) =	sbr.rel @p0 .LBB2_1-.Ltmp1, $3  }
0x32e: {  	_ =	sdelay $0x1  }
0x32f: {  	s29 =	simm.s32 $0x2880;
	[sflag:s17] =	ssyncset.done $0x0  }
0x330: {  	s30 =	simm.s32 $0x4880;
	s31 =	simm.s32 $0x6880;
	[sflag:s17] =	ssyncadd.s32 $0xFFFF8000  }
0x331: {  	_ =	sfence.sel $0x180000  }
0x332: {  	[bflag:$0x0] =	sbarrier.arrive $0xFFFF  }
0x333: {  	_ =	strace $0x90000047  }
0x334: {  	s0 =	stileid.u32;
	[bflag:$0x2] =	sbarrier.arrive $0xFFFF  }
0x335: {  	p0 =	sne.s32 s0, $0x0;
	s0 =	rddreg [dreg:$0x3]  }
0x336: {  	s0 =	sadd.s32 @!p0 $0x100000, s0  }
0x337: {  	[sflag:s0] =	ssyncadd.tile.s32 @!p0 $0x1;
	_ =	shalt  }
.Lfunc_end2:
_tile_overlayer_lowered:
.L_overlay_start_2:
0x338: {  	(tag) =	ssettag $0x2  }
0x339: {  	s0 =	rddreg [dreg:$0x0];
	s2 =	stileid.u32  }
0x33a: {  	s1 =	rddreg [dreg:$0x1];
	p0 =	sne.s32 s2, $0x0  }
0x33b: {  	s3 =	rddreg [dreg:$0x2];
	[bflag:$0x3] =	sbarrier.arrive $0xFFFF;
	s2 =	simm.s32 @!p0 $0x1C03  }
0x33c: {  	[timem:s3], [sflag:s2] =	dma.local @!p0 [hbm:s0], s1  }
0x33d: {  	s0 =	simm.s32 @!p0 $0x3  }
0x33e: {  	_ =	swait.ge @!p0 [sflag:s0], s1  }
0x33f: {  	s1 =	ssub.s32 @!p0 $0x0, s1;
	[sflag:s0] =	ssyncset.done @!p0 $0x0  }
0x340: {  	[sflag:s0] =	ssyncadd.s32 @!p0 s1  }
0x341: {  	[bflag:$0x3] =	sbarrier.arrive $0xFFFF  }
0x342: {  	_ =	shalt  }

</sc_bundles>
